<compile_context>
chip_gen: v7x
topology: tpu7x:2x2x1
jax: 0.10.2.dev20260603
libtpu: 0.0.44.dev20260713+nightly
codegen_flags: <defaults>
</compile_context>

<pallas_src>
import jax
import jax.numpy as jnp
from jax import lax
from jax.experimental import pallas as pl
from jax.experimental.pallas import tpu as pltpu, tpu_sc as plsc

NUM_CHAR = 12000
NUM_WORD = 100000
EMB = 50
EMBP = 64
B = 1024
L = 256
N = B * L
N2 = 2 * N

_info = plsc.get_sparse_core_info()
NC, NS, LANES = _info.num_cores, _info.num_subcores, _info.num_lanes
NW = NC * NS
T = N // NW
C = 256
CHUNKS = T // C
G = 128
K = (2 * C) // G


def _sc_body(comb_hbm, idxc_hbm, idxw_hbm, out_hbm, idxc_v, idxw_v,
             idx2_a, idx2_b, rows_a, rows_b, pack_v, sem_a, sem_b):
    wid = lax.axis_index("s") * NC + lax.axis_index("c")
    it = lax.iota(jnp.int32, LANES)
    m2 = it < 2
    tbase = wid * T

    pltpu.sync_copy(idxc_hbm.at[pl.ds(tbase, T)], idxc_v)
    pltpu.sync_copy(idxw_hbm.at[pl.ds(tbase, T)], idxw_v)

    def build(kk, idx2_v):
        def bd(j, carry):
            vc = idxc_v[pl.ds(kk * C + j * LANES, LANES)]
            vw = idxw_v[pl.ds(kk * C + j * LANES, LANES)] + NUM_CHAR
            pos = 2 * LANES * j + 2 * it
            plsc.store_scatter(idx2_v, [pos], vc)
            plsc.store_scatter(idx2_v, [pos + 1], vw)
            return carry
        lax.fori_loop(0, C // LANES, bd, 0)

    def fire(idx2_v, rows_v, sem):
        for g in range(K):
            pltpu.async_copy(comb_hbm.at[idx2_v.at[pl.ds(g * G, G)]],
                             rows_v.at[pl.ds(g * G, G)], sem)

    def drain(rows_v, sem):
        for g in range(K):
            pltpu.make_async_copy(comb_hbm.at[idx2_a.at[pl.ds(0, G)]],
                                  rows_v.at[pl.ds(g * G, G)], sem).wait()

    def one_token(t, rows_v):
        for jj in range(3):
            pack_v[t, pl.ds(jj * LANES, LANES)] = (
                rows_v[2 * t, pl.ds(jj * LANES, LANES)])
        tail_c = rows_v[2 * t, pl.ds(48, LANES)]
        plsc.store_compressed(pack_v.at[t, pl.ds(48, LANES)], tail_c, mask=m2)
        for jj in range(3):
            pack_v[t, pl.ds(EMB + jj * LANES, LANES)] = (
                rows_v[2 * t + 1, pl.ds(jj * LANES, LANES)])
        tail_w = rows_v[2 * t + 1, pl.ds(48, LANES)]
        plsc.store_compressed(pack_v.at[t, pl.ds(EMB + 48, LANES)], tail_w,
                              mask=m2)

    def compose_and_write(kk, rows_v):
        def cp(t4, carry):
            for u in range(4):
                one_token(4 * t4 + u, rows_v)
            return carry
        lax.fori_loop(0, C // 4, cp, 0)
        pltpu.sync_copy(pack_v, out_hbm.at[pl.ds(tbase + kk * C, C)])

    build(0, idx2_a)
    fire(idx2_a, rows_a, sem_a)

    def step(i, carry):
        kk = 2 * i
        build(kk + 1, idx2_b)
        fire(idx2_b, rows_b, sem_b)
        drain(rows_a, sem_a)
        compose_and_write(kk, rows_a)
        build(kk + 2, idx2_a)
        fire(idx2_a, rows_a, sem_a)
        drain(rows_b, sem_b)
        compose_and_write(kk + 1, rows_b)
        return carry

    lax.fori_loop(0, CHUNKS // 2 - 1, step, 0)

    kk = CHUNKS - 2
    build(kk + 1, idx2_b)
    fire(idx2_b, rows_b, sem_b)
    drain(rows_a, sem_a)
    compose_and_write(kk, rows_a)
    drain(rows_b, sem_b)
    compose_and_write(kk + 1, rows_b)


@jax.jit
def _run(comb, idxc, idxw):
    kfn = pl.kernel(
        _sc_body,
        mesh=plsc.VectorSubcoreMesh(core_axis_name="c", subcore_axis_name="s"),
        out_type=jax.ShapeDtypeStruct((N, 128), jnp.float32),
        compiler_params=pltpu.CompilerParams(needs_layout_passes=False,
                                             use_tc_tiling_on_sc=False),
        scratch_types=[
            pltpu.VMEM((T,), jnp.int32),
            pltpu.VMEM((T,), jnp.int32),
            pltpu.VMEM((2 * C,), jnp.int32),
            pltpu.VMEM((2 * C,), jnp.int32),
            pltpu.VMEM((2 * C, EMBP), jnp.float32),
            pltpu.VMEM((2 * C, EMBP), jnp.float32),
            pltpu.VMEM((C, 128), jnp.float32),
            pltpu.SemaphoreType.DMA,
            pltpu.SemaphoreType.DMA,
        ],
    )
    return kfn(comb, idxc, idxw)


def kernel(seqs_char, seqs_word, att_mask, char_table, word_table):
    del att_mask
    comb = jnp.concatenate([
        jnp.pad(char_table, ((0, 0), (0, EMBP - EMB))),
        jnp.pad(word_table, ((0, 0), (0, EMBP - EMB))),
    ], axis=0)
    idxc = seqs_char.reshape(-1).astype(jnp.int32)
    idxw = seqs_word.reshape(-1).astype(jnp.int32)
    out = _run(comb, idxc, idxw)
    return out[:, :2 * EMB].reshape(B, L, 2 * EMB)

# --- scband reference (transcript-rebuilt; emitter-appended) ---
"""Pipeline reference for scband-base-wlfencoder-53781580480738 (READ-ONLY COPY).

The authoritative reference and input builder live on the scoring server;
editing this copy changes nothing except your own understanding.
"""

import jax, jax.numpy as jnp
import numpy as np

NUM_CHAR = 12000   # char vocab incl. [UNK]/[PAD]
NUM_WORD = 100000  # word vocab incl. [UNK]/[PAD]
CHAR_SIZE = 50
WORD_SIZE = 50
B = 1024
L = 256


def setup_inputs(seed: int = 0) -> dict:
    key = jax.random.key(seed)
    k1, k2, k3, k4 = jax.random.split(key, 4)
    seqs_char = jax.random.randint(k1, (B, L), 0, NUM_CHAR, dtype=jnp.int64 if jax.config.jax_enable_x64 else jnp.int32).astype(jnp.int32)
    seqs_word = jax.random.randint(k2, (B, L), 0, NUM_WORD, dtype=jnp.int32)
    att_mask = jnp.ones((B, L), dtype=jnp.int32)
    char_table = jax.random.normal(k3, (NUM_CHAR, CHAR_SIZE), dtype=jnp.float32)
    word_table = jax.random.normal(k4, (NUM_WORD, WORD_SIZE), dtype=jnp.float32)
    return {
        "seqs_char": seqs_char,
        "seqs_word": seqs_word,
        "att_mask": att_mask,
        "char_table": char_table,
        "word_table": word_table,
    }


def reference(seqs_char, seqs_word, att_mask, char_table, word_table):
    # forward: concat(char_embedding(seqs_char), word_embedding(seqs_word)) along last dim
    char_embed = jnp.take(char_table, seqs_char, axis=0)   # (B, L, CHAR_SIZE)
    word_embed = jnp.take(word_table, seqs_word, axis=0)   # (B, L, WORD_SIZE)
    inputs_embed = jnp.concatenate([char_embed, word_embed], axis=-1)  # (B, L, CHAR_SIZE+WORD_SIZE)
    return inputs_embed

if __name__ == "__main__":
    import jax
    _d = setup_inputs()
    print(jax.jit(kernel)(*tuple(_d.values())))

</pallas_src>

<mosaic_0001>
#map = affine_map<(d0, d1) -> (0, 0)>
#map1 = affine_map<(d0, d1) -> (0)>
module attributes {stable_mosaic.version = 14 : i64} {
  func.func @_sc_body(%arg0: i32, %arg1: i32, %arg2: memref<112000x64xf32, #tpu.memory_space<hbm>>, %arg3: memref<262144xi32, #tpu.memory_space<hbm>>, %arg4: memref<262144xi32, #tpu.memory_space<hbm>>, %arg5: memref<262144x128xf32, #tpu.memory_space<hbm>>, %arg6: memref<8192xi32, #tpu.memory_space<vmem>>, %arg7: memref<8192xi32, #tpu.memory_space<vmem>>, %arg8: memref<512xi32, #tpu.memory_space<vmem>>, %arg9: memref<512xi32, #tpu.memory_space<vmem>>, %arg10: memref<512x64xf32, #tpu.memory_space<vmem>>, %arg11: memref<512x64xf32, #tpu.memory_space<vmem>>, %arg12: memref<256x128xf32, #tpu.memory_space<vmem>>, %arg13: memref<!tpu.dma_semaphore, #tpu.memory_space<semaphore_mem>>, %arg14: memref<!tpu.dma_semaphore, #tpu.memory_space<semaphore_mem>>) attributes {dimension_semantics = [#tpu.dimension_semantics<core_parallel>, #tpu.dimension_semantics<subcore_parallel>], iteration_bounds = array<i64: 2, 16>, scalar_prefetch = 0 : i64, scratch_operands = 9 : i64, tpu.core_type = #tpu.core_type<sc_vector_subcore>, window_params = [{transform_indices = #map}, {transform_indices = #map1}, {transform_indices = #map1}, {transform_indices = #map}]} {
    %mul3A = arith.constant 2 : i32
    %mul3A_0 = arith.muli %arg1, %mul3A : i32
    %add3A = arith.addi %mul3A_0, %arg0 : i32
    %iota3A = tpu.iota {dimensions = array<i32: 0>} : vector<16xi32>
    %lt3A = arith.constant 2 : i32
    %lt3A_1 = vector.broadcast %lt3A : i32 to vector<16xi32>
    %lt3A_2 = arith.cmpi slt, %iota3A, %lt3A_1 : vector<16xi32>
    %mul3A_3 = arith.constant 8192 : i32
    %mul3A_4 = arith.muli %add3A, %mul3A_3 : i32
    "tpu.region"() ({
      %run_scoped3A = tpu.sem_alloc : memref<!tpu.dma_semaphore, #tpu.memory_space<semaphore_mem>>
      %dma_start3A_164 = tpu.memref_slice %arg3[%mul3A_4] : memref<262144xi32, #tpu.memory_space<hbm>> -> memref<8192xi32, #tpu.memory_space<hbm>>
      %dma_start3A_165 = tpu.memref_slice %arg3[%mul3A_4] : memref<262144xi32, #tpu.memory_space<hbm>> -> memref<8192xi32, #tpu.memory_space<hbm>>
      tpu.enqueue_dma source(%dma_start3A_165 : memref<8192xi32, #tpu.memory_space<hbm>>) target(%arg6 : memref<8192xi32, #tpu.memory_space<vmem>>) target_semaphore(%run_scoped3A : memref<!tpu.dma_semaphore, #tpu.memory_space<semaphore_mem>>)
      %dma_wait3A_166 = tpu.memref_slice %arg3[%mul3A_4] : memref<262144xi32, #tpu.memory_space<hbm>> -> memref<8192xi32, #tpu.memory_space<hbm>>
      %dma_wait3A_167 = tpu.memref_slice %arg3[%mul3A_4] : memref<262144xi32, #tpu.memory_space<hbm>> -> memref<8192xi32, #tpu.memory_space<hbm>>
      tpu.wait_dma2 semaphore(%run_scoped3A : memref<!tpu.dma_semaphore, #tpu.memory_space<semaphore_mem>>) src(%dma_wait3A_167 : memref<8192xi32, #tpu.memory_space<hbm>>) dst(%arg6 : memref<8192xi32, #tpu.memory_space<vmem>>)
      tpu.yield
    }) : () -> ()
    "tpu.region"() ({
      %run_scoped3A = tpu.sem_alloc : memref<!tpu.dma_semaphore, #tpu.memory_space<semaphore_mem>>
      %dma_start3A_164 = tpu.memref_slice %arg4[%mul3A_4] : memref<262144xi32, #tpu.memory_space<hbm>> -> memref<8192xi32, #tpu.memory_space<hbm>>
      %dma_start3A_165 = tpu.memref_slice %arg4[%mul3A_4] : memref<262144xi32, #tpu.memory_space<hbm>> -> memref<8192xi32, #tpu.memory_space<hbm>>
      tpu.enqueue_dma source(%dma_start3A_165 : memref<8192xi32, #tpu.memory_space<hbm>>) target(%arg7 : memref<8192xi32, #tpu.memory_space<vmem>>) target_semaphore(%run_scoped3A : memref<!tpu.dma_semaphore, #tpu.memory_space<semaphore_mem>>)
      %dma_wait3A_166 = tpu.memref_slice %arg4[%mul3A_4] : memref<262144xi32, #tpu.memory_space<hbm>> -> memref<8192xi32, #tpu.memory_space<hbm>>
      %dma_wait3A_167 = tpu.memref_slice %arg4[%mul3A_4] : memref<262144xi32, #tpu.memory_space<hbm>> -> memref<8192xi32, #tpu.memory_space<hbm>>
      tpu.wait_dma2 semaphore(%run_scoped3A : memref<!tpu.dma_semaphore, #tpu.memory_space<semaphore_mem>>) src(%dma_wait3A_167 : memref<8192xi32, #tpu.memory_space<hbm>>) dst(%arg7 : memref<8192xi32, #tpu.memory_space<vmem>>)
      tpu.yield
    }) : () -> ()
    %scan3A = arith.constant 0 : i32
    %scan3A_5 = arith.constant 0 : i32
    %scan3A_6 = arith.constant 16 : i32
    %scan3A_7 = arith.addi %scan3A_5, %scan3A_6 : i32
    %scan3A_8 = arith.constant 1 : i32
    scf.for %scan3A_164 = %scan3A_5 to %scan3A_7 step %scan3A_8  : i32 {
      %mul3A_165 = arith.constant 16 : i32
      %mul3A_166 = arith.muli %scan3A_164, %mul3A_165 : i32
      %add3A_167 = arith.constant 0 : i32
      %add3A_168 = arith.addi %add3A_167, %mul3A_166 : i32
      %get3A = arith.index_cast %add3A_168 : i32 to index
      %get3A_169 = tpu.vector_load %arg6[%get3A] {strides = array<i32>} : memref<8192xi32, #tpu.memory_space<vmem>>, vector<16xi32>,
      %mul3A_170 = arith.constant 16 : i32
      %mul3A_171 = arith.muli %scan3A_164, %mul3A_170 : i32
      %add3A_172 = arith.constant 0 : i32
      %add3A_173 = arith.addi %add3A_172, %mul3A_171 : i32
      %get3A_174 = arith.index_cast %add3A_173 : i32 to index
      %get3A_175 = tpu.vector_load %arg7[%get3A_174] {strides = array<i32>} : memref<8192xi32, #tpu.memory_space<vmem>>, vector<16xi32>,
      %add3A_176 = arith.constant 12000 : i32
      %add3A_177 = vector.broadcast %add3A_176 : i32 to vector<16xi32>
      %add3A_178 = arith.addi %get3A_175, %add3A_177 : vector<16xi32>
      %mul3A_179 = arith.constant 32 : i32
      %mul3A_180 = arith.muli %mul3A_179, %scan3A_164 : i32
      %mul3A_181 = arith.constant 2 : i32
      %mul3A_182 = vector.broadcast %mul3A_181 : i32 to vector<16xi32>
      %mul3A_183 = arith.muli %mul3A_182, %iota3A : vector<16xi32>
      %add3A_184 = vector.broadcast %mul3A_180 : i32 to vector<16xi32>
      %add3A_185 = arith.addi %add3A_184, %mul3A_183 : vector<16xi32>
      tpu.vector_store_idx %arg8[%add3A_185], %get3A_169 : memref<512xi32, #tpu.memory_space<vmem>>[vector<16xi32>], vector<16xi32>,
      %add3A_186 = arith.constant 1 : i32
      %add3A_187 = vector.broadcast %add3A_186 : i32 to vector<16xi32>
      %add3A_188 = arith.addi %add3A_185, %add3A_187 : vector<16xi32>
      tpu.vector_store_idx %arg8[%add3A_188], %add3A_178 : memref<512xi32, #tpu.memory_space<vmem>>[vector<16xi32>], vector<16xi32>,
    }
    %scan3A_9 = arith.constant 16 : i32
    %dma_start3A = arith.constant 0 : i32
    %dma_start3A_10 = arith.constant 0 : i32
    %dma_start3A_11 = tpu.memref_slice %arg10[%dma_start3A, %dma_start3A_10] : memref<512x64xf32, #tpu.memory_space<vmem>> -> memref<128x64xf32, #tpu.memory_space<vmem>>
    %dma_start3A_12 = arith.constant 0 : i32
    %dma_start3A_13 = tpu.memref_slice %arg8[%dma_start3A_12] : memref<512xi32, #tpu.memory_space<vmem>> -> memref<128xi32, #tpu.memory_space<vmem>>
    %dma_start3A_14 = arith.constant 0 : i32
    %dma_start3A_15 = arith.constant 0 : i32
    %dma_start3A_16 = tpu.memref_slice %arg2[%dma_start3A_14, %dma_start3A_15] : memref<112000x64xf32, #tpu.memory_space<hbm>> -> memref<112000x64xf32, #tpu.memory_space<hbm>>
    tpu.enqueue_indirect_dma source(%dma_start3A_16 : memref<112000x64xf32, #tpu.memory_space<hbm>>) target(%dma_start3A_11 : memref<128x64xf32, #tpu.memory_space<vmem>>) offsets(%dma_start3A_13 : memref<128xi32, #tpu.memory_space<vmem>>) semaphore(%arg13 : memref<!tpu.dma_semaphore, #tpu.memory_space<semaphore_mem>>)
    %dma_start3A_17 = arith.constant 128 : i32
    %dma_start3A_18 = arith.constant 0 : i32
    %dma_start3A_19 = tpu.memref_slice %arg10[%dma_start3A_17, %dma_start3A_18] : memref<512x64xf32, #tpu.memory_space<vmem>> -> memref<128x64xf32, #tpu.memory_space<vmem>>
    %dma_start3A_20 = arith.constant 128 : i32
    %dma_start3A_21 = tpu.memref_slice %arg8[%dma_start3A_20] : memref<512xi32, #tpu.memory_space<vmem>> -> memref<128xi32, #tpu.memory_space<vmem>>
    %dma_start3A_22 = arith.constant 0 : i32
    %dma_start3A_23 = arith.constant 0 : i32
    %dma_start3A_24 = tpu.memref_slice %arg2[%dma_start3A_22, %dma_start3A_23] : memref<112000x64xf32, #tpu.memory_space<hbm>> -> memref<112000x64xf32, #tpu.memory_space<hbm>>
    tpu.enqueue_indirect_dma source(%dma_start3A_24 : memref<112000x64xf32, #tpu.memory_space<hbm>>) target(%dma_start3A_19 : memref<128x64xf32, #tpu.memory_space<vmem>>) offsets(%dma_start3A_21 : memref<128xi32, #tpu.memory_space<vmem>>) semaphore(%arg13 : memref<!tpu.dma_semaphore, #tpu.memory_space<semaphore_mem>>)
    %dma_start3A_25 = arith.constant 256 : i32
    %dma_start3A_26 = arith.constant 0 : i32
    %dma_start3A_27 = tpu.memref_slice %arg10[%dma_start3A_25, %dma_start3A_26] : memref<512x64xf32, #tpu.memory_space<vmem>> -> memref<128x64xf32, #tpu.memory_space<vmem>>
    %dma_start3A_28 = arith.constant 256 : i32
    %dma_start3A_29 = tpu.memref_slice %arg8[%dma_start3A_28] : memref<512xi32, #tpu.memory_space<vmem>> -> memref<128xi32, #tpu.memory_space<vmem>>
    %dma_start3A_30 = arith.constant 0 : i32
    %dma_start3A_31 = arith.constant 0 : i32
    %dma_start3A_32 = tpu.memref_slice %arg2[%dma_start3A_30, %dma_start3A_31] : memref<112000x64xf32, #tpu.memory_space<hbm>> -> memref<112000x64xf32, #tpu.memory_space<hbm>>
    tpu.enqueue_indirect_dma source(%dma_start3A_32 : memref<112000x64xf32, #tpu.memory_space<hbm>>) target(%dma_start3A_27 : memref<128x64xf32, #tpu.memory_space<vmem>>) offsets(%dma_start3A_29 : memref<128xi32, #tpu.memory_space<vmem>>) semaphore(%arg13 : memref<!tpu.dma_semaphore, #tpu.memory_space<semaphore_mem>>)
    %dma_start3A_33 = arith.constant 384 : i32
    %dma_start3A_34 = arith.constant 0 : i32
    %dma_start3A_35 = tpu.memref_slice %arg10[%dma_start3A_33, %dma_start3A_34] : memref<512x64xf32, #tpu.memory_space<vmem>> -> memref<128x64xf32, #tpu.memory_space<vmem>>
    %dma_start3A_36 = arith.constant 384 : i32
    %dma_start3A_37 = tpu.memref_slice %arg8[%dma_start3A_36] : memref<512xi32, #tpu.memory_space<vmem>> -> memref<128xi32, #tpu.memory_space<vmem>>
    %dma_start3A_38 = arith.constant 0 : i32
    %dma_start3A_39 = arith.constant 0 : i32
    %dma_start3A_40 = tpu.memref_slice %arg2[%dma_start3A_38, %dma_start3A_39] : memref<112000x64xf32, #tpu.memory_space<hbm>> -> memref<112000x64xf32, #tpu.memory_space<hbm>>
    tpu.enqueue_indirect_dma source(%dma_start3A_40 : memref<112000x64xf32, #tpu.memory_space<hbm>>) target(%dma_start3A_35 : memref<128x64xf32, #tpu.memory_space<vmem>>) offsets(%dma_start3A_37 : memref<128xi32, #tpu.memory_space<vmem>>) semaphore(%arg13 : memref<!tpu.dma_semaphore, #tpu.memory_space<semaphore_mem>>)
    %scan3A_41 = arith.constant 0 : i32
    %scan3A_42 = arith.constant 0 : i32
    %scan3A_43 = arith.constant 15 : i32
    %scan3A_44 = arith.addi %scan3A_42, %scan3A_43 : i32
    %scan3A_45 = arith.constant 1 : i32
    scf.for %scan3A_164 = %scan3A_42 to %scan3A_44 step %scan3A_45  : i32 {
      %mul3A_165 = arith.constant 2 : i32
      %mul3A_166 = arith.muli %mul3A_165, %scan3A_164 : i32
      %add3A_167 = arith.constant 1 : i32
      %add3A_168 = arith.addi %mul3A_166, %add3A_167 : i32
      %scan3A_169 = arith.constant 0 : i32
      %scan3A_170 = arith.constant 0 : i32
      %scan3A_171 = arith.constant 16 : i32
      %scan3A_172 = arith.addi %scan3A_170, %scan3A_171 : i32
      %scan3A_173 = arith.constant 1 : i32
      scf.for %scan3A_331 = %scan3A_170 to %scan3A_172 step %scan3A_173  : i32 {
        %mul3A_332 = arith.constant 256 : i32
        %mul3A_333 = arith.muli %add3A_168, %mul3A_332 : i32
        %mul3A_334 = arith.constant 16 : i32
        %mul3A_335 = arith.muli %scan3A_331, %mul3A_334 : i32
        %add3A_336 = arith.addi %mul3A_333, %mul3A_335 : i32
        %get3A = arith.index_cast %add3A_336 : i32 to index
        %get3A_337 = tpu.vector_load %arg6[%get3A] {strides = array<i32>} : memref<8192xi32, #tpu.memory_space<vmem>>, vector<16xi32>,
        %mul3A_338 = arith.constant 256 : i32
        %mul3A_339 = arith.muli %add3A_168, %mul3A_338 : i32
        %mul3A_340 = arith.constant 16 : i32
        %mul3A_341 = arith.muli %scan3A_331, %mul3A_340 : i32
        %add3A_342 = arith.addi %mul3A_339, %mul3A_341 : i32
        %get3A_343 = arith.index_cast %add3A_342 : i32 to index
        %get3A_344 = tpu.vector_load %arg7[%get3A_343] {strides = array<i32>} : memref<8192xi32, #tpu.memory_space<vmem>>, vector<16xi32>,
        %add3A_345 = arith.constant 12000 : i32
        %add3A_346 = vector.broadcast %add3A_345 : i32 to vector<16xi32>
        %add3A_347 = arith.addi %get3A_344, %add3A_346 : vector<16xi32>
        %mul3A_348 = arith.constant 32 : i32
        %mul3A_349 = arith.muli %mul3A_348, %scan3A_331 : i32
        %mul3A_350 = arith.constant 2 : i32
        %mul3A_351 = vector.broadcast %mul3A_350 : i32 to vector<16xi32>
        %mul3A_352 = arith.muli %mul3A_351, %iota3A : vector<16xi32>
        %add3A_353 = vector.broadcast %mul3A_349 : i32 to vector<16xi32>
        %add3A_354 = arith.addi %add3A_353, %mul3A_352 : vector<16xi32>
        tpu.vector_store_idx %arg9[%add3A_354], %get3A_337 : memref<512xi32, #tpu.memory_space<vmem>>[vector<16xi32>], vector<16xi32>,
        %add3A_355 = arith.constant 1 : i32
        %add3A_356 = vector.broadcast %add3A_355 : i32 to vector<16xi32>
        %add3A_357 = arith.addi %add3A_354, %add3A_356 : vector<16xi32>
        tpu.vector_store_idx %arg9[%add3A_357], %add3A_347 : memref<512xi32, #tpu.memory_space<vmem>>[vector<16xi32>], vector<16xi32>,
      }
      %scan3A_174 = arith.constant 16 : i32
      %dma_start3A_175 = arith.constant 0 : i32
      %dma_start3A_176 = arith.constant 0 : i32
      %dma_start3A_177 = tpu.memref_slice %arg11[%dma_start3A_175, %dma_start3A_176] : memref<512x64xf32, #tpu.memory_space<vmem>> -> memref<128x64xf32, #tpu.memory_space<vmem>>
      %dma_start3A_178 = arith.constant 0 : i32
      %dma_start3A_179 = tpu.memref_slice %arg9[%dma_start3A_178] : memref<512xi32, #tpu.memory_space<vmem>> -> memref<128xi32, #tpu.memory_space<vmem>>
      %dma_start3A_180 = arith.constant 0 : i32
      %dma_start3A_181 = arith.constant 0 : i32
      %dma_start3A_182 = tpu.memref_slice %arg2[%dma_start3A_180, %dma_start3A_181] : memref<112000x64xf32, #tpu.memory_space<hbm>> -> memref<112000x64xf32, #tpu.memory_space<hbm>>
      tpu.enqueue_indirect_dma source(%dma_start3A_182 : memref<112000x64xf32, #tpu.memory_space<hbm>>) target(%dma_start3A_177 : memref<128x64xf32, #tpu.memory_space<vmem>>) offsets(%dma_start3A_179 : memref<128xi32, #tpu.memory_space<vmem>>) semaphore(%arg14 : memref<!tpu.dma_semaphore, #tpu.memory_space<semaphore_mem>>)
      %dma_start3A_183 = arith.constant 128 : i32
      %dma_start3A_184 = arith.constant 0 : i32
      %dma_start3A_185 = tpu.memref_slice %arg11[%dma_start3A_183, %dma_start3A_184] : memref<512x64xf32, #tpu.memory_space<vmem>> -> memref<128x64xf32, #tpu.memory_space<vmem>>
      %dma_start3A_186 = arith.constant 128 : i32
      %dma_start3A_187 = tpu.memref_slice %arg9[%dma_start3A_186] : memref<512xi32, #tpu.memory_space<vmem>> -> memref<128xi32, #tpu.memory_space<vmem>>
      %dma_start3A_188 = arith.constant 0 : i32
      %dma_start3A_189 = arith.constant 0 : i32
      %dma_start3A_190 = tpu.memref_slice %arg2[%dma_start3A_188, %dma_start3A_189] : memref<112000x64xf32, #tpu.memory_space<hbm>> -> memref<112000x64xf32, #tpu.memory_space<hbm>>
      tpu.enqueue_indirect_dma source(%dma_start3A_190 : memref<112000x64xf32, #tpu.memory_space<hbm>>) target(%dma_start3A_185 : memref<128x64xf32, #tpu.memory_space<vmem>>) offsets(%dma_start3A_187 : memref<128xi32, #tpu.memory_space<vmem>>) semaphore(%arg14 : memref<!tpu.dma_semaphore, #tpu.memory_space<semaphore_mem>>)
      %dma_start3A_191 = arith.constant 256 : i32
      %dma_start3A_192 = arith.constant 0 : i32
      %dma_start3A_193 = tpu.memref_slice %arg11[%dma_start3A_191, %dma_start3A_192] : memref<512x64xf32, #tpu.memory_space<vmem>> -> memref<128x64xf32, #tpu.memory_space<vmem>>
      %dma_start3A_194 = arith.constant 256 : i32
      %dma_start3A_195 = tpu.memref_slice %arg9[%dma_start3A_194] : memref<512xi32, #tpu.memory_space<vmem>> -> memref<128xi32, #tpu.memory_space<vmem>>
      %dma_start3A_196 = arith.constant 0 : i32
      %dma_start3A_197 = arith.constant 0 : i32
      %dma_start3A_198 = tpu.memref_slice %arg2[%dma_start3A_196, %dma_start3A_197] : memref<112000x64xf32, #tpu.memory_space<hbm>> -> memref<112000x64xf32, #tpu.memory_space<hbm>>
      tpu.enqueue_indirect_dma source(%dma_start3A_198 : memref<112000x64xf32, #tpu.memory_space<hbm>>) target(%dma_start3A_193 : memref<128x64xf32, #tpu.memory_space<vmem>>) offsets(%dma_start3A_195 : memref<128xi32, #tpu.memory_space<vmem>>) semaphore(%arg14 : memref<!tpu.dma_semaphore, #tpu.memory_space<semaphore_mem>>)
      %dma_start3A_199 = arith.constant 384 : i32
      %dma_start3A_200 = arith.constant 0 : i32
      %dma_start3A_201 = tpu.memref_slice %arg11[%dma_start3A_199, %dma_start3A_200] : memref<512x64xf32, #tpu.memory_space<vmem>> -> memref<128x64xf32, #tpu.memory_space<vmem>>
      %dma_start3A_202 = arith.constant 384 : i32
      %dma_start3A_203 = tpu.memref_slice %arg9[%dma_start3A_202] : memref<512xi32, #tpu.memory_space<vmem>> -> memref<128xi32, #tpu.memory_space<vmem>>
      %dma_start3A_204 = arith.constant 0 : i32
      %dma_start3A_205 = arith.constant 0 : i32
      %dma_start3A_206 = tpu.memref_slice %arg2[%dma_start3A_204, %dma_start3A_205] : memref<112000x64xf32, #tpu.memory_space<hbm>> -> memref<112000x64xf32, #tpu.memory_space<hbm>>
      tpu.enqueue_indirect_dma source(%dma_start3A_206 : memref<112000x64xf32, #tpu.memory_space<hbm>>) target(%dma_start3A_201 : memref<128x64xf32, #tpu.memory_space<vmem>>) offsets(%dma_start3A_203 : memref<128xi32, #tpu.memory_space<vmem>>) semaphore(%arg14 : memref<!tpu.dma_semaphore, #tpu.memory_space<semaphore_mem>>)
      %dma_wait3A_207 = arith.constant 0 : i32
      %dma_wait3A_208 = arith.constant 0 : i32
      %dma_wait3A_209 = tpu.memref_slice %arg10[%dma_wait3A_207, %dma_wait3A_208] : memref<512x64xf32, #tpu.memory_space<vmem>> -> memref<128x64xf32, #tpu.memory_space<vmem>>
      %dma_wait3A_210 = arith.constant 0 : i32
      %dma_wait3A_211 = tpu.memref_slice %arg8[%dma_wait3A_210] : memref<512xi32, #tpu.memory_space<vmem>> -> memref<128xi32, #tpu.memory_space<vmem>>
      %dma_wait3A_212 = arith.constant 0 : i32
      %dma_wait3A_213 = arith.constant 0 : i32
      %dma_wait3A_214 = tpu.memref_slice %arg2[%dma_wait3A_212, %dma_wait3A_213] : memref<112000x64xf32, #tpu.memory_space<hbm>> -> memref<112000x64xf32, #tpu.memory_space<hbm>>
      tpu.wait_indirect_dma semaphore(%arg13 : memref<!tpu.dma_semaphore, #tpu.memory_space<semaphore_mem>>) src(%dma_wait3A_214 : memref<112000x64xf32, #tpu.memory_space<hbm>>) dst(%dma_wait3A_209 : memref<128x64xf32, #tpu.memory_space<vmem>>)
      %dma_wait3A_215 = arith.constant 128 : i32
      %dma_wait3A_216 = arith.constant 0 : i32
      %dma_wait3A_217 = tpu.memref_slice %arg10[%dma_wait3A_215, %dma_wait3A_216] : memref<512x64xf32, #tpu.memory_space<vmem>> -> memref<128x64xf32, #tpu.memory_space<vmem>>
      %dma_wait3A_218 = arith.constant 0 : i32
      %dma_wait3A_219 = tpu.memref_slice %arg8[%dma_wait3A_218] : memref<512xi32, #tpu.memory_space<vmem>> -> memref<128xi32, #tpu.memory_space<vmem>>
      %dma_wait3A_220 = arith.constant 0 : i32
      %dma_wait3A_221 = arith.constant 0 : i32
      %dma_wait3A_222 = tpu.memref_slice %arg2[%dma_wait3A_220, %dma_wait3A_221] : memref<112000x64xf32, #tpu.memory_space<hbm>> -> memref<112000x64xf32, #tpu.memory_space<hbm>>
      tpu.wait_indirect_dma semaphore(%arg13 : memref<!tpu.dma_semaphore, #tpu.memory_space<semaphore_mem>>) src(%dma_wait3A_222 : memref<112000x64xf32, #tpu.memory_space<hbm>>) dst(%dma_wait3A_217 : memref<128x64xf32, #tpu.memory_space<vmem>>)
      %dma_wait3A_223 = arith.constant 256 : i32
      %dma_wait3A_224 = arith.constant 0 : i32
      %dma_wait3A_225 = tpu.memref_slice %arg10[%dma_wait3A_223, %dma_wait3A_224] : memref<512x64xf32, #tpu.memory_space<vmem>> -> memref<128x64xf32, #tpu.memory_space<vmem>>
      %dma_wait3A_226 = arith.constant 0 : i32
      %dma_wait3A_227 = tpu.memref_slice %arg8[%dma_wait3A_226] : memref<512xi32, #tpu.memory_space<vmem>> -> memref<128xi32, #tpu.memory_space<vmem>>
      %dma_wait3A_228 = arith.constant 0 : i32
      %dma_wait3A_229 = arith.constant 0 : i32
      %dma_wait3A_230 = tpu.memref_slice %arg2[%dma_wait3A_228, %dma_wait3A_229] : memref<112000x64xf32, #tpu.memory_space<hbm>> -> memref<112000x64xf32, #tpu.memory_space<hbm>>
      tpu.wait_indirect_dma semaphore(%arg13 : memref<!tpu.dma_semaphore, #tpu.memory_space<semaphore_mem>>) src(%dma_wait3A_230 : memref<112000x64xf32, #tpu.memory_space<hbm>>) dst(%dma_wait3A_225 : memref<128x64xf32, #tpu.memory_space<vmem>>)
      %dma_wait3A_231 = arith.constant 384 : i32
      %dma_wait3A_232 = arith.constant 0 : i32
      %dma_wait3A_233 = tpu.memref_slice %arg10[%dma_wait3A_231, %dma_wait3A_232] : memref<512x64xf32, #tpu.memory_space<vmem>> -> memref<128x64xf32, #tpu.memory_space<vmem>>
      %dma_wait3A_234 = arith.constant 0 : i32
      %dma_wait3A_235 = tpu.memref_slice %arg8[%dma_wait3A_234] : memref<512xi32, #tpu.memory_space<vmem>> -> memref<128xi32, #tpu.memory_space<vmem>>
      %dma_wait3A_236 = arith.constant 0 : i32
      %dma_wait3A_237 = arith.constant 0 : i32
      %dma_wait3A_238 = tpu.memref_slice %arg2[%dma_wait3A_236, %dma_wait3A_237] : memref<112000x64xf32, #tpu.memory_space<hbm>> -> memref<112000x64xf32, #tpu.memory_space<hbm>>
      tpu.wait_indirect_dma semaphore(%arg13 : memref<!tpu.dma_semaphore, #tpu.memory_space<semaphore_mem>>) src(%dma_wait3A_238 : memref<112000x64xf32, #tpu.memory_space<hbm>>) dst(%dma_wait3A_233 : memref<128x64xf32, #tpu.memory_space<vmem>>)
      %scan3A_239 = arith.constant 0 : i32
      %scan3A_240 = arith.constant 0 : i32
      %scan3A_241 = arith.constant 64 : i32
      %scan3A_242 = arith.addi %scan3A_240, %scan3A_241 : i32
      %scan3A_243 = arith.constant 1 : i32
      scf.for %scan3A_331 = %scan3A_240 to %scan3A_242 step %scan3A_243  : i32 {
        %mul3A_332 = arith.constant 4 : i32
        %mul3A_333 = arith.muli %mul3A_332, %scan3A_331 : i32
        %add3A_334 = arith.constant 0 : i32
        %add3A_335 = arith.addi %mul3A_333, %add3A_334 : i32
        %mul3A_336 = arith.constant 2 : i32
        %mul3A_337 = arith.muli %mul3A_336, %add3A_335 : i32
        %get3A = arith.index_cast %mul3A_337 : i32 to index
        %get3A_338 = arith.constant 0 : index
        %get3A_339 = tpu.vector_load %arg10[%get3A, %get3A_338] {strides = array<i32>} : memref<512x64xf32, #tpu.memory_space<vmem>>, vector<16xf32>,
        %swap3A = arith.index_cast %add3A_335 : i32 to index
        %swap3A_340 = arith.constant 0 : index
        %swap3A_341 = tpu.vector_load %arg12[%swap3A, %swap3A_340] {strides = array<i32>} : memref<256x128xf32, #tpu.memory_space<vmem>>, vector<16xf32>,
        tpu.vector_store %arg12[%swap3A, %swap3A_340], %get3A_339 {strides = array<i32>} : memref<256x128xf32, #tpu.memory_space<vmem>>, vector<16xf32>,
        %mul3A_342 = arith.constant 2 : i32
        %mul3A_343 = arith.muli %mul3A_342, %add3A_335 : i32
        %get3A_344 = arith.index_cast %mul3A_343 : i32 to index
        %get3A_345 = arith.constant 16 : index
        %get3A_346 = tpu.vector_load %arg10[%get3A_344, %get3A_345] {strides = array<i32>} : memref<512x64xf32, #tpu.memory_space<vmem>>, vector<16xf32>,
        %swap3A_347 = arith.index_cast %add3A_335 : i32 to index
        %swap3A_348 = arith.constant 16 : index
        %swap3A_349 = tpu.vector_load %arg12[%swap3A_347, %swap3A_348] {strides = array<i32>} : memref<256x128xf32, #tpu.memory_space<vmem>>, vector<16xf32>,
        tpu.vector_store %arg12[%swap3A_347, %swap3A_348], %get3A_346 {strides = array<i32>} : memref<256x128xf32, #tpu.memory_space<vmem>>, vector<16xf32>,
        %mul3A_350 = arith.constant 2 : i32
        %mul3A_351 = arith.muli %mul3A_350, %add3A_335 : i32
        %get3A_352 = arith.index_cast %mul3A_351 : i32 to index
        %get3A_353 = arith.constant 32 : index
        %get3A_354 = tpu.vector_load %arg10[%get3A_352, %get3A_353] {strides = array<i32>} : memref<512x64xf32, #tpu.memory_space<vmem>>, vector<16xf32>,
        %swap3A_355 = arith.index_cast %add3A_335 : i32 to index
        %swap3A_356 = arith.constant 32 : index
        %swap3A_357 = tpu.vector_load %arg12[%swap3A_355, %swap3A_356] {strides = array<i32>} : memref<256x128xf32, #tpu.memory_space<vmem>>, vector<16xf32>,
        tpu.vector_store %arg12[%swap3A_355, %swap3A_356], %get3A_354 {strides = array<i32>} : memref<256x128xf32, #tpu.memory_space<vmem>>, vector<16xf32>,
        %mul3A_358 = arith.constant 2 : i32
        %mul3A_359 = arith.muli %mul3A_358, %add3A_335 : i32
        %get3A_360 = arith.index_cast %mul3A_359 : i32 to index
        %get3A_361 = arith.constant 48 : index
        %get3A_362 = tpu.vector_load %arg10[%get3A_360, %get3A_361] {strides = array<i32>} : memref<512x64xf32, #tpu.memory_space<vmem>>, vector<16xf32>,
        %swap3A_363 = arith.index_cast %add3A_335 : i32 to index
        %swap3A_364 = arith.constant 48 : index
        %swap3A_365 = tpu.vector_load %arg12[%swap3A_363, %swap3A_364] masked %lt3A_2 {strides = array<i32>} : memref<256x128xf32, #tpu.memory_space<vmem>>, vector<16xf32>, vector<16xi1>
        tpu.vector_store %arg12[%swap3A_363, %swap3A_364], %get3A_362 masked %lt3A_2 {strides = array<i32>} : memref<256x128xf32, #tpu.memory_space<vmem>>, vector<16xf32>, vector<16xi1>
        %mul3A_366 = arith.constant 2 : i32
        %mul3A_367 = arith.muli %mul3A_366, %add3A_335 : i32
        %add3A_368 = arith.constant 1 : i32
        %add3A_369 = arith.addi %mul3A_367, %add3A_368 : i32
        %get3A_370 = arith.index_cast %add3A_369 : i32 to index
        %get3A_371 = arith.constant 0 : index
        %get3A_372 = tpu.vector_load %arg10[%get3A_370, %get3A_371] {strides = array<i32>} : memref<512x64xf32, #tpu.memory_space<vmem>>, vector<16xf32>,
        %swap3A_373 = arith.index_cast %add3A_335 : i32 to index
        %swap3A_374 = arith.constant 50 : index
        %swap3A_375 = tpu.vector_load %arg12[%swap3A_373, %swap3A_374] {strides = array<i32>} : memref<256x128xf32, #tpu.memory_space<vmem>>, vector<16xf32>,
        tpu.vector_store %arg12[%swap3A_373, %swap3A_374], %get3A_372 {strides = array<i32>} : memref<256x128xf32, #tpu.memory_space<vmem>>, vector<16xf32>,
        %mul3A_376 = arith.constant 2 : i32
        %mul3A_377 = arith.muli %mul3A_376, %add3A_335 : i32
        %add3A_378 = arith.constant 1 : i32
        %add3A_379 = arith.addi %mul3A_377, %add3A_378 : i32
        %get3A_380 = arith.index_cast %add3A_379 : i32 to index
        %get3A_381 = arith.constant 16 : index
        %get3A_382 = tpu.vector_load %arg10[%get3A_380, %get3A_381] {strides = array<i32>} : memref<512x64xf32, #tpu.memory_space<vmem>>, vector<16xf32>,
        %swap3A_383 = arith.index_cast %add3A_335 : i32 to index
        %swap3A_384 = arith.constant 66 : index
        %swap3A_385 = tpu.vector_load %arg12[%swap3A_383, %swap3A_384] {strides = array<i32>} : memref<256x128xf32, #tpu.memory_space<vmem>>, vector<16xf32>,
        tpu.vector_store %arg12[%swap3A_383, %swap3A_384], %get3A_382 {strides = array<i32>} : memref<256x128xf32, #tpu.memory_space<vmem>>, vector<16xf32>,
        %mul3A_386 = arith.constant 2 : i32
        %mul3A_387 = arith.muli %mul3A_386, %add3A_335 : i32
        %add3A_388 = arith.constant 1 : i32
        %add3A_389 = arith.addi %mul3A_387, %add3A_388 : i32
        %get3A_390 = arith.index_cast %add3A_389 : i32 to index
        %get3A_391 = arith.constant 32 : index
        %get3A_392 = tpu.vector_load %arg10[%get3A_390, %get3A_391] {strides = array<i32>} : memref<512x64xf32, #tpu.memory_space<vmem>>, vector<16xf32>,
        %swap3A_393 = arith.index_cast %add3A_335 : i32 to index
        %swap3A_394 = arith.constant 82 : index
        %swap3A_395 = tpu.vector_load %arg12[%swap3A_393, %swap3A_394] {strides = array<i32>} : memref<256x128xf32, #tpu.memory_space<vmem>>, vector<16xf32>,
        tpu.vector_store %arg12[%swap3A_393, %swap3A_394], %get3A_392 {strides = array<i32>} : memref<256x128xf32, #tpu.memory_space<vmem>>, vector<16xf32>,
        %mul3A_396 = arith.constant 2 : i32
        %mul3A_397 = arith.muli %mul3A_396, %add3A_335 : i32
        %add3A_398 = arith.constant 1 : i32
        %add3A_399 = arith.addi %mul3A_397, %add3A_398 : i32
        %get3A_400 = arith.index_cast %add3A_399 : i32 to index
        %get3A_401 = arith.constant 48 : index
        %get3A_402 = tpu.vector_load %arg10[%get3A_400, %get3A_401] {strides = array<i32>} : memref<512x64xf32, #tpu.memory_space<vmem>>, vector<16xf32>,
        %swap3A_403 = arith.index_cast %add3A_335 : i32 to index
        %swap3A_404 = arith.constant 98 : index
        %swap3A_405 = tpu.vector_load %arg12[%swap3A_403, %swap3A_404] masked %lt3A_2 {strides = array<i32>} : memref<256x128xf32, #tpu.memory_space<vmem>>, vector<16xf32>, vector<16xi1>
        tpu.vector_store %arg12[%swap3A_403, %swap3A_404], %get3A_402 masked %lt3A_2 {strides = array<i32>} : memref<256x128xf32, #tpu.memory_space<vmem>>, vector<16xf32>, vector<16xi1>
        %mul3A_406 = arith.constant 4 : i32
        %mul3A_407 = arith.muli %mul3A_406, %scan3A_331 : i32
        %add3A_408 = arith.constant 1 : i32
        %add3A_409 = arith.addi %mul3A_407, %add3A_408 : i32
        %mul3A_410 = arith.constant 2 : i32
        %mul3A_411 = arith.muli %mul3A_410, %add3A_409 : i32
        %get3A_412 = arith.index_cast %mul3A_411 : i32 to index
        %get3A_413 = arith.constant 0 : index
        %get3A_414 = tpu.vector_load %arg10[%get3A_412, %get3A_413] {strides = array<i32>} : memref<512x64xf32, #tpu.memory_space<vmem>>, vector<16xf32>,
        %swap3A_415 = arith.index_cast %add3A_409 : i32 to index
        %swap3A_416 = arith.constant 0 : index
        %swap3A_417 = tpu.vector_load %arg12[%swap3A_415, %swap3A_416] {strides = array<i32>} : memref<256x128xf32, #tpu.memory_space<vmem>>, vector<16xf32>,
        tpu.vector_store %arg12[%swap3A_415, %swap3A_416], %get3A_414 {strides = array<i32>} : memref<256x128xf32, #tpu.memory_space<vmem>>, vector<16xf32>,
        %mul3A_418 = arith.constant 2 : i32
        %mul3A_419 = arith.muli %mul3A_418, %add3A_409 : i32
        %get3A_420 = arith.index_cast %mul3A_419 : i32 to index
        %get3A_421 = arith.constant 16 : index
        %get3A_422 = tpu.vector_load %arg10[%get3A_420, %get3A_421] {strides = array<i32>} : memref<512x64xf32, #tpu.memory_space<vmem>>, vector<16xf32>,
        %swap3A_423 = arith.index_cast %add3A_409 : i32 to index
        %swap3A_424 = arith.constant 16 : index
        %swap3A_425 = tpu.vector_load %arg12[%swap3A_423, %swap3A_424] {strides = array<i32>} : memref<256x128xf32, #tpu.memory_space<vmem>>, vector<16xf32>,
        tpu.vector_store %arg12[%swap3A_423, %swap3A_424], %get3A_422 {strides = array<i32>} : memref<256x128xf32, #tpu.memory_space<vmem>>, vector<16xf32>,
        %mul3A_426 = arith.constant 2 : i32
        %mul3A_427 = arith.muli %mul3A_426, %add3A_409 : i32
        %get3A_428 = arith.index_cast %mul3A_427 : i32 to index
        %get3A_429 = arith.constant 32 : index
        %get3A_430 = tpu.vector_load %arg10[%get3A_428, %get3A_429] {strides = array<i32>} : memref<512x64xf32, #tpu.memory_space<vmem>>, vector<16xf32>,
        %swap3A_431 = arith.index_cast %add3A_409 : i32 to index
        %swap3A_432 = arith.constant 32 : index
        %swap3A_433 = tpu.vector_load %arg12[%swap3A_431, %swap3A_432] {strides = array<i32>} : memref<256x128xf32, #tpu.memory_space<vmem>>, vector<16xf32>,
        tpu.vector_store %arg12[%swap3A_431, %swap3A_432], %get3A_430 {strides = array<i32>} : memref<256x128xf32, #tpu.memory_space<vmem>>, vector<16xf32>,
        %mul3A_434 = arith.constant 2 : i32
        %mul3A_435 = arith.muli %mul3A_434, %add3A_409 : i32
        %get3A_436 = arith.index_cast %mul3A_435 : i32 to index
        %get3A_437 = arith.constant 48 : index
        %get3A_438 = tpu.vector_load %arg10[%get3A_436, %get3A_437] {strides = array<i32>} : memref<512x64xf32, #tpu.memory_space<vmem>>, vector<16xf32>,
        %swap3A_439 = arith.index_cast %add3A_409 : i32 to index
        %swap3A_440 = arith.constant 48 : index
        %swap3A_441 = tpu.vector_load %arg12[%swap3A_439, %swap3A_440] masked %lt3A_2 {strides = array<i32>} : memref<256x128xf32, #tpu.memory_space<vmem>>, vector<16xf32>, vector<16xi1>
        tpu.vector_store %arg12[%swap3A_439, %swap3A_440], %get3A_438 masked %lt3A_2 {strides = array<i32>} : memref<256x128xf32, #tpu.memory_space<vmem>>, vector<16xf32>, vector<16xi1>
        %mul3A_442 = arith.constant 2 : i32
        %mul3A_443 = arith.muli %mul3A_442, %add3A_409 : i32
        %add3A_444 = arith.constant 1 : i32
        %add3A_445 = arith.addi %mul3A_443, %add3A_444 : i32
        %get3A_446 = arith.index_cast %add3A_445 : i32 to index
        %get3A_447 = arith.constant 0 : index
        %get3A_448 = tpu.vector_load %arg10[%get3A_446, %get3A_447] {strides = array<i32>} : memref<512x64xf32, #tpu.memory_space<vmem>>, vector<16xf32>,
        %swap3A_449 = arith.index_cast %add3A_409 : i32 to index
        %swap3A_450 = arith.constant 50 : index
        %swap3A_451 = tpu.vector_load %arg12[%swap3A_449, %swap3A_450] {strides = array<i32>} : memref<256x128xf32, #tpu.memory_space<vmem>>, vector<16xf32>,
        tpu.vector_store %arg12[%swap3A_449, %swap3A_450], %get3A_448 {strides = array<i32>} : memref<256x128xf32, #tpu.memory_space<vmem>>, vector<16xf32>,
        %mul3A_452 = arith.constant 2 : i32
        %mul3A_453 = arith.muli %mul3A_452, %add3A_409 : i32
        %add3A_454 = arith.constant 1 : i32
        %add3A_455 = arith.addi %mul3A_453, %add3A_454 : i32
        %get3A_456 = arith.index_cast %add3A_455 : i32 to index
        %get3A_457 = arith.constant 16 : index
        %get3A_458 = tpu.vector_load %arg10[%get3A_456, %get3A_457] {strides = array<i32>} : memref<512x64xf32, #tpu.memory_space<vmem>>, vector<16xf32>,
        %swap3A_459 = arith.index_cast %add3A_409 : i32 to index
        %swap3A_460 = arith.constant 66 : index
        %swap3A_461 = tpu.vector_load %arg12[%swap3A_459, %swap3A_460] {strides = array<i32>} : memref<256x128xf32, #tpu.memory_space<vmem>>, vector<16xf32>,
        tpu.vector_store %arg12[%swap3A_459, %swap3A_460], %get3A_458 {strides = array<i32>} : memref<256x128xf32, #tpu.memory_space<vmem>>, vector<16xf32>,
        %mul3A_462 = arith.constant 2 : i32
        %mul3A_463 = arith.muli %mul3A_462, %add3A_409 : i32
        %add3A_464 = arith.constant 1 : i32
        %add3A_465 = arith.addi %mul3A_463, %add3A_464 : i32
        %get3A_466 = arith.index_cast %add3A_465 : i32 to index
        %get3A_467 = arith.constant 32 : index
        %get3A_468 = tpu.vector_load %arg10[%get3A_466, %get3A_467] {strides = array<i32>} : memref<512x64xf32, #tpu.memory_space<vmem>>, vector<16xf32>,
        %swap3A_469 = arith.index_cast %add3A_409 : i32 to index
        %swap3A_470 = arith.constant 82 : index
        %swap3A_471 = tpu.vector_load %arg12[%swap3A_469, %swap3A_470] {strides = array<i32>} : memref<256x128xf32, #tpu.memory_space<vmem>>, vector<16xf32>,
        tpu.vector_store %arg12[%swap3A_469, %swap3A_470], %get3A_468 {strides = array<i32>} : memref<256x128xf32, #tpu.memory_space<vmem>>, vector<16xf32>,
        %mul3A_472 = arith.constant 2 : i32
        %mul3A_473 = arith.muli %mul3A_472, %add3A_409 : i32
        %add3A_474 = arith.constant 1 : i32
        %add3A_475 = arith.addi %mul3A_473, %add3A_474 : i32
        %get3A_476 = arith.index_cast %add3A_475 : i32 to index
        %get3A_477 = arith.constant 48 : index
        %get3A_478 = tpu.vector_load %arg10[%get3A_476, %get3A_477] {strides = array<i32>} : memref<512x64xf32, #tpu.memory_space<vmem>>, vector<16xf32>,
        %swap3A_479 = arith.index_cast %add3A_409 : i32 to index
        %swap3A_480 = arith.constant 98 : index
        %swap3A_481 = tpu.vector_load %arg12[%swap3A_479, %swap3A_480] masked %lt3A_2 {strides = array<i32>} : memref<256x128xf32, #tpu.memory_space<vmem>>, vector<16xf32>, vector<16xi1>
        tpu.vector_store %arg12[%swap3A_479, %swap3A_480], %get3A_478 masked %lt3A_2 {strides = array<i32>} : memref<256x128xf32, #tpu.memory_space<vmem>>, vector<16xf32>, vector<16xi1>
        %mul3A_482 = arith.constant 4 : i32
        %mul3A_483 = arith.muli %mul3A_482, %scan3A_331 : i32
        %add3A_484 = arith.constant 2 : i32
        %add3A_485 = arith.addi %mul3A_483, %add3A_484 : i32
        %mul3A_486 = arith.constant 2 : i32
        %mul3A_487 = arith.muli %mul3A_486, %add3A_485 : i32
        %get3A_488 = arith.index_cast %mul3A_487 : i32 to index
        %get3A_489 = arith.constant 0 : index
        %get3A_490 = tpu.vector_load %arg10[%get3A_488, %get3A_489] {strides = array<i32>} : memref<512x64xf32, #tpu.memory_space<vmem>>, vector<16xf32>,
        %swap3A_491 = arith.index_cast %add3A_485 : i32 to index
        %swap3A_492 = arith.constant 0 : index
        %swap3A_493 = tpu.vector_load %arg12[%swap3A_491, %swap3A_492] {strides = array<i32>} : memref<256x128xf32, #tpu.memory_space<vmem>>, vector<16xf32>,
        tpu.vector_store %arg12[%swap3A_491, %swap3A_492], %get3A_490 {strides = array<i32>} : memref<256x128xf32, #tpu.memory_space<vmem>>, vector<16xf32>,
        %mul3A_494 = arith.constant 2 : i32
        %mul3A_495 = arith.muli %mul3A_494, %add3A_485 : i32
        %get3A_496 = arith.index_cast %mul3A_495 : i32 to index
        %get3A_497 = arith.constant 16 : index
        %get3A_498 = tpu.vector_load %arg10[%get3A_496, %get3A_497] {strides = array<i32>} : memref<512x64xf32, #tpu.memory_space<vmem>>, vector<16xf32>,
        %swap3A_499 = arith.index_cast %add3A_485 : i32 to index
        %swap3A_500 = arith.constant 16 : index
        %swap3A_501 = tpu.vector_load %arg12[%swap3A_499, %swap3A_500] {strides = array<i32>} : memref<256x128xf32, #tpu.memory_space<vmem>>, vector<16xf32>,
        tpu.vector_store %arg12[%swap3A_499, %swap3A_500], %get3A_498 {strides = array<i32>} : memref<256x128xf32, #tpu.memory_space<vmem>>, vector<16xf32>,
        %mul3A_502 = arith.constant 2 : i32
        %mul3A_503 = arith.muli %mul3A_502, %add3A_485 : i32
        %get3A_504 = arith.index_cast %mul3A_503 : i32 to index
        %get3A_505 = arith.constant 32 : index
        %get3A_506 = tpu.vector_load %arg10[%get3A_504, %get3A_505] {strides = array<i32>} : memref<512x64xf32, #tpu.memory_space<vmem>>, vector<16xf32>,
        %swap3A_507 = arith.index_cast %add3A_485 : i32 to index
        %swap3A_508 = arith.constant 32 : index
        %swap3A_509 = tpu.vector_load %arg12[%swap3A_507, %swap3A_508] {strides = array<i32>} : memref<256x128xf32, #tpu.memory_space<vmem>>, vector<16xf32>,
        tpu.vector_store %arg12[%swap3A_507, %swap3A_508], %get3A_506 {strides = array<i32>} : memref<256x128xf32, #tpu.memory_space<vmem>>, vector<16xf32>,
        %mul3A_510 = arith.constant 2 : i32
        %mul3A_511 = arith.muli %mul3A_510, %add3A_485 : i32
        %get3A_512 = arith.index_cast %mul3A_511 : i32 to index
        %get3A_513 = arith.constant 48 : index
        %get3A_514 = tpu.vector_load %arg10[%get3A_512, %get3A_513] {strides = array<i32>} : memref<512x64xf32, #tpu.memory_space<vmem>>, vector<16xf32>,
        %swap3A_515 = arith.index_cast %add3A_485 : i32 to index
        %swap3A_516 = arith.constant 48 : index
        %swap3A_517 = tpu.vector_load %arg12[%swap3A_515, %swap3A_516] masked %lt3A_2 {strides = array<i32>} : memref<256x128xf32, #tpu.memory_space<vmem>>, vector<16xf32>, vector<16xi1>
        tpu.vector_store %arg12[%swap3A_515, %swap3A_516], %get3A_514 masked %lt3A_2 {strides = array<i32>} : memref<256x128xf32, #tpu.memory_space<vmem>>, vector<16xf32>, vector<16xi1>
        %mul3A_518 = arith.constant 2 : i32
        %mul3A_519 = arith.muli %mul3A_518, %add3A_485 : i32
        %add3A_520 = arith.constant 1 : i32
        %add3A_521 = arith.addi %mul3A_519, %add3A_520 : i32
        %get3A_522 = arith.index_cast %add3A_521 : i32 to index
        %get3A_523 = arith.constant 0 : index
        %get3A_524 = tpu.vector_load %arg10[%get3A_522, %get3A_523] {strides = array<i32>} : memref<512x64xf32, #tpu.memory_space<vmem>>, vector<16xf32>,
        %swap3A_525 = arith.index_cast %add3A_485 : i32 to index
        %swap3A_526 = arith.constant 50 : index
        %swap3A_527 = tpu.vector_load %arg12[%swap3A_525, %swap3A_526] {strides = array<i32>} : memref<256x128xf32, #tpu.memory_space<vmem>>, vector<16xf32>,
        tpu.vector_store %arg12[%swap3A_525, %swap3A_526], %get3A_524 {strides = array<i32>} : memref<256x128xf32, #tpu.memory_space<vmem>>, vector<16xf32>,
        %mul3A_528 = arith.constant 2 : i32
        %mul3A_529 = arith.muli %mul3A_528, %add3A_485 : i32
        %add3A_530 = arith.constant 1 : i32
        %add3A_531 = arith.addi %mul3A_529, %add3A_530 : i32
        %get3A_532 = arith.index_cast %add3A_531 : i32 to index
        %get3A_533 = arith.constant 16 : index
        %get3A_534 = tpu.vector_load %arg10[%get3A_532, %get3A_533] {strides = array<i32>} : memref<512x64xf32, #tpu.memory_space<vmem>>, vector<16xf32>,
        %swap3A_535 = arith.index_cast %add3A_485 : i32 to index
        %swap3A_536 = arith.constant 66 : index
        %swap3A_537 = tpu.vector_load %arg12[%swap3A_535, %swap3A_536] {strides = array<i32>} : memref<256x128xf32, #tpu.memory_space<vmem>>, vector<16xf32>,
        tpu.vector_store %arg12[%swap3A_535, %swap3A_536], %get3A_534 {strides = array<i32>} : memref<256x128xf32, #tpu.memory_space<vmem>>, vector<16xf32>,
        %mul3A_538 = arith.constant 2 : i32
        %mul3A_539 = arith.muli %mul3A_538, %add3A_485 : i32
        %add3A_540 = arith.constant 1 : i32
        %add3A_541 = arith.addi %mul3A_539, %add3A_540 : i32
        %get3A_542 = arith.index_cast %add3A_541 : i32 to index
        %get3A_543 = arith.constant 32 : index
        %get3A_544 = tpu.vector_load %arg10[%get3A_542, %get3A_543] {strides = array<i32>} : memref<512x64xf32, #tpu.memory_space<vmem>>, vector<16xf32>,
        %swap3A_545 = arith.index_cast %add3A_485 : i32 to index
        %swap3A_546 = arith.constant 82 : index
        %swap3A_547 = tpu.vector_load %arg12[%swap3A_545, %swap3A_546] {strides = array<i32>} : memref<256x128xf32, #tpu.memory_space<vmem>>, vector<16xf32>,
        tpu.vector_store %arg12[%swap3A_545, %swap3A_546], %get3A_544 {strides = array<i32>} : memref<256x128xf32, #tpu.memory_space<vmem>>, vector<16xf32>,
        %mul3A_548 = arith.constant 2 : i32
        %mul3A_549 = arith.muli %mul3A_548, %add3A_485 : i32
        %add3A_550 = arith.constant 1 : i32
        %add3A_551 = arith.addi %mul3A_549, %add3A_550 : i32
        %get3A_552 = arith.index_cast %add3A_551 : i32 to index
        %get3A_553 = arith.constant 48 : index
        %get3A_554 = tpu.vector_load %arg10[%get3A_552, %get3A_553] {strides = array<i32>} : memref<512x64xf32, #tpu.memory_space<vmem>>, vector<16xf32>,
        %swap3A_555 = arith.index_cast %add3A_485 : i32 to index
        %swap3A_556 = arith.constant 98 : index
        %swap3A_557 = tpu.vector_load %arg12[%swap3A_555, %swap3A_556] masked %lt3A_2 {strides = array<i32>} : memref<256x128xf32, #tpu.memory_space<vmem>>, vector<16xf32>, vector<16xi1>
        tpu.vector_store %arg12[%swap3A_555, %swap3A_556], %get3A_554 masked %lt3A_2 {strides = array<i32>} : memref<256x128xf32, #tpu.memory_space<vmem>>, vector<16xf32>, vector<16xi1>
        %mul3A_558 = arith.constant 4 : i32
        %mul3A_559 = arith.muli %mul3A_558, %scan3A_331 : i32
        %add3A_560 = arith.constant 3 : i32
        %add3A_561 = arith.addi %mul3A_559, %add3A_560 : i32
        %mul3A_562 = arith.constant 2 : i32
        %mul3A_563 = arith.muli %mul3A_562, %add3A_561 : i32
        %get3A_564 = arith.index_cast %mul3A_563 : i32 to index
        %get3A_565 = arith.constant 0 : index
        %get3A_566 = tpu.vector_load %arg10[%get3A_564, %get3A_565] {strides = array<i32>} : memref<512x64xf32, #tpu.memory_space<vmem>>, vector<16xf32>,
        %swap3A_567 = arith.index_cast %add3A_561 : i32 to index
        %swap3A_568 = arith.constant 0 : index
        %swap3A_569 = tpu.vector_load %arg12[%swap3A_567, %swap3A_568] {strides = array<i32>} : memref<256x128xf32, #tpu.memory_space<vmem>>, vector<16xf32>,
        tpu.vector_store %arg12[%swap3A_567, %swap3A_568], %get3A_566 {strides = array<i32>} : memref<256x128xf32, #tpu.memory_space<vmem>>, vector<16xf32>,
        %mul3A_570 = arith.constant 2 : i32
        %mul3A_571 = arith.muli %mul3A_570, %add3A_561 : i32
        %get3A_572 = arith.index_cast %mul3A_571 : i32 to index
        %get3A_573 = arith.constant 16 : index
        %get3A_574 = tpu.vector_load %arg10[%get3A_572, %get3A_573] {strides = array<i32>} : memref<512x64xf32, #tpu.memory_space<vmem>>, vector<16xf32>,
        %swap3A_575 = arith.index_cast %add3A_561 : i32 to index
        %swap3A_576 = arith.constant 16 : index
        %swap3A_577 = tpu.vector_load %arg12[%swap3A_575, %swap3A_576] {strides = array<i32>} : memref<256x128xf32, #tpu.memory_space<vmem>>, vector<16xf32>,
        tpu.vector_store %arg12[%swap3A_575, %swap3A_576], %get3A_574 {strides = array<i32>} : memref<256x128xf32, #tpu.memory_space<vmem>>, vector<16xf32>,
        %mul3A_578 = arith.constant 2 : i32
        %mul3A_579 = arith.muli %mul3A_578, %add3A_561 : i32
        %get3A_580 = arith.index_cast %mul3A_579 : i32 to index
        %get3A_581 = arith.constant 32 : index
        %get3A_582 = tpu.vector_load %arg10[%get3A_580, %get3A_581] {strides = array<i32>} : memref<512x64xf32, #tpu.memory_space<vmem>>, vector<16xf32>,
        %swap3A_583 = arith.index_cast %add3A_561 : i32 to index
        %swap3A_584 = arith.constant 32 : index
        %swap3A_585 = tpu.vector_load %arg12[%swap3A_583, %swap3A_584] {strides = array<i32>} : memref<256x128xf32, #tpu.memory_space<vmem>>, vector<16xf32>,
        tpu.vector_store %arg12[%swap3A_583, %swap3A_584], %get3A_582 {strides = array<i32>} : memref<256x128xf32, #tpu.memory_space<vmem>>, vector<16xf32>,
        %mul3A_586 = arith.constant 2 : i32
        %mul3A_587 = arith.muli %mul3A_586, %add3A_561 : i32
        %get3A_588 = arith.index_cast %mul3A_587 : i32 to index
        %get3A_589 = arith.constant 48 : index
        %get3A_590 = tpu.vector_load %arg10[%get3A_588, %get3A_589] {strides = array<i32>} : memref<512x64xf32, #tpu.memory_space<vmem>>, vector<16xf32>,
        %swap3A_591 = arith.index_cast %add3A_561 : i32 to index
        %swap3A_592 = arith.constant 48 : index
        %swap3A_593 = tpu.vector_load %arg12[%swap3A_591, %swap3A_592] masked %lt3A_2 {strides = array<i32>} : memref<256x128xf32, #tpu.memory_space<vmem>>, vector<16xf32>, vector<16xi1>
        tpu.vector_store %arg12[%swap3A_591, %swap3A_592], %get3A_590 masked %lt3A_2 {strides = array<i32>} : memref<256x128xf32, #tpu.memory_space<vmem>>, vector<16xf32>, vector<16xi1>
        %mul3A_594 = arith.constant 2 : i32
        %mul3A_595 = arith.muli %mul3A_594, %add3A_561 : i32
        %add3A_596 = arith.constant 1 : i32
        %add3A_597 = arith.addi %mul3A_595, %add3A_596 : i32
        %get3A_598 = arith.index_cast %add3A_597 : i32 to index
        %get3A_599 = arith.constant 0 : index
        %get3A_600 = tpu.vector_load %arg10[%get3A_598, %get3A_599] {strides = array<i32>} : memref<512x64xf32, #tpu.memory_space<vmem>>, vector<16xf32>,
        %swap3A_601 = arith.index_cast %add3A_561 : i32 to index
        %swap3A_602 = arith.constant 50 : index
        %swap3A_603 = tpu.vector_load %arg12[%swap3A_601, %swap3A_602] {strides = array<i32>} : memref<256x128xf32, #tpu.memory_space<vmem>>, vector<16xf32>,
        tpu.vector_store %arg12[%swap3A_601, %swap3A_602], %get3A_600 {strides = array<i32>} : memref<256x128xf32, #tpu.memory_space<vmem>>, vector<16xf32>,
        %mul3A_604 = arith.constant 2 : i32
        %mul3A_605 = arith.muli %mul3A_604, %add3A_561 : i32
        %add3A_606 = arith.constant 1 : i32
        %add3A_607 = arith.addi %mul3A_605, %add3A_606 : i32
        %get3A_608 = arith.index_cast %add3A_607 : i32 to index
        %get3A_609 = arith.constant 16 : index
        %get3A_610 = tpu.vector_load %arg10[%get3A_608, %get3A_609] {strides = array<i32>} : memref<512x64xf32, #tpu.memory_space<vmem>>, vector<16xf32>,
        %swap3A_611 = arith.index_cast %add3A_561 : i32 to index
        %swap3A_612 = arith.constant 66 : index
        %swap3A_613 = tpu.vector_load %arg12[%swap3A_611, %swap3A_612] {strides = array<i32>} : memref<256x128xf32, #tpu.memory_space<vmem>>, vector<16xf32>,
        tpu.vector_store %arg12[%swap3A_611, %swap3A_612], %get3A_610 {strides = array<i32>} : memref<256x128xf32, #tpu.memory_space<vmem>>, vector<16xf32>,
        %mul3A_614 = arith.constant 2 : i32
        %mul3A_615 = arith.muli %mul3A_614, %add3A_561 : i32
        %add3A_616 = arith.constant 1 : i32
        %add3A_617 = arith.addi %mul3A_615, %add3A_616 : i32
        %get3A_618 = arith.index_cast %add3A_617 : i32 to index
        %get3A_619 = arith.constant 32 : index
        %get3A_620 = tpu.vector_load %arg10[%get3A_618, %get3A_619] {strides = array<i32>} : memref<512x64xf32, #tpu.memory_space<vmem>>, vector<16xf32>,
        %swap3A_621 = arith.index_cast %add3A_561 : i32 to index
        %swap3A_622 = arith.constant 82 : index
        %swap3A_623 = tpu.vector_load %arg12[%swap3A_621, %swap3A_622] {strides = array<i32>} : memref<256x128xf32, #tpu.memory_space<vmem>>, vector<16xf32>,
        tpu.vector_store %arg12[%swap3A_621, %swap3A_622], %get3A_620 {strides = array<i32>} : memref<256x128xf32, #tpu.memory_space<vmem>>, vector<16xf32>,
        %mul3A_624 = arith.constant 2 : i32
        %mul3A_625 = arith.muli %mul3A_624, %add3A_561 : i32
        %add3A_626 = arith.constant 1 : i32
        %add3A_627 = arith.addi %mul3A_625, %add3A_626 : i32
        %get3A_628 = arith.index_cast %add3A_627 : i32 to index
        %get3A_629 = arith.constant 48 : index
        %get3A_630 = tpu.vector_load %arg10[%get3A_628, %get3A_629] {strides = array<i32>} : memref<512x64xf32, #tpu.memory_space<vmem>>, vector<16xf32>,
        %swap3A_631 = arith.index_cast %add3A_561 : i32 to index
        %swap3A_632 = arith.constant 98 : index
        %swap3A_633 = tpu.vector_load %arg12[%swap3A_631, %swap3A_632] masked %lt3A_2 {strides = array<i32>} : memref<256x128xf32, #tpu.memory_space<vmem>>, vector<16xf32>, vector<16xi1>
        tpu.vector_store %arg12[%swap3A_631, %swap3A_632], %get3A_630 masked %lt3A_2 {strides = array<i32>} : memref<256x128xf32, #tpu.memory_space<vmem>>, vector<16xf32>, vector<16xi1>
      }
      %scan3A_244 = arith.constant 64 : i32
      %mul3A_245 = arith.constant 256 : i32
      %mul3A_246 = arith.muli %mul3A_166, %mul3A_245 : i32
      %add3A_247 = arith.addi %mul3A_4, %mul3A_246 : i32
      "tpu.region"() ({
        %run_scoped3A = tpu.sem_alloc : memref<!tpu.dma_semaphore, #tpu.memory_space<semaphore_mem>>
        %dma_start3A_331 = arith.constant 0 : i32
        %dma_start3A_332 = tpu.memref_slice %arg5[%add3A_247, %dma_start3A_331] : memref<262144x128xf32, #tpu.memory_space<hbm>> -> memref<256x128xf32, #tpu.memory_space<hbm>>
        %dma_start3A_333 = arith.constant 0 : i32
        %dma_start3A_334 = tpu.memref_slice %arg5[%add3A_247, %dma_start3A_333] : memref<262144x128xf32, #tpu.memory_space<hbm>> -> memref<256x128xf32, #tpu.memory_space<hbm>>
        tpu.enqueue_dma source(%arg12 : memref<256x128xf32, #tpu.memory_space<vmem>>) target(%dma_start3A_334 : memref<256x128xf32, #tpu.memory_space<hbm>>) target_semaphore(%run_scoped3A : memref<!tpu.dma_semaphore, #tpu.memory_space<semaphore_mem>>)
        %dma_wait3A_335 = arith.constant 0 : i32
        %dma_wait3A_336 = tpu.memref_slice %arg5[%add3A_247, %dma_wait3A_335] : memref<262144x128xf32, #tpu.memory_space<hbm>> -> memref<256x128xf32, #tpu.memory_space<hbm>>
        %dma_wait3A_337 = arith.constant 0 : i32
        %dma_wait3A_338 = tpu.memref_slice %arg5[%add3A_247, %dma_wait3A_337] : memref<262144x128xf32, #tpu.memory_space<hbm>> -> memref<256x128xf32, #tpu.memory_space<hbm>>
        tpu.wait_dma2 semaphore(%run_scoped3A : memref<!tpu.dma_semaphore, #tpu.memory_space<semaphore_mem>>) src(%arg12 : memref<256x128xf32, #tpu.memory_space<vmem>>) dst(%dma_wait3A_338 : memref<256x128xf32, #tpu.memory_space<hbm>>)
        tpu.yield
      }) : () -> ()
      %add3A_248 = arith.constant 2 : i32
      %add3A_249 = arith.addi %mul3A_166, %add3A_248 : i32
      %scan3A_250 = arith.constant 0 : i32
      %scan3A_251 = arith.constant 0 : i32
      %scan3A_252 = arith.constant 16 : i32
      %scan3A_253 = arith.addi %scan3A_251, %scan3A_252 : i32
      %scan3A_254 = arith.constant 1 : i32
      scf.for %scan3A_331 = %scan3A_251 to %scan3A_253 step %scan3A_254  : i32 {
        %mul3A_332 = arith.constant 256 : i32
        %mul3A_333 = arith.muli %add3A_249, %mul3A_332 : i32
        %mul3A_334 = arith.constant 16 : i32
        %mul3A_335 = arith.muli %scan3A_331, %mul3A_334 : i32
        %add3A_336 = arith.addi %mul3A_333, %mul3A_335 : i32
        %get3A = arith.index_cast %add3A_336 : i32 to index
        %get3A_337 = tpu.vector_load %arg6[%get3A] {strides = array<i32>} : memref<8192xi32, #tpu.memory_space<vmem>>, vector<16xi32>,
        %mul3A_338 = arith.constant 256 : i32
        %mul3A_339 = arith.muli %add3A_249, %mul3A_338 : i32
        %mul3A_340 = arith.constant 16 : i32
        %mul3A_341 = arith.muli %scan3A_331, %mul3A_340 : i32
        %add3A_342 = arith.addi %mul3A_339, %mul3A_341 : i32
        %get3A_343 = arith.index_cast %add3A_342 : i32 to index
        %get3A_344 = tpu.vector_load %arg7[%get3A_343] {strides = array<i32>} : memref<8192xi32, #tpu.memory_space<vmem>>, vector<16xi32>,
        %add3A_345 = arith.constant 12000 : i32
        %add3A_346 = vector.broadcast %add3A_345 : i32 to vector<16xi32>
        %add3A_347 = arith.addi %get3A_344, %add3A_346 : vector<16xi32>
        %mul3A_348 = arith.constant 32 : i32
        %mul3A_349 = arith.muli %mul3A_348, %scan3A_331 : i32
        %mul3A_350 = arith.constant 2 : i32
        %mul3A_351 = vector.broadcast %mul3A_350 : i32 to vector<16xi32>
        %mul3A_352 = arith.muli %mul3A_351, %iota3A : vector<16xi32>
        %add3A_353 = vector.broadcast %mul3A_349 : i32 to vector<16xi32>
        %add3A_354 = arith.addi %add3A_353, %mul3A_352 : vector<16xi32>
        tpu.vector_store_idx %arg8[%add3A_354], %get3A_337 : memref<512xi32, #tpu.memory_space<vmem>>[vector<16xi32>], vector<16xi32>,
        %add3A_355 = arith.constant 1 : i32
        %add3A_356 = vector.broadcast %add3A_355 : i32 to vector<16xi32>
        %add3A_357 = arith.addi %add3A_354, %add3A_356 : vector<16xi32>
        tpu.vector_store_idx %arg8[%add3A_357], %add3A_347 : memref<512xi32, #tpu.memory_space<vmem>>[vector<16xi32>], vector<16xi32>,
      }
      %scan3A_255 = arith.constant 16 : i32
      %dma_start3A_256 = arith.constant 0 : i32
      %dma_start3A_257 = arith.constant 0 : i32
      %dma_start3A_258 = tpu.memref_slice %arg10[%dma_start3A_256, %dma_start3A_257] : memref<512x64xf32, #tpu.memory_space<vmem>> -> memref<128x64xf32, #tpu.memory_space<vmem>>
      %dma_start3A_259 = arith.constant 0 : i32
      %dma_start3A_260 = tpu.memref_slice %arg8[%dma_start3A_259] : memref<512xi32, #tpu.memory_space<vmem>> -> memref<128xi32, #tpu.memory_space<vmem>>
      %dma_start3A_261 = arith.constant 0 : i32
      %dma_start3A_262 = arith.constant 0 : i32
      %dma_start3A_263 = tpu.memref_slice %arg2[%dma_start3A_261, %dma_start3A_262] : memref<112000x64xf32, #tpu.memory_space<hbm>> -> memref<112000x64xf32, #tpu.memory_space<hbm>>
      tpu.enqueue_indirect_dma source(%dma_start3A_263 : memref<112000x64xf32, #tpu.memory_space<hbm>>) target(%dma_start3A_258 : memref<128x64xf32, #tpu.memory_space<vmem>>) offsets(%dma_start3A_260 : memref<128xi32, #tpu.memory_space<vmem>>) semaphore(%arg13 : memref<!tpu.dma_semaphore, #tpu.memory_space<semaphore_mem>>)
      %dma_start3A_264 = arith.constant 128 : i32
      %dma_start3A_265 = arith.constant 0 : i32
      %dma_start3A_266 = tpu.memref_slice %arg10[%dma_start3A_264, %dma_start3A_265] : memref<512x64xf32, #tpu.memory_space<vmem>> -> memref<128x64xf32, #tpu.memory_space<vmem>>
      %dma_start3A_267 = arith.constant 128 : i32
      %dma_start3A_268 = tpu.memref_slice %arg8[%dma_start3A_267] : memref<512xi32, #tpu.memory_space<vmem>> -> memref<128xi32, #tpu.memory_space<vmem>>
      %dma_start3A_269 = arith.constant 0 : i32
      %dma_start3A_270 = arith.constant 0 : i32
      %dma_start3A_271 = tpu.memref_slice %arg2[%dma_start3A_269, %dma_start3A_270] : memref<112000x64xf32, #tpu.memory_space<hbm>> -> memref<112000x64xf32, #tpu.memory_space<hbm>>
      tpu.enqueue_indirect_dma source(%dma_start3A_271 : memref<112000x64xf32, #tpu.memory_space<hbm>>) target(%dma_start3A_266 : memref<128x64xf32, #tpu.memory_space<vmem>>) offsets(%dma_start3A_268 : memref<128xi32, #tpu.memory_space<vmem>>) semaphore(%arg13 : memref<!tpu.dma_semaphore, #tpu.memory_space<semaphore_mem>>)
      %dma_start3A_272 = arith.constant 256 : i32
      %dma_start3A_273 = arith.constant 0 : i32
      %dma_start3A_274 = tpu.memref_slice %arg10[%dma_start3A_272, %dma_start3A_273] : memref<512x64xf32, #tpu.memory_space<vmem>> -> memref<128x64xf32, #tpu.memory_space<vmem>>
      %dma_start3A_275 = arith.constant 256 : i32
      %dma_start3A_276 = tpu.memref_slice %arg8[%dma_start3A_275] : memref<512xi32, #tpu.memory_space<vmem>> -> memref<128xi32, #tpu.memory_space<vmem>>
      %dma_start3A_277 = arith.constant 0 : i32
      %dma_start3A_278 = arith.constant 0 : i32
      %dma_start3A_279 = tpu.memref_slice %arg2[%dma_start3A_277, %dma_start3A_278] : memref<112000x64xf32, #tpu.memory_space<hbm>> -> memref<112000x64xf32, #tpu.memory_space<hbm>>
      tpu.enqueue_indirect_dma source(%dma_start3A_279 : memref<112000x64xf32, #tpu.memory_space<hbm>>) target(%dma_start3A_274 : memref<128x64xf32, #tpu.memory_space<vmem>>) offsets(%dma_start3A_276 : memref<128xi32, #tpu.memory_space<vmem>>) semaphore(%arg13 : memref<!tpu.dma_semaphore, #tpu.memory_space<semaphore_mem>>)
      %dma_start3A_280 = arith.constant 384 : i32
      %dma_start3A_281 = arith.constant 0 : i32
      %dma_start3A_282 = tpu.memref_slice %arg10[%dma_start3A_280, %dma_start3A_281] : memref<512x64xf32, #tpu.memory_space<vmem>> -> memref<128x64xf32, #tpu.memory_space<vmem>>
      %dma_start3A_283 = arith.constant 384 : i32
      %dma_start3A_284 = tpu.memref_slice %arg8[%dma_start3A_283] : memref<512xi32, #tpu.memory_space<vmem>> -> memref<128xi32, #tpu.memory_space<vmem>>
      %dma_start3A_285 = arith.constant 0 : i32
      %dma_start3A_286 = arith.constant 0 : i32
      %dma_start3A_287 = tpu.memref_slice %arg2[%dma_start3A_285, %dma_start3A_286] : memref<112000x64xf32, #tpu.memory_space<hbm>> -> memref<112000x64xf32, #tpu.memory_space<hbm>>
      tpu.enqueue_indirect_dma source(%dma_start3A_287 : memref<112000x64xf32, #tpu.memory_space<hbm>>) target(%dma_start3A_282 : memref<128x64xf32, #tpu.memory_space<vmem>>) offsets(%dma_start3A_284 : memref<128xi32, #tpu.memory_space<vmem>>) semaphore(%arg13 : memref<!tpu.dma_semaphore, #tpu.memory_space<semaphore_mem>>)
      %dma_wait3A_288 = arith.constant 0 : i32
      %dma_wait3A_289 = arith.constant 0 : i32
      %dma_wait3A_290 = tpu.memref_slice %arg11[%dma_wait3A_288, %dma_wait3A_289] : memref<512x64xf32, #tpu.memory_space<vmem>> -> memref<128x64xf32, #tpu.memory_space<vmem>>
      %dma_wait3A_291 = arith.constant 0 : i32
      %dma_wait3A_292 = tpu.memref_slice %arg8[%dma_wait3A_291] : memref<512xi32, #tpu.memory_space<vmem>> -> memref<128xi32, #tpu.memory_space<vmem>>
      %dma_wait3A_293 = arith.constant 0 : i32
      %dma_wait3A_294 = arith.constant 0 : i32
      %dma_wait3A_295 = tpu.memref_slice %arg2[%dma_wait3A_293, %dma_wait3A_294] : memref<112000x64xf32, #tpu.memory_space<hbm>> -> memref<112000x64xf32, #tpu.memory_space<hbm>>
      tpu.wait_indirect_dma semaphore(%arg14 : memref<!tpu.dma_semaphore, #tpu.memory_space<semaphore_mem>>) src(%dma_wait3A_295 : memref<112000x64xf32, #tpu.memory_space<hbm>>) dst(%dma_wait3A_290 : memref<128x64xf32, #tpu.memory_space<vmem>>)
      %dma_wait3A_296 = arith.constant 128 : i32
      %dma_wait3A_297 = arith.constant 0 : i32
      %dma_wait3A_298 = tpu.memref_slice %arg11[%dma_wait3A_296, %dma_wait3A_297] : memref<512x64xf32, #tpu.memory_space<vmem>> -> memref<128x64xf32, #tpu.memory_space<vmem>>
      %dma_wait3A_299 = arith.constant 0 : i32
      %dma_wait3A_300 = tpu.memref_slice %arg8[%dma_wait3A_299] : memref<512xi32, #tpu.memory_space<vmem>> -> memref<128xi32, #tpu.memory_space<vmem>>
      %dma_wait3A_301 = arith.constant 0 : i32
      %dma_wait3A_302 = arith.constant 0 : i32
      %dma_wait3A_303 = tpu.memref_slice %arg2[%dma_wait3A_301, %dma_wait3A_302] : memref<112000x64xf32, #tpu.memory_space<hbm>> -> memref<112000x64xf32, #tpu.memory_space<hbm>>
      tpu.wait_indirect_dma semaphore(%arg14 : memref<!tpu.dma_semaphore, #tpu.memory_space<semaphore_mem>>) src(%dma_wait3A_303 : memref<112000x64xf32, #tpu.memory_space<hbm>>) dst(%dma_wait3A_298 : memref<128x64xf32, #tpu.memory_space<vmem>>)
      %dma_wait3A_304 = arith.constant 256 : i32
      %dma_wait3A_305 = arith.constant 0 : i32
      %dma_wait3A_306 = tpu.memref_slice %arg11[%dma_wait3A_304, %dma_wait3A_305] : memref<512x64xf32, #tpu.memory_space<vmem>> -> memref<128x64xf32, #tpu.memory_space<vmem>>
      %dma_wait3A_307 = arith.constant 0 : i32
      %dma_wait3A_308 = tpu.memref_slice %arg8[%dma_wait3A_307] : memref<512xi32, #tpu.memory_space<vmem>> -> memref<128xi32, #tpu.memory_space<vmem>>
      %dma_wait3A_309 = arith.constant 0 : i32
      %dma_wait3A_310 = arith.constant 0 : i32
      %dma_wait3A_311 = tpu.memref_slice %arg2[%dma_wait3A_309, %dma_wait3A_310] : memref<112000x64xf32, #tpu.memory_space<hbm>> -> memref<112000x64xf32, #tpu.memory_space<hbm>>
      tpu.wait_indirect_dma semaphore(%arg14 : memref<!tpu.dma_semaphore, #tpu.memory_space<semaphore_mem>>) src(%dma_wait3A_311 : memref<112000x64xf32, #tpu.memory_space<hbm>>) dst(%dma_wait3A_306 : memref<128x64xf32, #tpu.memory_space<vmem>>)
      %dma_wait3A_312 = arith.constant 384 : i32
      %dma_wait3A_313 = arith.constant 0 : i32
      %dma_wait3A_314 = tpu.memref_slice %arg11[%dma_wait3A_312, %dma_wait3A_313] : memref<512x64xf32, #tpu.memory_space<vmem>> -> memref<128x64xf32, #tpu.memory_space<vmem>>
      %dma_wait3A_315 = arith.constant 0 : i32
      %dma_wait3A_316 = tpu.memref_slice %arg8[%dma_wait3A_315] : memref<512xi32, #tpu.memory_space<vmem>> -> memref<128xi32, #tpu.memory_space<vmem>>
      %dma_wait3A_317 = arith.constant 0 : i32
      %dma_wait3A_318 = arith.constant 0 : i32
      %dma_wait3A_319 = tpu.memref_slice %arg2[%dma_wait3A_317, %dma_wait3A_318] : memref<112000x64xf32, #tpu.memory_space<hbm>> -> memref<112000x64xf32, #tpu.memory_space<hbm>>
      tpu.wait_indirect_dma semaphore(%arg14 : memref<!tpu.dma_semaphore, #tpu.memory_space<semaphore_mem>>) src(%dma_wait3A_319 : memref<112000x64xf32, #tpu.memory_space<hbm>>) dst(%dma_wait3A_314 : memref<128x64xf32, #tpu.memory_space<vmem>>)
      %add3A_320 = arith.constant 1 : i32
      %add3A_321 = arith.addi %mul3A_166, %add3A_320 : i32
      %scan3A_322 = arith.constant 0 : i32
      %scan3A_323 = arith.constant 0 : i32
      %scan3A_324 = arith.constant 64 : i32
      %scan3A_325 = arith.addi %scan3A_323, %scan3A_324 : i32
      %scan3A_326 = arith.constant 1 : i32
      scf.for %scan3A_331 = %scan3A_323 to %scan3A_325 step %scan3A_326  : i32 {
        %mul3A_332 = arith.constant 4 : i32
        %mul3A_333 = arith.muli %mul3A_332, %scan3A_331 : i32
        %add3A_334 = arith.constant 0 : i32
        %add3A_335 = arith.addi %mul3A_333, %add3A_334 : i32
        %mul3A_336 = arith.constant 2 : i32
        %mul3A_337 = arith.muli %mul3A_336, %add3A_335 : i32
        %get3A = arith.index_cast %mul3A_337 : i32 to index
        %get3A_338 = arith.constant 0 : index
        %get3A_339 = tpu.vector_load %arg11[%get3A, %get3A_338] {strides = array<i32>} : memref<512x64xf32, #tpu.memory_space<vmem>>, vector<16xf32>,
        %swap3A = arith.index_cast %add3A_335 : i32 to index
        %swap3A_340 = arith.constant 0 : index
        %swap3A_341 = tpu.vector_load %arg12[%swap3A, %swap3A_340] {strides = array<i32>} : memref<256x128xf32, #tpu.memory_space<vmem>>, vector<16xf32>,
        tpu.vector_store %arg12[%swap3A, %swap3A_340], %get3A_339 {strides = array<i32>} : memref<256x128xf32, #tpu.memory_space<vmem>>, vector<16xf32>,
        %mul3A_342 = arith.constant 2 : i32
        %mul3A_343 = arith.muli %mul3A_342, %add3A_335 : i32
        %get3A_344 = arith.index_cast %mul3A_343 : i32 to index
        %get3A_345 = arith.constant 16 : index
        %get3A_346 = tpu.vector_load %arg11[%get3A_344, %get3A_345] {strides = array<i32>} : memref<512x64xf32, #tpu.memory_space<vmem>>, vector<16xf32>,
        %swap3A_347 = arith.index_cast %add3A_335 : i32 to index
        %swap3A_348 = arith.constant 16 : index
        %swap3A_349 = tpu.vector_load %arg12[%swap3A_347, %swap3A_348] {strides = array<i32>} : memref<256x128xf32, #tpu.memory_space<vmem>>, vector<16xf32>,
        tpu.vector_store %arg12[%swap3A_347, %swap3A_348], %get3A_346 {strides = array<i32>} : memref<256x128xf32, #tpu.memory_space<vmem>>, vector<16xf32>,
        %mul3A_350 = arith.constant 2 : i32
        %mul3A_351 = arith.muli %mul3A_350, %add3A_335 : i32
        %get3A_352 = arith.index_cast %mul3A_351 : i32 to index
        %get3A_353 = arith.constant 32 : index
        %get3A_354 = tpu.vector_load %arg11[%get3A_352, %get3A_353] {strides = array<i32>} : memref<512x64xf32, #tpu.memory_space<vmem>>, vector<16xf32>,
        %swap3A_355 = arith.index_cast %add3A_335 : i32 to index
        %swap3A_356 = arith.constant 32 : index
        %swap3A_357 = tpu.vector_load %arg12[%swap3A_355, %swap3A_356] {strides = array<i32>} : memref<256x128xf32, #tpu.memory_space<vmem>>, vector<16xf32>,
        tpu.vector_store %arg12[%swap3A_355, %swap3A_356], %get3A_354 {strides = array<i32>} : memref<256x128xf32, #tpu.memory_space<vmem>>, vector<16xf32>,
        %mul3A_358 = arith.constant 2 : i32
        %mul3A_359 = arith.muli %mul3A_358, %add3A_335 : i32
        %get3A_360 = arith.index_cast %mul3A_359 : i32 to index
        %get3A_361 = arith.constant 48 : index
        %get3A_362 = tpu.vector_load %arg11[%get3A_360, %get3A_361] {strides = array<i32>} : memref<512x64xf32, #tpu.memory_space<vmem>>, vector<16xf32>,
        %swap3A_363 = arith.index_cast %add3A_335 : i32 to index
        %swap3A_364 = arith.constant 48 : index
        %swap3A_365 = tpu.vector_load %arg12[%swap3A_363, %swap3A_364] masked %lt3A_2 {strides = array<i32>} : memref<256x128xf32, #tpu.memory_space<vmem>>, vector<16xf32>, vector<16xi1>
        tpu.vector_store %arg12[%swap3A_363, %swap3A_364], %get3A_362 masked %lt3A_2 {strides = array<i32>} : memref<256x128xf32, #tpu.memory_space<vmem>>, vector<16xf32>, vector<16xi1>
        %mul3A_366 = arith.constant 2 : i32
        %mul3A_367 = arith.muli %mul3A_366, %add3A_335 : i32
        %add3A_368 = arith.constant 1 : i32
        %add3A_369 = arith.addi %mul3A_367, %add3A_368 : i32
        %get3A_370 = arith.index_cast %add3A_369 : i32 to index
        %get3A_371 = arith.constant 0 : index
        %get3A_372 = tpu.vector_load %arg11[%get3A_370, %get3A_371] {strides = array<i32>} : memref<512x64xf32, #tpu.memory_space<vmem>>, vector<16xf32>,
        %swap3A_373 = arith.index_cast %add3A_335 : i32 to index
        %swap3A_374 = arith.constant 50 : index
        %swap3A_375 = tpu.vector_load %arg12[%swap3A_373, %swap3A_374] {strides = array<i32>} : memref<256x128xf32, #tpu.memory_space<vmem>>, vector<16xf32>,
        tpu.vector_store %arg12[%swap3A_373, %swap3A_374], %get3A_372 {strides = array<i32>} : memref<256x128xf32, #tpu.memory_space<vmem>>, vector<16xf32>,
        %mul3A_376 = arith.constant 2 : i32
        %mul3A_377 = arith.muli %mul3A_376, %add3A_335 : i32
        %add3A_378 = arith.constant 1 : i32
        %add3A_379 = arith.addi %mul3A_377, %add3A_378 : i32
        %get3A_380 = arith.index_cast %add3A_379 : i32 to index
        %get3A_381 = arith.constant 16 : index
        %get3A_382 = tpu.vector_load %arg11[%get3A_380, %get3A_381] {strides = array<i32>} : memref<512x64xf32, #tpu.memory_space<vmem>>, vector<16xf32>,
        %swap3A_383 = arith.index_cast %add3A_335 : i32 to index
        %swap3A_384 = arith.constant 66 : index
        %swap3A_385 = tpu.vector_load %arg12[%swap3A_383, %swap3A_384] {strides = array<i32>} : memref<256x128xf32, #tpu.memory_space<vmem>>, vector<16xf32>,
        tpu.vector_store %arg12[%swap3A_383, %swap3A_384], %get3A_382 {strides = array<i32>} : memref<256x128xf32, #tpu.memory_space<vmem>>, vector<16xf32>,
        %mul3A_386 = arith.constant 2 : i32
        %mul3A_387 = arith.muli %mul3A_386, %add3A_335 : i32
        %add3A_388 = arith.constant 1 : i32
        %add3A_389 = arith.addi %mul3A_387, %add3A_388 : i32
        %get3A_390 = arith.index_cast %add3A_389 : i32 to index
        %get3A_391 = arith.constant 32 : index
        %get3A_392 = tpu.vector_load %arg11[%get3A_390, %get3A_391] {strides = array<i32>} : memref<512x64xf32, #tpu.memory_space<vmem>>, vector<16xf32>,
        %swap3A_393 = arith.index_cast %add3A_335 : i32 to index
        %swap3A_394 = arith.constant 82 : index
        %swap3A_395 = tpu.vector_load %arg12[%swap3A_393, %swap3A_394] {strides = array<i32>} : memref<256x128xf32, #tpu.memory_space<vmem>>, vector<16xf32>,
        tpu.vector_store %arg12[%swap3A_393, %swap3A_394], %get3A_392 {strides = array<i32>} : memref<256x128xf32, #tpu.memory_space<vmem>>, vector<16xf32>,
        %mul3A_396 = arith.constant 2 : i32
        %mul3A_397 = arith.muli %mul3A_396, %add3A_335 : i32
        %add3A_398 = arith.constant 1 : i32
        %add3A_399 = arith.addi %mul3A_397, %add3A_398 : i32
        %get3A_400 = arith.index_cast %add3A_399 : i32 to index
        %get3A_401 = arith.constant 48 : index
        %get3A_402 = tpu.vector_load %arg11[%get3A_400, %get3A_401] {strides = array<i32>} : memref<512x64xf32, #tpu.memory_space<vmem>>, vector<16xf32>,
        %swap3A_403 = arith.index_cast %add3A_335 : i32 to index
        %swap3A_404 = arith.constant 98 : index
        %swap3A_405 = tpu.vector_load %arg12[%swap3A_403, %swap3A_404] masked %lt3A_2 {strides = array<i32>} : memref<256x128xf32, #tpu.memory_space<vmem>>, vector<16xf32>, vector<16xi1>
        tpu.vector_store %arg12[%swap3A_403, %swap3A_404], %get3A_402 masked %lt3A_2 {strides = array<i32>} : memref<256x128xf32, #tpu.memory_space<vmem>>, vector<16xf32>, vector<16xi1>
        %mul3A_406 = arith.constant 4 : i32
        %mul3A_407 = arith.muli %mul3A_406, %scan3A_331 : i32
        %add3A_408 = arith.constant 1 : i32
        %add3A_409 = arith.addi %mul3A_407, %add3A_408 : i32
        %mul3A_410 = arith.constant 2 : i32
        %mul3A_411 = arith.muli %mul3A_410, %add3A_409 : i32
        %get3A_412 = arith.index_cast %mul3A_411 : i32 to index
        %get3A_413 = arith.constant 0 : index
        %get3A_414 = tpu.vector_load %arg11[%get3A_412, %get3A_413] {strides = array<i32>} : memref<512x64xf32, #tpu.memory_space<vmem>>, vector<16xf32>,
        %swap3A_415 = arith.index_cast %add3A_409 : i32 to index
        %swap3A_416 = arith.constant 0 : index
        %swap3A_417 = tpu.vector_load %arg12[%swap3A_415, %swap3A_416] {strides = array<i32>} : memref<256x128xf32, #tpu.memory_space<vmem>>, vector<16xf32>,
        tpu.vector_store %arg12[%swap3A_415, %swap3A_416], %get3A_414 {strides = array<i32>} : memref<256x128xf32, #tpu.memory_space<vmem>>, vector<16xf32>,
        %mul3A_418 = arith.constant 2 : i32
        %mul3A_419 = arith.muli %mul3A_418, %add3A_409 : i32
        %get3A_420 = arith.index_cast %mul3A_419 : i32 to index
        %get3A_421 = arith.constant 16 : index
        %get3A_422 = tpu.vector_load %arg11[%get3A_420, %get3A_421] {strides = array<i32>} : memref<512x64xf32, #tpu.memory_space<vmem>>, vector<16xf32>,
        %swap3A_423 = arith.index_cast %add3A_409 : i32 to index
        %swap3A_424 = arith.constant 16 : index
        %swap3A_425 = tpu.vector_load %arg12[%swap3A_423, %swap3A_424] {strides = array<i32>} : memref<256x128xf32, #tpu.memory_space<vmem>>, vector<16xf32>,
        tpu.vector_store %arg12[%swap3A_423, %swap3A_424], %get3A_422 {strides = array<i32>} : memref<256x128xf32, #tpu.memory_space<vmem>>, vector<16xf32>,
        %mul3A_426 = arith.constant 2 : i32
        %mul3A_427 = arith.muli %mul3A_426, %add3A_409 : i32
        %get3A_428 = arith.index_cast %mul3A_427 : i32 to index
        %get3A_429 = arith.constant 32 : index
        %get3A_430 = tpu.vector_load %arg11[%get3A_428, %get3A_429] {strides = array<i32>} : memref<512x64xf32, #tpu.memory_space<vmem>>, vector<16xf32>,
        %swap3A_431 = arith.index_cast %add3A_409 : i32 to index
        %swap3A_432 = arith.constant 32 : index
        %swap3A_433 = tpu.vector_load %arg12[%swap3A_431, %swap3A_432] {strides = array<i32>} : memref<256x128xf32, #tpu.memory_space<vmem>>, vector<16xf32>,
        tpu.vector_store %arg12[%swap3A_431, %swap3A_432], %get3A_430 {strides = array<i32>} : memref<256x128xf32, #tpu.memory_space<vmem>>, vector<16xf32>,
        %mul3A_434 = arith.constant 2 : i32
        %mul3A_435 = arith.muli %mul3A_434, %add3A_409 : i32
        %get3A_436 = arith.index_cast %mul3A_435 : i32 to index
        %get3A_437 = arith.constant 48 : index
        %get3A_438 = tpu.vector_load %arg11[%get3A_436, %get3A_437] {strides = array<i32>} : memref<512x64xf32, #tpu.memory_space<vmem>>, vector<16xf32>,
        %swap3A_439 = arith.index_cast %add3A_409 : i32 to index
        %swap3A_440 = arith.constant 48 : index
        %swap3A_441 = tpu.vector_load %arg12[%swap3A_439, %swap3A_440] masked %lt3A_2 {strides = array<i32>} : memref<256x128xf32, #tpu.memory_space<vmem>>, vector<16xf32>, vector<16xi1>
        tpu.vector_store %arg12[%swap3A_439, %swap3A_440], %get3A_438 masked %lt3A_2 {strides = array<i32>} : memref<256x128xf32, #tpu.memory_space<vmem>>, vector<16xf32>, vector<16xi1>
        %mul3A_442 = arith.constant 2 : i32
        %mul3A_443 = arith.muli %mul3A_442, %add3A_409 : i32
        %add3A_444 = arith.constant 1 : i32
        %add3A_445 = arith.addi %mul3A_443, %add3A_444 : i32
        %get3A_446 = arith.index_cast %add3A_445 : i32 to index
        %get3A_447 = arith.constant 0 : index
        %get3A_448 = tpu.vector_load %arg11[%get3A_446, %get3A_447] {strides = array<i32>} : memref<512x64xf32, #tpu.memory_space<vmem>>, vector<16xf32>,
        %swap3A_449 = arith.index_cast %add3A_409 : i32 to index
        %swap3A_450 = arith.constant 50 : index
        %swap3A_451 = tpu.vector_load %arg12[%swap3A_449, %swap3A_450] {strides = array<i32>} : memref<256x128xf32, #tpu.memory_space<vmem>>, vector<16xf32>,
        tpu.vector_store %arg12[%swap3A_449, %swap3A_450], %get3A_448 {strides = array<i32>} : memref<256x128xf32, #tpu.memory_space<vmem>>, vector<16xf32>,
        %mul3A_452 = arith.constant 2 : i32
        %mul3A_453 = arith.muli %mul3A_452, %add3A_409 : i32
        %add3A_454 = arith.constant 1 : i32
        %add3A_455 = arith.addi %mul3A_453, %add3A_454 : i32
        %get3A_456 = arith.index_cast %add3A_455 : i32 to index
        %get3A_457 = arith.constant 16 : index
        %get3A_458 = tpu.vector_load %arg11[%get3A_456, %get3A_457] {strides = array<i32>} : memref<512x64xf32, #tpu.memory_space<vmem>>, vector<16xf32>,
        %swap3A_459 = arith.index_cast %add3A_409 : i32 to index
        %swap3A_460 = arith.constant 66 : index
        %swap3A_461 = tpu.vector_load %arg12[%swap3A_459, %swap3A_460] {strides = array<i32>} : memref<256x128xf32, #tpu.memory_space<vmem>>, vector<16xf32>,
        tpu.vector_store %arg12[%swap3A_459, %swap3A_460], %get3A_458 {strides = array<i32>} : memref<256x128xf32, #tpu.memory_space<vmem>>, vector<16xf32>,
        %mul3A_462 = arith.constant 2 : i32
        %mul3A_463 = arith.muli %mul3A_462, %add3A_409 : i32
        %add3A_464 = arith.constant 1 : i32
        %add3A_465 = arith.addi %mul3A_463, %add3A_464 : i32
        %get3A_466 = arith.index_cast %add3A_465 : i32 to index
        %get3A_467 = arith.constant 32 : index
        %get3A_468 = tpu.vector_load %arg11[%get3A_466, %get3A_467] {strides = array<i32>} : memref<512x64xf32, #tpu.memory_space<vmem>>, vector<16xf32>,
        %swap3A_469 = arith.index_cast %add3A_409 : i32 to index
        %swap3A_470 = arith.constant 82 : index
        %swap3A_471 = tpu.vector_load %arg12[%swap3A_469, %swap3A_470] {strides = array<i32>} : memref<256x128xf32, #tpu.memory_space<vmem>>, vector<16xf32>,
        tpu.vector_store %arg12[%swap3A_469, %swap3A_470], %get3A_468 {strides = array<i32>} : memref<256x128xf32, #tpu.memory_space<vmem>>, vector<16xf32>,
        %mul3A_472 = arith.constant 2 : i32
        %mul3A_473 = arith.muli %mul3A_472, %add3A_409 : i32
        %add3A_474 = arith.constant 1 : i32
        %add3A_475 = arith.addi %mul3A_473, %add3A_474 : i32
        %get3A_476 = arith.index_cast %add3A_475 : i32 to index
        %get3A_477 = arith.constant 48 : index
        %get3A_478 = tpu.vector_load %arg11[%get3A_476, %get3A_477] {strides = array<i32>} : memref<512x64xf32, #tpu.memory_space<vmem>>, vector<16xf32>,
        %swap3A_479 = arith.index_cast %add3A_409 : i32 to index
        %swap3A_480 = arith.constant 98 : index
        %swap3A_481 = tpu.vector_load %arg12[%swap3A_479, %swap3A_480] masked %lt3A_2 {strides = array<i32>} : memref<256x128xf32, #tpu.memory_space<vmem>>, vector<16xf32>, vector<16xi1>
        tpu.vector_store %arg12[%swap3A_479, %swap3A_480], %get3A_478 masked %lt3A_2 {strides = array<i32>} : memref<256x128xf32, #tpu.memory_space<vmem>>, vector<16xf32>, vector<16xi1>
        %mul3A_482 = arith.constant 4 : i32
        %mul3A_483 = arith.muli %mul3A_482, %scan3A_331 : i32
        %add3A_484 = arith.constant 2 : i32
        %add3A_485 = arith.addi %mul3A_483, %add3A_484 : i32
        %mul3A_486 = arith.constant 2 : i32
        %mul3A_487 = arith.muli %mul3A_486, %add3A_485 : i32
        %get3A_488 = arith.index_cast %mul3A_487 : i32 to index
        %get3A_489 = arith.constant 0 : index
        %get3A_490 = tpu.vector_load %arg11[%get3A_488, %get3A_489] {strides = array<i32>} : memref<512x64xf32, #tpu.memory_space<vmem>>, vector<16xf32>,
        %swap3A_491 = arith.index_cast %add3A_485 : i32 to index
        %swap3A_492 = arith.constant 0 : index
        %swap3A_493 = tpu.vector_load %arg12[%swap3A_491, %swap3A_492] {strides = array<i32>} : memref<256x128xf32, #tpu.memory_space<vmem>>, vector<16xf32>,
        tpu.vector_store %arg12[%swap3A_491, %swap3A_492], %get3A_490 {strides = array<i32>} : memref<256x128xf32, #tpu.memory_space<vmem>>, vector<16xf32>,
        %mul3A_494 = arith.constant 2 : i32
        %mul3A_495 = arith.muli %mul3A_494, %add3A_485 : i32
        %get3A_496 = arith.index_cast %mul3A_495 : i32 to index
        %get3A_497 = arith.constant 16 : index
        %get3A_498 = tpu.vector_load %arg11[%get3A_496, %get3A_497] {strides = array<i32>} : memref<512x64xf32, #tpu.memory_space<vmem>>, vector<16xf32>,
        %swap3A_499 = arith.index_cast %add3A_485 : i32 to index
        %swap3A_500 = arith.constant 16 : index
        %swap3A_501 = tpu.vector_load %arg12[%swap3A_499, %swap3A_500] {strides = array<i32>} : memref<256x128xf32, #tpu.memory_space<vmem>>, vector<16xf32>,
        tpu.vector_store %arg12[%swap3A_499, %swap3A_500], %get3A_498 {strides = array<i32>} : memref<256x128xf32, #tpu.memory_space<vmem>>, vector<16xf32>,
        %mul3A_502 = arith.constant 2 : i32
        %mul3A_503 = arith.muli %mul3A_502, %add3A_485 : i32
        %get3A_504 = arith.index_cast %mul3A_503 : i32 to index
        %get3A_505 = arith.constant 32 : index
        %get3A_506 = tpu.vector_load %arg11[%get3A_504, %get3A_505] {strides = array<i32>} : memref<512x64xf32, #tpu.memory_space<vmem>>, vector<16xf32>,
        %swap3A_507 = arith.index_cast %add3A_485 : i32 to index
        %swap3A_508 = arith.constant 32 : index
        %swap3A_509 = tpu.vector_load %arg12[%swap3A_507, %swap3A_508] {strides = array<i32>} : memref<256x128xf32, #tpu.memory_space<vmem>>, vector<16xf32>,
        tpu.vector_store %arg12[%swap3A_507, %swap3A_508], %get3A_506 {strides = array<i32>} : memref<256x128xf32, #tpu.memory_space<vmem>>, vector<16xf32>,
        %mul3A_510 = arith.constant 2 : i32
        %mul3A_511 = arith.muli %mul3A_510, %add3A_485 : i32
        %get3A_512 = arith.index_cast %mul3A_511 : i32 to index
        %get3A_513 = arith.constant 48 : index
        %get3A_514 = tpu.vector_load %arg11[%get3A_512, %get3A_513] {strides = array<i32>} : memref<512x64xf32, #tpu.memory_space<vmem>>, vector<16xf32>,
        %swap3A_515 = arith.index_cast %add3A_485 : i32 to index
        %swap3A_516 = arith.constant 48 : index
        %swap3A_517 = tpu.vector_load %arg12[%swap3A_515, %swap3A_516] masked %lt3A_2 {strides = array<i32>} : memref<256x128xf32, #tpu.memory_space<vmem>>, vector<16xf32>, vector<16xi1>
        tpu.vector_store %arg12[%swap3A_515, %swap3A_516], %get3A_514 masked %lt3A_2 {strides = array<i32>} : memref<256x128xf32, #tpu.memory_space<vmem>>, vector<16xf32>, vector<16xi1>
        %mul3A_518 = arith.constant 2 : i32
        %mul3A_519 = arith.muli %mul3A_518, %add3A_485 : i32
        %add3A_520 = arith.constant 1 : i32
        %add3A_521 = arith.addi %mul3A_519, %add3A_520 : i32
        %get3A_522 = arith.index_cast %add3A_521 : i32 to index
        %get3A_523 = arith.constant 0 : index
        %get3A_524 = tpu.vector_load %arg11[%get3A_522, %get3A_523] {strides = array<i32>} : memref<512x64xf32, #tpu.memory_space<vmem>>, vector<16xf32>,
        %swap3A_525 = arith.index_cast %add3A_485 : i32 to index
        %swap3A_526 = arith.constant 50 : index
        %swap3A_527 = tpu.vector_load %arg12[%swap3A_525, %swap3A_526] {strides = array<i32>} : memref<256x128xf32, #tpu.memory_space<vmem>>, vector<16xf32>,
        tpu.vector_store %arg12[%swap3A_525, %swap3A_526], %get3A_524 {strides = array<i32>} : memref<256x128xf32, #tpu.memory_space<vmem>>, vector<16xf32>,
        %mul3A_528 = arith.constant 2 : i32
        %mul3A_529 = arith.muli %mul3A_528, %add3A_485 : i32
        %add3A_530 = arith.constant 1 : i32
        %add3A_531 = arith.addi %mul3A_529, %add3A_530 : i32
        %get3A_532 = arith.index_cast %add3A_531 : i32 to index
        %get3A_533 = arith.constant 16 : index
        %get3A_534 = tpu.vector_load %arg11[%get3A_532, %get3A_533] {strides = array<i32>} : memref<512x64xf32, #tpu.memory_space<vmem>>, vector<16xf32>,
        %swap3A_535 = arith.index_cast %add3A_485 : i32 to index
        %swap3A_536 = arith.constant 66 : index
        %swap3A_537 = tpu.vector_load %arg12[%swap3A_535, %swap3A_536] {strides = array<i32>} : memref<256x128xf32, #tpu.memory_space<vmem>>, vector<16xf32>,
        tpu.vector_store %arg12[%swap3A_535, %swap3A_536], %get3A_534 {strides = array<i32>} : memref<256x128xf32, #tpu.memory_space<vmem>>, vector<16xf32>,
        %mul3A_538 = arith.constant 2 : i32
        %mul3A_539 = arith.muli %mul3A_538, %add3A_485 : i32
        %add3A_540 = arith.constant 1 : i32
        %add3A_541 = arith.addi %mul3A_539, %add3A_540 : i32
        %get3A_542 = arith.index_cast %add3A_541 : i32 to index
        %get3A_543 = arith.constant 32 : index
        %get3A_544 = tpu.vector_load %arg11[%get3A_542, %get3A_543] {strides = array<i32>} : memref<512x64xf32, #tpu.memory_space<vmem>>, vector<16xf32>,
        %swap3A_545 = arith.index_cast %add3A_485 : i32 to index
        %swap3A_546 = arith.constant 82 : index
        %swap3A_547 = tpu.vector_load %arg12[%swap3A_545, %swap3A_546] {strides = array<i32>} : memref<256x128xf32, #tpu.memory_space<vmem>>, vector<16xf32>,
        tpu.vector_store %arg12[%swap3A_545, %swap3A_546], %get3A_544 {strides = array<i32>} : memref<256x128xf32, #tpu.memory_space<vmem>>, vector<16xf32>,
        %mul3A_548 = arith.constant 2 : i32
        %mul3A_549 = arith.muli %mul3A_548, %add3A_485 : i32
        %add3A_550 = arith.constant 1 : i32
        %add3A_551 = arith.addi %mul3A_549, %add3A_550 : i32
        %get3A_552 = arith.index_cast %add3A_551 : i32 to index
        %get3A_553 = arith.constant 48 : index
        %get3A_554 = tpu.vector_load %arg11[%get3A_552, %get3A_553] {strides = array<i32>} : memref<512x64xf32, #tpu.memory_space<vmem>>, vector<16xf32>,
        %swap3A_555 = arith.index_cast %add3A_485 : i32 to index
        %swap3A_556 = arith.constant 98 : index
        %swap3A_557 = tpu.vector_load %arg12[%swap3A_555, %swap3A_556] masked %lt3A_2 {strides = array<i32>} : memref<256x128xf32, #tpu.memory_space<vmem>>, vector<16xf32>, vector<16xi1>
        tpu.vector_store %arg12[%swap3A_555, %swap3A_556], %get3A_554 masked %lt3A_2 {strides = array<i32>} : memref<256x128xf32, #tpu.memory_space<vmem>>, vector<16xf32>, vector<16xi1>
        %mul3A_558 = arith.constant 4 : i32
        %mul3A_559 = arith.muli %mul3A_558, %scan3A_331 : i32
        %add3A_560 = arith.constant 3 : i32
        %add3A_561 = arith.addi %mul3A_559, %add3A_560 : i32
        %mul3A_562 = arith.constant 2 : i32
        %mul3A_563 = arith.muli %mul3A_562, %add3A_561 : i32
        %get3A_564 = arith.index_cast %mul3A_563 : i32 to index
        %get3A_565 = arith.constant 0 : index
        %get3A_566 = tpu.vector_load %arg11[%get3A_564, %get3A_565] {strides = array<i32>} : memref<512x64xf32, #tpu.memory_space<vmem>>, vector<16xf32>,
        %swap3A_567 = arith.index_cast %add3A_561 : i32 to index
        %swap3A_568 = arith.constant 0 : index
        %swap3A_569 = tpu.vector_load %arg12[%swap3A_567, %swap3A_568] {strides = array<i32>} : memref<256x128xf32, #tpu.memory_space<vmem>>, vector<16xf32>,
        tpu.vector_store %arg12[%swap3A_567, %swap3A_568], %get3A_566 {strides = array<i32>} : memref<256x128xf32, #tpu.memory_space<vmem>>, vector<16xf32>,
        %mul3A_570 = arith.constant 2 : i32
        %mul3A_571 = arith.muli %mul3A_570, %add3A_561 : i32
        %get3A_572 = arith.index_cast %mul3A_571 : i32 to index
        %get3A_573 = arith.constant 16 : index
        %get3A_574 = tpu.vector_load %arg11[%get3A_572, %get3A_573] {strides = array<i32>} : memref<512x64xf32, #tpu.memory_space<vmem>>, vector<16xf32>,
        %swap3A_575 = arith.index_cast %add3A_561 : i32 to index
        %swap3A_576 = arith.constant 16 : index
        %swap3A_577 = tpu.vector_load %arg12[%swap3A_575, %swap3A_576] {strides = array<i32>} : memref<256x128xf32, #tpu.memory_space<vmem>>, vector<16xf32>,
        tpu.vector_store %arg12[%swap3A_575, %swap3A_576], %get3A_574 {strides = array<i32>} : memref<256x128xf32, #tpu.memory_space<vmem>>, vector<16xf32>,
        %mul3A_578 = arith.constant 2 : i32
        %mul3A_579 = arith.muli %mul3A_578, %add3A_561 : i32
        %get3A_580 = arith.index_cast %mul3A_579 : i32 to index
        %get3A_581 = arith.constant 32 : index
        %get3A_582 = tpu.vector_load %arg11[%get3A_580, %get3A_581] {strides = array<i32>} : memref<512x64xf32, #tpu.memory_space<vmem>>, vector<16xf32>,
        %swap3A_583 = arith.index_cast %add3A_561 : i32 to index
        %swap3A_584 = arith.constant 32 : index
        %swap3A_585 = tpu.vector_load %arg12[%swap3A_583, %swap3A_584] {strides = array<i32>} : memref<256x128xf32, #tpu.memory_space<vmem>>, vector<16xf32>,
        tpu.vector_store %arg12[%swap3A_583, %swap3A_584], %get3A_582 {strides = array<i32>} : memref<256x128xf32, #tpu.memory_space<vmem>>, vector<16xf32>,
        %mul3A_586 = arith.constant 2 : i32
        %mul3A_587 = arith.muli %mul3A_586, %add3A_561 : i32
        %get3A_588 = arith.index_cast %mul3A_587 : i32 to index
        %get3A_589 = arith.constant 48 : index
        %get3A_590 = tpu.vector_load %arg11[%get3A_588, %get3A_589] {strides = array<i32>} : memref<512x64xf32, #tpu.memory_space<vmem>>, vector<16xf32>,
        %swap3A_591 = arith.index_cast %add3A_561 : i32 to index
        %swap3A_592 = arith.constant 48 : index
        %swap3A_593 = tpu.vector_load %arg12[%swap3A_591, %swap3A_592] masked %lt3A_2 {strides = array<i32>} : memref<256x128xf32, #tpu.memory_space<vmem>>, vector<16xf32>, vector<16xi1>
        tpu.vector_store %arg12[%swap3A_591, %swap3A_592], %get3A_590 masked %lt3A_2 {strides = array<i32>} : memref<256x128xf32, #tpu.memory_space<vmem>>, vector<16xf32>, vector<16xi1>
        %mul3A_594 = arith.constant 2 : i32
        %mul3A_595 = arith.muli %mul3A_594, %add3A_561 : i32
        %add3A_596 = arith.constant 1 : i32
        %add3A_597 = arith.addi %mul3A_595, %add3A_596 : i32
        %get3A_598 = arith.index_cast %add3A_597 : i32 to index
        %get3A_599 = arith.constant 0 : index
        %get3A_600 = tpu.vector_load %arg11[%get3A_598, %get3A_599] {strides = array<i32>} : memref<512x64xf32, #tpu.memory_space<vmem>>, vector<16xf32>,
        %swap3A_601 = arith.index_cast %add3A_561 : i32 to index
        %swap3A_602 = arith.constant 50 : index
        %swap3A_603 = tpu.vector_load %arg12[%swap3A_601, %swap3A_602] {strides = array<i32>} : memref<256x128xf32, #tpu.memory_space<vmem>>, vector<16xf32>,
        tpu.vector_store %arg12[%swap3A_601, %swap3A_602], %get3A_600 {strides = array<i32>} : memref<256x128xf32, #tpu.memory_space<vmem>>, vector<16xf32>,
        %mul3A_604 = arith.constant 2 : i32
        %mul3A_605 = arith.muli %mul3A_604, %add3A_561 : i32
        %add3A_606 = arith.constant 1 : i32
        %add3A_607 = arith.addi %mul3A_605, %add3A_606 : i32
        %get3A_608 = arith.index_cast %add3A_607 : i32 to index
        %get3A_609 = arith.constant 16 : index
        %get3A_610 = tpu.vector_load %arg11[%get3A_608, %get3A_609] {strides = array<i32>} : memref<512x64xf32, #tpu.memory_space<vmem>>, vector<16xf32>,
        %swap3A_611 = arith.index_cast %add3A_561 : i32 to index
        %swap3A_612 = arith.constant 66 : index
        %swap3A_613 = tpu.vector_load %arg12[%swap3A_611, %swap3A_612] {strides = array<i32>} : memref<256x128xf32, #tpu.memory_space<vmem>>, vector<16xf32>,
        tpu.vector_store %arg12[%swap3A_611, %swap3A_612], %get3A_610 {strides = array<i32>} : memref<256x128xf32, #tpu.memory_space<vmem>>, vector<16xf32>,
        %mul3A_614 = arith.constant 2 : i32
        %mul3A_615 = arith.muli %mul3A_614, %add3A_561 : i32
        %add3A_616 = arith.constant 1 : i32
        %add3A_617 = arith.addi %mul3A_615, %add3A_616 : i32
        %get3A_618 = arith.index_cast %add3A_617 : i32 to index
        %get3A_619 = arith.constant 32 : index
        %get3A_620 = tpu.vector_load %arg11[%get3A_618, %get3A_619] {strides = array<i32>} : memref<512x64xf32, #tpu.memory_space<vmem>>, vector<16xf32>,
        %swap3A_621 = arith.index_cast %add3A_561 : i32 to index
        %swap3A_622 = arith.constant 82 : index
        %swap3A_623 = tpu.vector_load %arg12[%swap3A_621, %swap3A_622] {strides = array<i32>} : memref<256x128xf32, #tpu.memory_space<vmem>>, vector<16xf32>,
        tpu.vector_store %arg12[%swap3A_621, %swap3A_622], %get3A_620 {strides = array<i32>} : memref<256x128xf32, #tpu.memory_space<vmem>>, vector<16xf32>,
        %mul3A_624 = arith.constant 2 : i32
        %mul3A_625 = arith.muli %mul3A_624, %add3A_561 : i32
        %add3A_626 = arith.constant 1 : i32
        %add3A_627 = arith.addi %mul3A_625, %add3A_626 : i32
        %get3A_628 = arith.index_cast %add3A_627 : i32 to index
        %get3A_629 = arith.constant 48 : index
        %get3A_630 = tpu.vector_load %arg11[%get3A_628, %get3A_629] {strides = array<i32>} : memref<512x64xf32, #tpu.memory_space<vmem>>, vector<16xf32>,
        %swap3A_631 = arith.index_cast %add3A_561 : i32 to index
        %swap3A_632 = arith.constant 98 : index
        %swap3A_633 = tpu.vector_load %arg12[%swap3A_631, %swap3A_632] masked %lt3A_2 {strides = array<i32>} : memref<256x128xf32, #tpu.memory_space<vmem>>, vector<16xf32>, vector<16xi1>
        tpu.vector_store %arg12[%swap3A_631, %swap3A_632], %get3A_630 masked %lt3A_2 {strides = array<i32>} : memref<256x128xf32, #tpu.memory_space<vmem>>, vector<16xf32>, vector<16xi1>
      }
      %scan3A_327 = arith.constant 64 : i32
      %mul3A_328 = arith.constant 256 : i32
      %mul3A_329 = arith.muli %add3A_321, %mul3A_328 : i32
      %add3A_330 = arith.addi %mul3A_4, %mul3A_329 : i32
      "tpu.region"() ({
        %run_scoped3A = tpu.sem_alloc : memref<!tpu.dma_semaphore, #tpu.memory_space<semaphore_mem>>
        %dma_start3A_331 = arith.constant 0 : i32
        %dma_start3A_332 = tpu.memref_slice %arg5[%add3A_330, %dma_start3A_331] : memref<262144x128xf32, #tpu.memory_space<hbm>> -> memref<256x128xf32, #tpu.memory_space<hbm>>
        %dma_start3A_333 = arith.constant 0 : i32
        %dma_start3A_334 = tpu.memref_slice %arg5[%add3A_330, %dma_start3A_333] : memref<262144x128xf32, #tpu.memory_space<hbm>> -> memref<256x128xf32, #tpu.memory_space<hbm>>
        tpu.enqueue_dma source(%arg12 : memref<256x128xf32, #tpu.memory_space<vmem>>) target(%dma_start3A_334 : memref<256x128xf32, #tpu.memory_space<hbm>>) target_semaphore(%run_scoped3A : memref<!tpu.dma_semaphore, #tpu.memory_space<semaphore_mem>>)
        %dma_wait3A_335 = arith.constant 0 : i32
        %dma_wait3A_336 = tpu.memref_slice %arg5[%add3A_330, %dma_wait3A_335] : memref<262144x128xf32, #tpu.memory_space<hbm>> -> memref<256x128xf32, #tpu.memory_space<hbm>>
        %dma_wait3A_337 = arith.constant 0 : i32
        %dma_wait3A_338 = tpu.memref_slice %arg5[%add3A_330, %dma_wait3A_337] : memref<262144x128xf32, #tpu.memory_space<hbm>> -> memref<256x128xf32, #tpu.memory_space<hbm>>
        tpu.wait_dma2 semaphore(%run_scoped3A : memref<!tpu.dma_semaphore, #tpu.memory_space<semaphore_mem>>) src(%arg12 : memref<256x128xf32, #tpu.memory_space<vmem>>) dst(%dma_wait3A_338 : memref<256x128xf32, #tpu.memory_space<hbm>>)
        tpu.yield
      }) : () -> ()
    }
    %scan3A_46 = arith.constant 15 : i32
    %scan3A_47 = arith.constant 0 : i32
    %scan3A_48 = arith.constant 0 : i32
    %scan3A_49 = arith.constant 16 : i32
    %scan3A_50 = arith.addi %scan3A_48, %scan3A_49 : i32
    %scan3A_51 = arith.constant 1 : i32
    scf.for %scan3A_164 = %scan3A_48 to %scan3A_50 step %scan3A_51  : i32 {
      %mul3A_165 = arith.constant 16 : i32
      %mul3A_166 = arith.muli %scan3A_164, %mul3A_165 : i32
      %add3A_167 = arith.constant 7936 : i32
      %add3A_168 = arith.addi %add3A_167, %mul3A_166 : i32
      %get3A = arith.index_cast %add3A_168 : i32 to index
      %get3A_169 = tpu.vector_load %arg6[%get3A] {strides = array<i32>} : memref<8192xi32, #tpu.memory_space<vmem>>, vector<16xi32>,
      %mul3A_170 = arith.constant 16 : i32
      %mul3A_171 = arith.muli %scan3A_164, %mul3A_170 : i32
      %add3A_172 = arith.constant 7936 : i32
      %add3A_173 = arith.addi %add3A_172, %mul3A_171 : i32
      %get3A_174 = arith.index_cast %add3A_173 : i32 to index
      %get3A_175 = tpu.vector_load %arg7[%get3A_174] {strides = array<i32>} : memref<8192xi32, #tpu.memory_space<vmem>>, vector<16xi32>,
      %add3A_176 = arith.constant 12000 : i32
      %add3A_177 = vector.broadcast %add3A_176 : i32 to vector<16xi32>
      %add3A_178 = arith.addi %get3A_175, %add3A_177 : vector<16xi32>
      %mul3A_179 = arith.constant 32 : i32
      %mul3A_180 = arith.muli %mul3A_179, %scan3A_164 : i32
      %mul3A_181 = arith.constant 2 : i32
      %mul3A_182 = vector.broadcast %mul3A_181 : i32 to vector<16xi32>
      %mul3A_183 = arith.muli %mul3A_182, %iota3A : vector<16xi32>
      %add3A_184 = vector.broadcast %mul3A_180 : i32 to vector<16xi32>
      %add3A_185 = arith.addi %add3A_184, %mul3A_183 : vector<16xi32>
      tpu.vector_store_idx %arg9[%add3A_185], %get3A_169 : memref<512xi32, #tpu.memory_space<vmem>>[vector<16xi32>], vector<16xi32>,
      %add3A_186 = arith.constant 1 : i32
      %add3A_187 = vector.broadcast %add3A_186 : i32 to vector<16xi32>
      %add3A_188 = arith.addi %add3A_185, %add3A_187 : vector<16xi32>
      tpu.vector_store_idx %arg9[%add3A_188], %add3A_178 : memref<512xi32, #tpu.memory_space<vmem>>[vector<16xi32>], vector<16xi32>,
    }
    %scan3A_52 = arith.constant 16 : i32
    %dma_start3A_53 = arith.constant 0 : i32
    %dma_start3A_54 = arith.constant 0 : i32
    %dma_start3A_55 = tpu.memref_slice %arg11[%dma_start3A_53, %dma_start3A_54] : memref<512x64xf32, #tpu.memory_space<vmem>> -> memref<128x64xf32, #tpu.memory_space<vmem>>
    %dma_start3A_56 = arith.constant 0 : i32
    %dma_start3A_57 = tpu.memref_slice %arg9[%dma_start3A_56] : memref<512xi32, #tpu.memory_space<vmem>> -> memref<128xi32, #tpu.memory_space<vmem>>
    %dma_start3A_58 = arith.constant 0 : i32
    %dma_start3A_59 = arith.constant 0 : i32
    %dma_start3A_60 = tpu.memref_slice %arg2[%dma_start3A_58, %dma_start3A_59] : memref<112000x64xf32, #tpu.memory_space<hbm>> -> memref<112000x64xf32, #tpu.memory_space<hbm>>
    tpu.enqueue_indirect_dma source(%dma_start3A_60 : memref<112000x64xf32, #tpu.memory_space<hbm>>) target(%dma_start3A_55 : memref<128x64xf32, #tpu.memory_space<vmem>>) offsets(%dma_start3A_57 : memref<128xi32, #tpu.memory_space<vmem>>) semaphore(%arg14 : memref<!tpu.dma_semaphore, #tpu.memory_space<semaphore_mem>>)
    %dma_start3A_61 = arith.constant 128 : i32
    %dma_start3A_62 = arith.constant 0 : i32
    %dma_start3A_63 = tpu.memref_slice %arg11[%dma_start3A_61, %dma_start3A_62] : memref<512x64xf32, #tpu.memory_space<vmem>> -> memref<128x64xf32, #tpu.memory_space<vmem>>
    %dma_start3A_64 = arith.constant 128 : i32
    %dma_start3A_65 = tpu.memref_slice %arg9[%dma_start3A_64] : memref<512xi32, #tpu.memory_space<vmem>> -> memref<128xi32, #tpu.memory_space<vmem>>
    %dma_start3A_66 = arith.constant 0 : i32
    %dma_start3A_67 = arith.constant 0 : i32
    %dma_start3A_68 = tpu.memref_slice %arg2[%dma_start3A_66, %dma_start3A_67] : memref<112000x64xf32, #tpu.memory_space<hbm>> -> memref<112000x64xf32, #tpu.memory_space<hbm>>
    tpu.enqueue_indirect_dma source(%dma_start3A_68 : memref<112000x64xf32, #tpu.memory_space<hbm>>) target(%dma_start3A_63 : memref<128x64xf32, #tpu.memory_space<vmem>>) offsets(%dma_start3A_65 : memref<128xi32, #tpu.memory_space<vmem>>) semaphore(%arg14 : memref<!tpu.dma_semaphore, #tpu.memory_space<semaphore_mem>>)
    %dma_start3A_69 = arith.constant 256 : i32
    %dma_start3A_70 = arith.constant 0 : i32
    %dma_start3A_71 = tpu.memref_slice %arg11[%dma_start3A_69, %dma_start3A_70] : memref<512x64xf32, #tpu.memory_space<vmem>> -> memref<128x64xf32, #tpu.memory_space<vmem>>
    %dma_start3A_72 = arith.constant 256 : i32
    %dma_start3A_73 = tpu.memref_slice %arg9[%dma_start3A_72] : memref<512xi32, #tpu.memory_space<vmem>> -> memref<128xi32, #tpu.memory_space<vmem>>
    %dma_start3A_74 = arith.constant 0 : i32
    %dma_start3A_75 = arith.constant 0 : i32
    %dma_start3A_76 = tpu.memref_slice %arg2[%dma_start3A_74, %dma_start3A_75] : memref<112000x64xf32, #tpu.memory_space<hbm>> -> memref<112000x64xf32, #tpu.memory_space<hbm>>
    tpu.enqueue_indirect_dma source(%dma_start3A_76 : memref<112000x64xf32, #tpu.memory_space<hbm>>) target(%dma_start3A_71 : memref<128x64xf32, #tpu.memory_space<vmem>>) offsets(%dma_start3A_73 : memref<128xi32, #tpu.memory_space<vmem>>) semaphore(%arg14 : memref<!tpu.dma_semaphore, #tpu.memory_space<semaphore_mem>>)
    %dma_start3A_77 = arith.constant 384 : i32
    %dma_start3A_78 = arith.constant 0 : i32
    %dma_start3A_79 = tpu.memref_slice %arg11[%dma_start3A_77, %dma_start3A_78] : memref<512x64xf32, #tpu.memory_space<vmem>> -> memref<128x64xf32, #tpu.memory_space<vmem>>
    %dma_start3A_80 = arith.constant 384 : i32
    %dma_start3A_81 = tpu.memref_slice %arg9[%dma_start3A_80] : memref<512xi32, #tpu.memory_space<vmem>> -> memref<128xi32, #tpu.memory_space<vmem>>
    %dma_start3A_82 = arith.constant 0 : i32
    %dma_start3A_83 = arith.constant 0 : i32
    %dma_start3A_84 = tpu.memref_slice %arg2[%dma_start3A_82, %dma_start3A_83] : memref<112000x64xf32, #tpu.memory_space<hbm>> -> memref<112000x64xf32, #tpu.memory_space<hbm>>
    tpu.enqueue_indirect_dma source(%dma_start3A_84 : memref<112000x64xf32, #tpu.memory_space<hbm>>) target(%dma_start3A_79 : memref<128x64xf32, #tpu.memory_space<vmem>>) offsets(%dma_start3A_81 : memref<128xi32, #tpu.memory_space<vmem>>) semaphore(%arg14 : memref<!tpu.dma_semaphore, #tpu.memory_space<semaphore_mem>>)
    %dma_wait3A = arith.constant 0 : i32
    %dma_wait3A_85 = arith.constant 0 : i32
    %dma_wait3A_86 = tpu.memref_slice %arg10[%dma_wait3A, %dma_wait3A_85] : memref<512x64xf32, #tpu.memory_space<vmem>> -> memref<128x64xf32, #tpu.memory_space<vmem>>
    %dma_wait3A_87 = arith.constant 0 : i32
    %dma_wait3A_88 = tpu.memref_slice %arg8[%dma_wait3A_87] : memref<512xi32, #tpu.memory_space<vmem>> -> memref<128xi32, #tpu.memory_space<vmem>>
    %dma_wait3A_89 = arith.constant 0 : i32
    %dma_wait3A_90 = arith.constant 0 : i32
    %dma_wait3A_91 = tpu.memref_slice %arg2[%dma_wait3A_89, %dma_wait3A_90] : memref<112000x64xf32, #tpu.memory_space<hbm>> -> memref<112000x64xf32, #tpu.memory_space<hbm>>
    tpu.wait_indirect_dma semaphore(%arg13 : memref<!tpu.dma_semaphore, #tpu.memory_space<semaphore_mem>>) src(%dma_wait3A_91 : memref<112000x64xf32, #tpu.memory_space<hbm>>) dst(%dma_wait3A_86 : memref<128x64xf32, #tpu.memory_space<vmem>>)
    %dma_wait3A_92 = arith.constant 128 : i32
    %dma_wait3A_93 = arith.constant 0 : i32
    %dma_wait3A_94 = tpu.memref_slice %arg10[%dma_wait3A_92, %dma_wait3A_93] : memref<512x64xf32, #tpu.memory_space<vmem>> -> memref<128x64xf32, #tpu.memory_space<vmem>>
    %dma_wait3A_95 = arith.constant 0 : i32
    %dma_wait3A_96 = tpu.memref_slice %arg8[%dma_wait3A_95] : memref<512xi32, #tpu.memory_space<vmem>> -> memref<128xi32, #tpu.memory_space<vmem>>
    %dma_wait3A_97 = arith.constant 0 : i32
    %dma_wait3A_98 = arith.constant 0 : i32
    %dma_wait3A_99 = tpu.memref_slice %arg2[%dma_wait3A_97, %dma_wait3A_98] : memref<112000x64xf32, #tpu.memory_space<hbm>> -> memref<112000x64xf32, #tpu.memory_space<hbm>>
    tpu.wait_indirect_dma semaphore(%arg13 : memref<!tpu.dma_semaphore, #tpu.memory_space<semaphore_mem>>) src(%dma_wait3A_99 : memref<112000x64xf32, #tpu.memory_space<hbm>>) dst(%dma_wait3A_94 : memref<128x64xf32, #tpu.memory_space<vmem>>)
    %dma_wait3A_100 = arith.constant 256 : i32
    %dma_wait3A_101 = arith.constant 0 : i32
    %dma_wait3A_102 = tpu.memref_slice %arg10[%dma_wait3A_100, %dma_wait3A_101] : memref<512x64xf32, #tpu.memory_space<vmem>> -> memref<128x64xf32, #tpu.memory_space<vmem>>
    %dma_wait3A_103 = arith.constant 0 : i32
    %dma_wait3A_104 = tpu.memref_slice %arg8[%dma_wait3A_103] : memref<512xi32, #tpu.memory_space<vmem>> -> memref<128xi32, #tpu.memory_space<vmem>>
    %dma_wait3A_105 = arith.constant 0 : i32
    %dma_wait3A_106 = arith.constant 0 : i32
    %dma_wait3A_107 = tpu.memref_slice %arg2[%dma_wait3A_105, %dma_wait3A_106] : memref<112000x64xf32, #tpu.memory_space<hbm>> -> memref<112000x64xf32, #tpu.memory_space<hbm>>
    tpu.wait_indirect_dma semaphore(%arg13 : memref<!tpu.dma_semaphore, #tpu.memory_space<semaphore_mem>>) src(%dma_wait3A_107 : memref<112000x64xf32, #tpu.memory_space<hbm>>) dst(%dma_wait3A_102 : memref<128x64xf32, #tpu.memory_space<vmem>>)
    %dma_wait3A_108 = arith.constant 384 : i32
    %dma_wait3A_109 = arith.constant 0 : i32
    %dma_wait3A_110 = tpu.memref_slice %arg10[%dma_wait3A_108, %dma_wait3A_109] : memref<512x64xf32, #tpu.memory_space<vmem>> -> memref<128x64xf32, #tpu.memory_space<vmem>>
    %dma_wait3A_111 = arith.constant 0 : i32
    %dma_wait3A_112 = tpu.memref_slice %arg8[%dma_wait3A_111] : memref<512xi32, #tpu.memory_space<vmem>> -> memref<128xi32, #tpu.memory_space<vmem>>
    %dma_wait3A_113 = arith.constant 0 : i32
    %dma_wait3A_114 = arith.constant 0 : i32
    %dma_wait3A_115 = tpu.memref_slice %arg2[%dma_wait3A_113, %dma_wait3A_114] : memref<112000x64xf32, #tpu.memory_space<hbm>> -> memref<112000x64xf32, #tpu.memory_space<hbm>>
    tpu.wait_indirect_dma semaphore(%arg13 : memref<!tpu.dma_semaphore, #tpu.memory_space<semaphore_mem>>) src(%dma_wait3A_115 : memref<112000x64xf32, #tpu.memory_space<hbm>>) dst(%dma_wait3A_110 : memref<128x64xf32, #tpu.memory_space<vmem>>)
    %scan3A_116 = arith.constant 0 : i32
    %scan3A_117 = arith.constant 0 : i32
    %scan3A_118 = arith.constant 64 : i32
    %scan3A_119 = arith.addi %scan3A_117, %scan3A_118 : i32
    %scan3A_120 = arith.constant 1 : i32
    scf.for %scan3A_164 = %scan3A_117 to %scan3A_119 step %scan3A_120  : i32 {
      %mul3A_165 = arith.constant 4 : i32
      %mul3A_166 = arith.muli %mul3A_165, %scan3A_164 : i32
      %add3A_167 = arith.constant 0 : i32
      %add3A_168 = arith.addi %mul3A_166, %add3A_167 : i32
      %mul3A_169 = arith.constant 2 : i32
      %mul3A_170 = arith.muli %mul3A_169, %add3A_168 : i32
      %get3A = arith.index_cast %mul3A_170 : i32 to index
      %get3A_171 = arith.constant 0 : index
      %get3A_172 = tpu.vector_load %arg10[%get3A, %get3A_171] {strides = array<i32>} : memref<512x64xf32, #tpu.memory_space<vmem>>, vector<16xf32>,
      %swap3A = arith.index_cast %add3A_168 : i32 to index
      %swap3A_173 = arith.constant 0 : index
      %swap3A_174 = tpu.vector_load %arg12[%swap3A, %swap3A_173] {strides = array<i32>} : memref<256x128xf32, #tpu.memory_space<vmem>>, vector<16xf32>,
      tpu.vector_store %arg12[%swap3A, %swap3A_173], %get3A_172 {strides = array<i32>} : memref<256x128xf32, #tpu.memory_space<vmem>>, vector<16xf32>,
      %mul3A_175 = arith.constant 2 : i32
      %mul3A_176 = arith.muli %mul3A_175, %add3A_168 : i32
      %get3A_177 = arith.index_cast %mul3A_176 : i32 to index
      %get3A_178 = arith.constant 16 : index
      %get3A_179 = tpu.vector_load %arg10[%get3A_177, %get3A_178] {strides = array<i32>} : memref<512x64xf32, #tpu.memory_space<vmem>>, vector<16xf32>,
      %swap3A_180 = arith.index_cast %add3A_168 : i32 to index
      %swap3A_181 = arith.constant 16 : index
      %swap3A_182 = tpu.vector_load %arg12[%swap3A_180, %swap3A_181] {strides = array<i32>} : memref<256x128xf32, #tpu.memory_space<vmem>>, vector<16xf32>,
      tpu.vector_store %arg12[%swap3A_180, %swap3A_181], %get3A_179 {strides = array<i32>} : memref<256x128xf32, #tpu.memory_space<vmem>>, vector<16xf32>,
      %mul3A_183 = arith.constant 2 : i32
      %mul3A_184 = arith.muli %mul3A_183, %add3A_168 : i32
      %get3A_185 = arith.index_cast %mul3A_184 : i32 to index
      %get3A_186 = arith.constant 32 : index
      %get3A_187 = tpu.vector_load %arg10[%get3A_185, %get3A_186] {strides = array<i32>} : memref<512x64xf32, #tpu.memory_space<vmem>>, vector<16xf32>,
      %swap3A_188 = arith.index_cast %add3A_168 : i32 to index
      %swap3A_189 = arith.constant 32 : index
      %swap3A_190 = tpu.vector_load %arg12[%swap3A_188, %swap3A_189] {strides = array<i32>} : memref<256x128xf32, #tpu.memory_space<vmem>>, vector<16xf32>,
      tpu.vector_store %arg12[%swap3A_188, %swap3A_189], %get3A_187 {strides = array<i32>} : memref<256x128xf32, #tpu.memory_space<vmem>>, vector<16xf32>,
      %mul3A_191 = arith.constant 2 : i32
      %mul3A_192 = arith.muli %mul3A_191, %add3A_168 : i32
      %get3A_193 = arith.index_cast %mul3A_192 : i32 to index
      %get3A_194 = arith.constant 48 : index
      %get3A_195 = tpu.vector_load %arg10[%get3A_193, %get3A_194] {strides = array<i32>} : memref<512x64xf32, #tpu.memory_space<vmem>>, vector<16xf32>,
      %swap3A_196 = arith.index_cast %add3A_168 : i32 to index
      %swap3A_197 = arith.constant 48 : index
      %swap3A_198 = tpu.vector_load %arg12[%swap3A_196, %swap3A_197] masked %lt3A_2 {strides = array<i32>} : memref<256x128xf32, #tpu.memory_space<vmem>>, vector<16xf32>, vector<16xi1>
      tpu.vector_store %arg12[%swap3A_196, %swap3A_197], %get3A_195 masked %lt3A_2 {strides = array<i32>} : memref<256x128xf32, #tpu.memory_space<vmem>>, vector<16xf32>, vector<16xi1>
      %mul3A_199 = arith.constant 2 : i32
      %mul3A_200 = arith.muli %mul3A_199, %add3A_168 : i32
      %add3A_201 = arith.constant 1 : i32
      %add3A_202 = arith.addi %mul3A_200, %add3A_201 : i32
      %get3A_203 = arith.index_cast %add3A_202 : i32 to index
      %get3A_204 = arith.constant 0 : index
      %get3A_205 = tpu.vector_load %arg10[%get3A_203, %get3A_204] {strides = array<i32>} : memref<512x64xf32, #tpu.memory_space<vmem>>, vector<16xf32>,
      %swap3A_206 = arith.index_cast %add3A_168 : i32 to index
      %swap3A_207 = arith.constant 50 : index
      %swap3A_208 = tpu.vector_load %arg12[%swap3A_206, %swap3A_207] {strides = array<i32>} : memref<256x128xf32, #tpu.memory_space<vmem>>, vector<16xf32>,
      tpu.vector_store %arg12[%swap3A_206, %swap3A_207], %get3A_205 {strides = array<i32>} : memref<256x128xf32, #tpu.memory_space<vmem>>, vector<16xf32>,
      %mul3A_209 = arith.constant 2 : i32
      %mul3A_210 = arith.muli %mul3A_209, %add3A_168 : i32
      %add3A_211 = arith.constant 1 : i32
      %add3A_212 = arith.addi %mul3A_210, %add3A_211 : i32
      %get3A_213 = arith.index_cast %add3A_212 : i32 to index
      %get3A_214 = arith.constant 16 : index
      %get3A_215 = tpu.vector_load %arg10[%get3A_213, %get3A_214] {strides = array<i32>} : memref<512x64xf32, #tpu.memory_space<vmem>>, vector<16xf32>,
      %swap3A_216 = arith.index_cast %add3A_168 : i32 to index
      %swap3A_217 = arith.constant 66 : index
      %swap3A_218 = tpu.vector_load %arg12[%swap3A_216, %swap3A_217] {strides = array<i32>} : memref<256x128xf32, #tpu.memory_space<vmem>>, vector<16xf32>,
      tpu.vector_store %arg12[%swap3A_216, %swap3A_217], %get3A_215 {strides = array<i32>} : memref<256x128xf32, #tpu.memory_space<vmem>>, vector<16xf32>,
      %mul3A_219 = arith.constant 2 : i32
      %mul3A_220 = arith.muli %mul3A_219, %add3A_168 : i32
      %add3A_221 = arith.constant 1 : i32
      %add3A_222 = arith.addi %mul3A_220, %add3A_221 : i32
      %get3A_223 = arith.index_cast %add3A_222 : i32 to index
      %get3A_224 = arith.constant 32 : index
      %get3A_225 = tpu.vector_load %arg10[%get3A_223, %get3A_224] {strides = array<i32>} : memref<512x64xf32, #tpu.memory_space<vmem>>, vector<16xf32>,
      %swap3A_226 = arith.index_cast %add3A_168 : i32 to index
      %swap3A_227 = arith.constant 82 : index
      %swap3A_228 = tpu.vector_load %arg12[%swap3A_226, %swap3A_227] {strides = array<i32>} : memref<256x128xf32, #tpu.memory_space<vmem>>, vector<16xf32>,
      tpu.vector_store %arg12[%swap3A_226, %swap3A_227], %get3A_225 {strides = array<i32>} : memref<256x128xf32, #tpu.memory_space<vmem>>, vector<16xf32>,
      %mul3A_229 = arith.constant 2 : i32
      %mul3A_230 = arith.muli %mul3A_229, %add3A_168 : i32
      %add3A_231 = arith.constant 1 : i32
      %add3A_232 = arith.addi %mul3A_230, %add3A_231 : i32
      %get3A_233 = arith.index_cast %add3A_232 : i32 to index
      %get3A_234 = arith.constant 48 : index
      %get3A_235 = tpu.vector_load %arg10[%get3A_233, %get3A_234] {strides = array<i32>} : memref<512x64xf32, #tpu.memory_space<vmem>>, vector<16xf32>,
      %swap3A_236 = arith.index_cast %add3A_168 : i32 to index
      %swap3A_237 = arith.constant 98 : index
      %swap3A_238 = tpu.vector_load %arg12[%swap3A_236, %swap3A_237] masked %lt3A_2 {strides = array<i32>} : memref<256x128xf32, #tpu.memory_space<vmem>>, vector<16xf32>, vector<16xi1>
      tpu.vector_store %arg12[%swap3A_236, %swap3A_237], %get3A_235 masked %lt3A_2 {strides = array<i32>} : memref<256x128xf32, #tpu.memory_space<vmem>>, vector<16xf32>, vector<16xi1>
      %mul3A_239 = arith.constant 4 : i32
      %mul3A_240 = arith.muli %mul3A_239, %scan3A_164 : i32
      %add3A_241 = arith.constant 1 : i32
      %add3A_242 = arith.addi %mul3A_240, %add3A_241 : i32
      %mul3A_243 = arith.constant 2 : i32
      %mul3A_244 = arith.muli %mul3A_243, %add3A_242 : i32
      %get3A_245 = arith.index_cast %mul3A_244 : i32 to index
      %get3A_246 = arith.constant 0 : index
      %get3A_247 = tpu.vector_load %arg10[%get3A_245, %get3A_246] {strides = array<i32>} : memref<512x64xf32, #tpu.memory_space<vmem>>, vector<16xf32>,
      %swap3A_248 = arith.index_cast %add3A_242 : i32 to index
      %swap3A_249 = arith.constant 0 : index
      %swap3A_250 = tpu.vector_load %arg12[%swap3A_248, %swap3A_249] {strides = array<i32>} : memref<256x128xf32, #tpu.memory_space<vmem>>, vector<16xf32>,
      tpu.vector_store %arg12[%swap3A_248, %swap3A_249], %get3A_247 {strides = array<i32>} : memref<256x128xf32, #tpu.memory_space<vmem>>, vector<16xf32>,
      %mul3A_251 = arith.constant 2 : i32
      %mul3A_252 = arith.muli %mul3A_251, %add3A_242 : i32
      %get3A_253 = arith.index_cast %mul3A_252 : i32 to index
      %get3A_254 = arith.constant 16 : index
      %get3A_255 = tpu.vector_load %arg10[%get3A_253, %get3A_254] {strides = array<i32>} : memref<512x64xf32, #tpu.memory_space<vmem>>, vector<16xf32>,
      %swap3A_256 = arith.index_cast %add3A_242 : i32 to index
      %swap3A_257 = arith.constant 16 : index
      %swap3A_258 = tpu.vector_load %arg12[%swap3A_256, %swap3A_257] {strides = array<i32>} : memref<256x128xf32, #tpu.memory_space<vmem>>, vector<16xf32>,
      tpu.vector_store %arg12[%swap3A_256, %swap3A_257], %get3A_255 {strides = array<i32>} : memref<256x128xf32, #tpu.memory_space<vmem>>, vector<16xf32>,
      %mul3A_259 = arith.constant 2 : i32
      %mul3A_260 = arith.muli %mul3A_259, %add3A_242 : i32
      %get3A_261 = arith.index_cast %mul3A_260 : i32 to index
      %get3A_262 = arith.constant 32 : index
      %get3A_263 = tpu.vector_load %arg10[%get3A_261, %get3A_262] {strides = array<i32>} : memref<512x64xf32, #tpu.memory_space<vmem>>, vector<16xf32>,
      %swap3A_264 = arith.index_cast %add3A_242 : i32 to index
      %swap3A_265 = arith.constant 32 : index
      %swap3A_266 = tpu.vector_load %arg12[%swap3A_264, %swap3A_265] {strides = array<i32>} : memref<256x128xf32, #tpu.memory_space<vmem>>, vector<16xf32>,
      tpu.vector_store %arg12[%swap3A_264, %swap3A_265], %get3A_263 {strides = array<i32>} : memref<256x128xf32, #tpu.memory_space<vmem>>, vector<16xf32>,
      %mul3A_267 = arith.constant 2 : i32
      %mul3A_268 = arith.muli %mul3A_267, %add3A_242 : i32
      %get3A_269 = arith.index_cast %mul3A_268 : i32 to index
      %get3A_270 = arith.constant 48 : index
      %get3A_271 = tpu.vector_load %arg10[%get3A_269, %get3A_270] {strides = array<i32>} : memref<512x64xf32, #tpu.memory_space<vmem>>, vector<16xf32>,
      %swap3A_272 = arith.index_cast %add3A_242 : i32 to index
      %swap3A_273 = arith.constant 48 : index
      %swap3A_274 = tpu.vector_load %arg12[%swap3A_272, %swap3A_273] masked %lt3A_2 {strides = array<i32>} : memref<256x128xf32, #tpu.memory_space<vmem>>, vector<16xf32>, vector<16xi1>
      tpu.vector_store %arg12[%swap3A_272, %swap3A_273], %get3A_271 masked %lt3A_2 {strides = array<i32>} : memref<256x128xf32, #tpu.memory_space<vmem>>, vector<16xf32>, vector<16xi1>
      %mul3A_275 = arith.constant 2 : i32
      %mul3A_276 = arith.muli %mul3A_275, %add3A_242 : i32
      %add3A_277 = arith.constant 1 : i32
      %add3A_278 = arith.addi %mul3A_276, %add3A_277 : i32
      %get3A_279 = arith.index_cast %add3A_278 : i32 to index
      %get3A_280 = arith.constant 0 : index
      %get3A_281 = tpu.vector_load %arg10[%get3A_279, %get3A_280] {strides = array<i32>} : memref<512x64xf32, #tpu.memory_space<vmem>>, vector<16xf32>,
      %swap3A_282 = arith.index_cast %add3A_242 : i32 to index
      %swap3A_283 = arith.constant 50 : index
      %swap3A_284 = tpu.vector_load %arg12[%swap3A_282, %swap3A_283] {strides = array<i32>} : memref<256x128xf32, #tpu.memory_space<vmem>>, vector<16xf32>,
      tpu.vector_store %arg12[%swap3A_282, %swap3A_283], %get3A_281 {strides = array<i32>} : memref<256x128xf32, #tpu.memory_space<vmem>>, vector<16xf32>,
      %mul3A_285 = arith.constant 2 : i32
      %mul3A_286 = arith.muli %mul3A_285, %add3A_242 : i32
      %add3A_287 = arith.constant 1 : i32
      %add3A_288 = arith.addi %mul3A_286, %add3A_287 : i32
      %get3A_289 = arith.index_cast %add3A_288 : i32 to index
      %get3A_290 = arith.constant 16 : index
      %get3A_291 = tpu.vector_load %arg10[%get3A_289, %get3A_290] {strides = array<i32>} : memref<512x64xf32, #tpu.memory_space<vmem>>, vector<16xf32>,
      %swap3A_292 = arith.index_cast %add3A_242 : i32 to index
      %swap3A_293 = arith.constant 66 : index
      %swap3A_294 = tpu.vector_load %arg12[%swap3A_292, %swap3A_293] {strides = array<i32>} : memref<256x128xf32, #tpu.memory_space<vmem>>, vector<16xf32>,
      tpu.vector_store %arg12[%swap3A_292, %swap3A_293], %get3A_291 {strides = array<i32>} : memref<256x128xf32, #tpu.memory_space<vmem>>, vector<16xf32>,
      %mul3A_295 = arith.constant 2 : i32
      %mul3A_296 = arith.muli %mul3A_295, %add3A_242 : i32
      %add3A_297 = arith.constant 1 : i32
      %add3A_298 = arith.addi %mul3A_296, %add3A_297 : i32
      %get3A_299 = arith.index_cast %add3A_298 : i32 to index
      %get3A_300 = arith.constant 32 : index
      %get3A_301 = tpu.vector_load %arg10[%get3A_299, %get3A_300] {strides = array<i32>} : memref<512x64xf32, #tpu.memory_space<vmem>>, vector<16xf32>,
      %swap3A_302 = arith.index_cast %add3A_242 : i32 to index
      %swap3A_303 = arith.constant 82 : index
      %swap3A_304 = tpu.vector_load %arg12[%swap3A_302, %swap3A_303] {strides = array<i32>} : memref<256x128xf32, #tpu.memory_space<vmem>>, vector<16xf32>,
      tpu.vector_store %arg12[%swap3A_302, %swap3A_303], %get3A_301 {strides = array<i32>} : memref<256x128xf32, #tpu.memory_space<vmem>>, vector<16xf32>,
      %mul3A_305 = arith.constant 2 : i32
      %mul3A_306 = arith.muli %mul3A_305, %add3A_242 : i32
      %add3A_307 = arith.constant 1 : i32
      %add3A_308 = arith.addi %mul3A_306, %add3A_307 : i32
      %get3A_309 = arith.index_cast %add3A_308 : i32 to index
      %get3A_310 = arith.constant 48 : index
      %get3A_311 = tpu.vector_load %arg10[%get3A_309, %get3A_310] {strides = array<i32>} : memref<512x64xf32, #tpu.memory_space<vmem>>, vector<16xf32>,
      %swap3A_312 = arith.index_cast %add3A_242 : i32 to index
      %swap3A_313 = arith.constant 98 : index
      %swap3A_314 = tpu.vector_load %arg12[%swap3A_312, %swap3A_313] masked %lt3A_2 {strides = array<i32>} : memref<256x128xf32, #tpu.memory_space<vmem>>, vector<16xf32>, vector<16xi1>
      tpu.vector_store %arg12[%swap3A_312, %swap3A_313], %get3A_311 masked %lt3A_2 {strides = array<i32>} : memref<256x128xf32, #tpu.memory_space<vmem>>, vector<16xf32>, vector<16xi1>
      %mul3A_315 = arith.constant 4 : i32
      %mul3A_316 = arith.muli %mul3A_315, %scan3A_164 : i32
      %add3A_317 = arith.constant 2 : i32
      %add3A_318 = arith.addi %mul3A_316, %add3A_317 : i32
      %mul3A_319 = arith.constant 2 : i32
      %mul3A_320 = arith.muli %mul3A_319, %add3A_318 : i32
      %get3A_321 = arith.index_cast %mul3A_320 : i32 to index
      %get3A_322 = arith.constant 0 : index
      %get3A_323 = tpu.vector_load %arg10[%get3A_321, %get3A_322] {strides = array<i32>} : memref<512x64xf32, #tpu.memory_space<vmem>>, vector<16xf32>,
      %swap3A_324 = arith.index_cast %add3A_318 : i32 to index
      %swap3A_325 = arith.constant 0 : index
      %swap3A_326 = tpu.vector_load %arg12[%swap3A_324, %swap3A_325] {strides = array<i32>} : memref<256x128xf32, #tpu.memory_space<vmem>>, vector<16xf32>,
      tpu.vector_store %arg12[%swap3A_324, %swap3A_325], %get3A_323 {strides = array<i32>} : memref<256x128xf32, #tpu.memory_space<vmem>>, vector<16xf32>,
      %mul3A_327 = arith.constant 2 : i32
      %mul3A_328 = arith.muli %mul3A_327, %add3A_318 : i32
      %get3A_329 = arith.index_cast %mul3A_328 : i32 to index
      %get3A_330 = arith.constant 16 : index
      %get3A_331 = tpu.vector_load %arg10[%get3A_329, %get3A_330] {strides = array<i32>} : memref<512x64xf32, #tpu.memory_space<vmem>>, vector<16xf32>,
      %swap3A_332 = arith.index_cast %add3A_318 : i32 to index
      %swap3A_333 = arith.constant 16 : index
      %swap3A_334 = tpu.vector_load %arg12[%swap3A_332, %swap3A_333] {strides = array<i32>} : memref<256x128xf32, #tpu.memory_space<vmem>>, vector<16xf32>,
      tpu.vector_store %arg12[%swap3A_332, %swap3A_333], %get3A_331 {strides = array<i32>} : memref<256x128xf32, #tpu.memory_space<vmem>>, vector<16xf32>,
      %mul3A_335 = arith.constant 2 : i32
      %mul3A_336 = arith.muli %mul3A_335, %add3A_318 : i32
      %get3A_337 = arith.index_cast %mul3A_336 : i32 to index
      %get3A_338 = arith.constant 32 : index
      %get3A_339 = tpu.vector_load %arg10[%get3A_337, %get3A_338] {strides = array<i32>} : memref<512x64xf32, #tpu.memory_space<vmem>>, vector<16xf32>,
      %swap3A_340 = arith.index_cast %add3A_318 : i32 to index
      %swap3A_341 = arith.constant 32 : index
      %swap3A_342 = tpu.vector_load %arg12[%swap3A_340, %swap3A_341] {strides = array<i32>} : memref<256x128xf32, #tpu.memory_space<vmem>>, vector<16xf32>,
      tpu.vector_store %arg12[%swap3A_340, %swap3A_341], %get3A_339 {strides = array<i32>} : memref<256x128xf32, #tpu.memory_space<vmem>>, vector<16xf32>,
      %mul3A_343 = arith.constant 2 : i32
      %mul3A_344 = arith.muli %mul3A_343, %add3A_318 : i32
      %get3A_345 = arith.index_cast %mul3A_344 : i32 to index
      %get3A_346 = arith.constant 48 : index
      %get3A_347 = tpu.vector_load %arg10[%get3A_345, %get3A_346] {strides = array<i32>} : memref<512x64xf32, #tpu.memory_space<vmem>>, vector<16xf32>,
      %swap3A_348 = arith.index_cast %add3A_318 : i32 to index
      %swap3A_349 = arith.constant 48 : index
      %swap3A_350 = tpu.vector_load %arg12[%swap3A_348, %swap3A_349] masked %lt3A_2 {strides = array<i32>} : memref<256x128xf32, #tpu.memory_space<vmem>>, vector<16xf32>, vector<16xi1>
      tpu.vector_store %arg12[%swap3A_348, %swap3A_349], %get3A_347 masked %lt3A_2 {strides = array<i32>} : memref<256x128xf32, #tpu.memory_space<vmem>>, vector<16xf32>, vector<16xi1>
      %mul3A_351 = arith.constant 2 : i32
      %mul3A_352 = arith.muli %mul3A_351, %add3A_318 : i32
      %add3A_353 = arith.constant 1 : i32
      %add3A_354 = arith.addi %mul3A_352, %add3A_353 : i32
      %get3A_355 = arith.index_cast %add3A_354 : i32 to index
      %get3A_356 = arith.constant 0 : index
      %get3A_357 = tpu.vector_load %arg10[%get3A_355, %get3A_356] {strides = array<i32>} : memref<512x64xf32, #tpu.memory_space<vmem>>, vector<16xf32>,
      %swap3A_358 = arith.index_cast %add3A_318 : i32 to index
      %swap3A_359 = arith.constant 50 : index
      %swap3A_360 = tpu.vector_load %arg12[%swap3A_358, %swap3A_359] {strides = array<i32>} : memref<256x128xf32, #tpu.memory_space<vmem>>, vector<16xf32>,
      tpu.vector_store %arg12[%swap3A_358, %swap3A_359], %get3A_357 {strides = array<i32>} : memref<256x128xf32, #tpu.memory_space<vmem>>, vector<16xf32>,
      %mul3A_361 = arith.constant 2 : i32
      %mul3A_362 = arith.muli %mul3A_361, %add3A_318 : i32
      %add3A_363 = arith.constant 1 : i32
      %add3A_364 = arith.addi %mul3A_362, %add3A_363 : i32
      %get3A_365 = arith.index_cast %add3A_364 : i32 to index
      %get3A_366 = arith.constant 16 : index
      %get3A_367 = tpu.vector_load %arg10[%get3A_365, %get3A_366] {strides = array<i32>} : memref<512x64xf32, #tpu.memory_space<vmem>>, vector<16xf32>,
      %swap3A_368 = arith.index_cast %add3A_318 : i32 to index
      %swap3A_369 = arith.constant 66 : index
      %swap3A_370 = tpu.vector_load %arg12[%swap3A_368, %swap3A_369] {strides = array<i32>} : memref<256x128xf32, #tpu.memory_space<vmem>>, vector<16xf32>,
      tpu.vector_store %arg12[%swap3A_368, %swap3A_369], %get3A_367 {strides = array<i32>} : memref<256x128xf32, #tpu.memory_space<vmem>>, vector<16xf32>,
      %mul3A_371 = arith.constant 2 : i32
      %mul3A_372 = arith.muli %mul3A_371, %add3A_318 : i32
      %add3A_373 = arith.constant 1 : i32
      %add3A_374 = arith.addi %mul3A_372, %add3A_373 : i32
      %get3A_375 = arith.index_cast %add3A_374 : i32 to index
      %get3A_376 = arith.constant 32 : index
      %get3A_377 = tpu.vector_load %arg10[%get3A_375, %get3A_376] {strides = array<i32>} : memref<512x64xf32, #tpu.memory_space<vmem>>, vector<16xf32>,
      %swap3A_378 = arith.index_cast %add3A_318 : i32 to index
      %swap3A_379 = arith.constant 82 : index
      %swap3A_380 = tpu.vector_load %arg12[%swap3A_378, %swap3A_379] {strides = array<i32>} : memref<256x128xf32, #tpu.memory_space<vmem>>, vector<16xf32>,
      tpu.vector_store %arg12[%swap3A_378, %swap3A_379], %get3A_377 {strides = array<i32>} : memref<256x128xf32, #tpu.memory_space<vmem>>, vector<16xf32>,
      %mul3A_381 = arith.constant 2 : i32
      %mul3A_382 = arith.muli %mul3A_381, %add3A_318 : i32
      %add3A_383 = arith.constant 1 : i32
      %add3A_384 = arith.addi %mul3A_382, %add3A_383 : i32
      %get3A_385 = arith.index_cast %add3A_384 : i32 to index
      %get3A_386 = arith.constant 48 : index
      %get3A_387 = tpu.vector_load %arg10[%get3A_385, %get3A_386] {strides = array<i32>} : memref<512x64xf32, #tpu.memory_space<vmem>>, vector<16xf32>,
      %swap3A_388 = arith.index_cast %add3A_318 : i32 to index
      %swap3A_389 = arith.constant 98 : index
      %swap3A_390 = tpu.vector_load %arg12[%swap3A_388, %swap3A_389] masked %lt3A_2 {strides = array<i32>} : memref<256x128xf32, #tpu.memory_space<vmem>>, vector<16xf32>, vector<16xi1>
      tpu.vector_store %arg12[%swap3A_388, %swap3A_389], %get3A_387 masked %lt3A_2 {strides = array<i32>} : memref<256x128xf32, #tpu.memory_space<vmem>>, vector<16xf32>, vector<16xi1>
      %mul3A_391 = arith.constant 4 : i32
      %mul3A_392 = arith.muli %mul3A_391, %scan3A_164 : i32
      %add3A_393 = arith.constant 3 : i32
      %add3A_394 = arith.addi %mul3A_392, %add3A_393 : i32
      %mul3A_395 = arith.constant 2 : i32
      %mul3A_396 = arith.muli %mul3A_395, %add3A_394 : i32
      %get3A_397 = arith.index_cast %mul3A_396 : i32 to index
      %get3A_398 = arith.constant 0 : index
      %get3A_399 = tpu.vector_load %arg10[%get3A_397, %get3A_398] {strides = array<i32>} : memref<512x64xf32, #tpu.memory_space<vmem>>, vector<16xf32>,
      %swap3A_400 = arith.index_cast %add3A_394 : i32 to index
      %swap3A_401 = arith.constant 0 : index
      %swap3A_402 = tpu.vector_load %arg12[%swap3A_400, %swap3A_401] {strides = array<i32>} : memref<256x128xf32, #tpu.memory_space<vmem>>, vector<16xf32>,
      tpu.vector_store %arg12[%swap3A_400, %swap3A_401], %get3A_399 {strides = array<i32>} : memref<256x128xf32, #tpu.memory_space<vmem>>, vector<16xf32>,
      %mul3A_403 = arith.constant 2 : i32
      %mul3A_404 = arith.muli %mul3A_403, %add3A_394 : i32
      %get3A_405 = arith.index_cast %mul3A_404 : i32 to index
      %get3A_406 = arith.constant 16 : index
      %get3A_407 = tpu.vector_load %arg10[%get3A_405, %get3A_406] {strides = array<i32>} : memref<512x64xf32, #tpu.memory_space<vmem>>, vector<16xf32>,
      %swap3A_408 = arith.index_cast %add3A_394 : i32 to index
      %swap3A_409 = arith.constant 16 : index
      %swap3A_410 = tpu.vector_load %arg12[%swap3A_408, %swap3A_409] {strides = array<i32>} : memref<256x128xf32, #tpu.memory_space<vmem>>, vector<16xf32>,
      tpu.vector_store %arg12[%swap3A_408, %swap3A_409], %get3A_407 {strides = array<i32>} : memref<256x128xf32, #tpu.memory_space<vmem>>, vector<16xf32>,
      %mul3A_411 = arith.constant 2 : i32
      %mul3A_412 = arith.muli %mul3A_411, %add3A_394 : i32
      %get3A_413 = arith.index_cast %mul3A_412 : i32 to index
      %get3A_414 = arith.constant 32 : index
      %get3A_415 = tpu.vector_load %arg10[%get3A_413, %get3A_414] {strides = array<i32>} : memref<512x64xf32, #tpu.memory_space<vmem>>, vector<16xf32>,
      %swap3A_416 = arith.index_cast %add3A_394 : i32 to index
      %swap3A_417 = arith.constant 32 : index
      %swap3A_418 = tpu.vector_load %arg12[%swap3A_416, %swap3A_417] {strides = array<i32>} : memref<256x128xf32, #tpu.memory_space<vmem>>, vector<16xf32>,
      tpu.vector_store %arg12[%swap3A_416, %swap3A_417], %get3A_415 {strides = array<i32>} : memref<256x128xf32, #tpu.memory_space<vmem>>, vector<16xf32>,
      %mul3A_419 = arith.constant 2 : i32
      %mul3A_420 = arith.muli %mul3A_419, %add3A_394 : i32
      %get3A_421 = arith.index_cast %mul3A_420 : i32 to index
      %get3A_422 = arith.constant 48 : index
      %get3A_423 = tpu.vector_load %arg10[%get3A_421, %get3A_422] {strides = array<i32>} : memref<512x64xf32, #tpu.memory_space<vmem>>, vector<16xf32>,
      %swap3A_424 = arith.index_cast %add3A_394 : i32 to index
      %swap3A_425 = arith.constant 48 : index
      %swap3A_426 = tpu.vector_load %arg12[%swap3A_424, %swap3A_425] masked %lt3A_2 {strides = array<i32>} : memref<256x128xf32, #tpu.memory_space<vmem>>, vector<16xf32>, vector<16xi1>
      tpu.vector_store %arg12[%swap3A_424, %swap3A_425], %get3A_423 masked %lt3A_2 {strides = array<i32>} : memref<256x128xf32, #tpu.memory_space<vmem>>, vector<16xf32>, vector<16xi1>
      %mul3A_427 = arith.constant 2 : i32
      %mul3A_428 = arith.muli %mul3A_427, %add3A_394 : i32
      %add3A_429 = arith.constant 1 : i32
      %add3A_430 = arith.addi %mul3A_428, %add3A_429 : i32
      %get3A_431 = arith.index_cast %add3A_430 : i32 to index
      %get3A_432 = arith.constant 0 : index
      %get3A_433 = tpu.vector_load %arg10[%get3A_431, %get3A_432] {strides = array<i32>} : memref<512x64xf32, #tpu.memory_space<vmem>>, vector<16xf32>,
      %swap3A_434 = arith.index_cast %add3A_394 : i32 to index
      %swap3A_435 = arith.constant 50 : index
      %swap3A_436 = tpu.vector_load %arg12[%swap3A_434, %swap3A_435] {strides = array<i32>} : memref<256x128xf32, #tpu.memory_space<vmem>>, vector<16xf32>,
      tpu.vector_store %arg12[%swap3A_434, %swap3A_435], %get3A_433 {strides = array<i32>} : memref<256x128xf32, #tpu.memory_space<vmem>>, vector<16xf32>,
      %mul3A_437 = arith.constant 2 : i32
      %mul3A_438 = arith.muli %mul3A_437, %add3A_394 : i32
      %add3A_439 = arith.constant 1 : i32
      %add3A_440 = arith.addi %mul3A_438, %add3A_439 : i32
      %get3A_441 = arith.index_cast %add3A_440 : i32 to index
      %get3A_442 = arith.constant 16 : index
      %get3A_443 = tpu.vector_load %arg10[%get3A_441, %get3A_442] {strides = array<i32>} : memref<512x64xf32, #tpu.memory_space<vmem>>, vector<16xf32>,
      %swap3A_444 = arith.index_cast %add3A_394 : i32 to index
      %swap3A_445 = arith.constant 66 : index
      %swap3A_446 = tpu.vector_load %arg12[%swap3A_444, %swap3A_445] {strides = array<i32>} : memref<256x128xf32, #tpu.memory_space<vmem>>, vector<16xf32>,
      tpu.vector_store %arg12[%swap3A_444, %swap3A_445], %get3A_443 {strides = array<i32>} : memref<256x128xf32, #tpu.memory_space<vmem>>, vector<16xf32>,
      %mul3A_447 = arith.constant 2 : i32
      %mul3A_448 = arith.muli %mul3A_447, %add3A_394 : i32
      %add3A_449 = arith.constant 1 : i32
      %add3A_450 = arith.addi %mul3A_448, %add3A_449 : i32
      %get3A_451 = arith.index_cast %add3A_450 : i32 to index
      %get3A_452 = arith.constant 32 : index
      %get3A_453 = tpu.vector_load %arg10[%get3A_451, %get3A_452] {strides = array<i32>} : memref<512x64xf32, #tpu.memory_space<vmem>>, vector<16xf32>,
      %swap3A_454 = arith.index_cast %add3A_394 : i32 to index
      %swap3A_455 = arith.constant 82 : index
      %swap3A_456 = tpu.vector_load %arg12[%swap3A_454, %swap3A_455] {strides = array<i32>} : memref<256x128xf32, #tpu.memory_space<vmem>>, vector<16xf32>,
      tpu.vector_store %arg12[%swap3A_454, %swap3A_455], %get3A_453 {strides = array<i32>} : memref<256x128xf32, #tpu.memory_space<vmem>>, vector<16xf32>,
      %mul3A_457 = arith.constant 2 : i32
      %mul3A_458 = arith.muli %mul3A_457, %add3A_394 : i32
      %add3A_459 = arith.constant 1 : i32
      %add3A_460 = arith.addi %mul3A_458, %add3A_459 : i32
      %get3A_461 = arith.index_cast %add3A_460 : i32 to index
      %get3A_462 = arith.constant 48 : index
      %get3A_463 = tpu.vector_load %arg10[%get3A_461, %get3A_462] {strides = array<i32>} : memref<512x64xf32, #tpu.memory_space<vmem>>, vector<16xf32>,
      %swap3A_464 = arith.index_cast %add3A_394 : i32 to index
      %swap3A_465 = arith.constant 98 : index
      %swap3A_466 = tpu.vector_load %arg12[%swap3A_464, %swap3A_465] masked %lt3A_2 {strides = array<i32>} : memref<256x128xf32, #tpu.memory_space<vmem>>, vector<16xf32>, vector<16xi1>
      tpu.vector_store %arg12[%swap3A_464, %swap3A_465], %get3A_463 masked %lt3A_2 {strides = array<i32>} : memref<256x128xf32, #tpu.memory_space<vmem>>, vector<16xf32>, vector<16xi1>
    }
    %scan3A_121 = arith.constant 64 : i32
    %add3A_122 = arith.constant 7680 : i32
    %add3A_123 = arith.addi %mul3A_4, %add3A_122 : i32
    "tpu.region"() ({
      %run_scoped3A = tpu.sem_alloc : memref<!tpu.dma_semaphore, #tpu.memory_space<semaphore_mem>>
      %dma_start3A_164 = arith.constant 0 : i32
      %dma_start3A_165 = tpu.memref_slice %arg5[%add3A_123, %dma_start3A_164] : memref<262144x128xf32, #tpu.memory_space<hbm>> -> memref<256x128xf32, #tpu.memory_space<hbm>>
      %dma_start3A_166 = arith.constant 0 : i32
      %dma_start3A_167 = tpu.memref_slice %arg5[%add3A_123, %dma_start3A_166] : memref<262144x128xf32, #tpu.memory_space<hbm>> -> memref<256x128xf32, #tpu.memory_space<hbm>>
      tpu.enqueue_dma source(%arg12 : memref<256x128xf32, #tpu.memory_space<vmem>>) target(%dma_start3A_167 : memref<256x128xf32, #tpu.memory_space<hbm>>) target_semaphore(%run_scoped3A : memref<!tpu.dma_semaphore, #tpu.memory_space<semaphore_mem>>)
      %dma_wait3A_168 = arith.constant 0 : i32
      %dma_wait3A_169 = tpu.memref_slice %arg5[%add3A_123, %dma_wait3A_168] : memref<262144x128xf32, #tpu.memory_space<hbm>> -> memref<256x128xf32, #tpu.memory_space<hbm>>
      %dma_wait3A_170 = arith.constant 0 : i32
      %dma_wait3A_171 = tpu.memref_slice %arg5[%add3A_123, %dma_wait3A_170] : memref<262144x128xf32, #tpu.memory_space<hbm>> -> memref<256x128xf32, #tpu.memory_space<hbm>>
      tpu.wait_dma2 semaphore(%run_scoped3A : memref<!tpu.dma_semaphore, #tpu.memory_space<semaphore_mem>>) src(%arg12 : memref<256x128xf32, #tpu.memory_space<vmem>>) dst(%dma_wait3A_171 : memref<256x128xf32, #tpu.memory_space<hbm>>)
      tpu.yield
    }) : () -> ()
    %dma_wait3A_124 = arith.constant 0 : i32
    %dma_wait3A_125 = arith.constant 0 : i32
    %dma_wait3A_126 = tpu.memref_slice %arg11[%dma_wait3A_124, %dma_wait3A_125] : memref<512x64xf32, #tpu.memory_space<vmem>> -> memref<128x64xf32, #tpu.memory_space<vmem>>
    %dma_wait3A_127 = arith.constant 0 : i32
    %dma_wait3A_128 = tpu.memref_slice %arg8[%dma_wait3A_127] : memref<512xi32, #tpu.memory_space<vmem>> -> memref<128xi32, #tpu.memory_space<vmem>>
    %dma_wait3A_129 = arith.constant 0 : i32
    %dma_wait3A_130 = arith.constant 0 : i32
    %dma_wait3A_131 = tpu.memref_slice %arg2[%dma_wait3A_129, %dma_wait3A_130] : memref<112000x64xf32, #tpu.memory_space<hbm>> -> memref<112000x64xf32, #tpu.memory_space<hbm>>
    tpu.wait_indirect_dma semaphore(%arg14 : memref<!tpu.dma_semaphore, #tpu.memory_space<semaphore_mem>>) src(%dma_wait3A_131 : memref<112000x64xf32, #tpu.memory_space<hbm>>) dst(%dma_wait3A_126 : memref<128x64xf32, #tpu.memory_space<vmem>>)
    %dma_wait3A_132 = arith.constant 128 : i32
    %dma_wait3A_133 = arith.constant 0 : i32
    %dma_wait3A_134 = tpu.memref_slice %arg11[%dma_wait3A_132, %dma_wait3A_133] : memref<512x64xf32, #tpu.memory_space<vmem>> -> memref<128x64xf32, #tpu.memory_space<vmem>>
    %dma_wait3A_135 = arith.constant 0 : i32
    %dma_wait3A_136 = tpu.memref_slice %arg8[%dma_wait3A_135] : memref<512xi32, #tpu.memory_space<vmem>> -> memref<128xi32, #tpu.memory_space<vmem>>
    %dma_wait3A_137 = arith.constant 0 : i32
    %dma_wait3A_138 = arith.constant 0 : i32
    %dma_wait3A_139 = tpu.memref_slice %arg2[%dma_wait3A_137, %dma_wait3A_138] : memref<112000x64xf32, #tpu.memory_space<hbm>> -> memref<112000x64xf32, #tpu.memory_space<hbm>>
    tpu.wait_indirect_dma semaphore(%arg14 : memref<!tpu.dma_semaphore, #tpu.memory_space<semaphore_mem>>) src(%dma_wait3A_139 : memref<112000x64xf32, #tpu.memory_space<hbm>>) dst(%dma_wait3A_134 : memref<128x64xf32, #tpu.memory_space<vmem>>)
    %dma_wait3A_140 = arith.constant 256 : i32
    %dma_wait3A_141 = arith.constant 0 : i32
    %dma_wait3A_142 = tpu.memref_slice %arg11[%dma_wait3A_140, %dma_wait3A_141] : memref<512x64xf32, #tpu.memory_space<vmem>> -> memref<128x64xf32, #tpu.memory_space<vmem>>
    %dma_wait3A_143 = arith.constant 0 : i32
    %dma_wait3A_144 = tpu.memref_slice %arg8[%dma_wait3A_143] : memref<512xi32, #tpu.memory_space<vmem>> -> memref<128xi32, #tpu.memory_space<vmem>>
    %dma_wait3A_145 = arith.constant 0 : i32
    %dma_wait3A_146 = arith.constant 0 : i32
    %dma_wait3A_147 = tpu.memref_slice %arg2[%dma_wait3A_145, %dma_wait3A_146] : memref<112000x64xf32, #tpu.memory_space<hbm>> -> memref<112000x64xf32, #tpu.memory_space<hbm>>
    tpu.wait_indirect_dma semaphore(%arg14 : memref<!tpu.dma_semaphore, #tpu.memory_space<semaphore_mem>>) src(%dma_wait3A_147 : memref<112000x64xf32, #tpu.memory_space<hbm>>) dst(%dma_wait3A_142 : memref<128x64xf32, #tpu.memory_space<vmem>>)
    %dma_wait3A_148 = arith.constant 384 : i32
    %dma_wait3A_149 = arith.constant 0 : i32
    %dma_wait3A_150 = tpu.memref_slice %arg11[%dma_wait3A_148, %dma_wait3A_149] : memref<512x64xf32, #tpu.memory_space<vmem>> -> memref<128x64xf32, #tpu.memory_space<vmem>>
    %dma_wait3A_151 = arith.constant 0 : i32
    %dma_wait3A_152 = tpu.memref_slice %arg8[%dma_wait3A_151] : memref<512xi32, #tpu.memory_space<vmem>> -> memref<128xi32, #tpu.memory_space<vmem>>
    %dma_wait3A_153 = arith.constant 0 : i32
    %dma_wait3A_154 = arith.constant 0 : i32
    %dma_wait3A_155 = tpu.memref_slice %arg2[%dma_wait3A_153, %dma_wait3A_154] : memref<112000x64xf32, #tpu.memory_space<hbm>> -> memref<112000x64xf32, #tpu.memory_space<hbm>>
    tpu.wait_indirect_dma semaphore(%arg14 : memref<!tpu.dma_semaphore, #tpu.memory_space<semaphore_mem>>) src(%dma_wait3A_155 : memref<112000x64xf32, #tpu.memory_space<hbm>>) dst(%dma_wait3A_150 : memref<128x64xf32, #tpu.memory_space<vmem>>)
    %scan3A_156 = arith.constant 0 : i32
    %scan3A_157 = arith.constant 0 : i32
    %scan3A_158 = arith.constant 64 : i32
    %scan3A_159 = arith.addi %scan3A_157, %scan3A_158 : i32
    %scan3A_160 = arith.constant 1 : i32
    scf.for %scan3A_164 = %scan3A_157 to %scan3A_159 step %scan3A_160  : i32 {
      %mul3A_165 = arith.constant 4 : i32
      %mul3A_166 = arith.muli %mul3A_165, %scan3A_164 : i32
      %add3A_167 = arith.constant 0 : i32
      %add3A_168 = arith.addi %mul3A_166, %add3A_167 : i32
      %mul3A_169 = arith.constant 2 : i32
      %mul3A_170 = arith.muli %mul3A_169, %add3A_168 : i32
      %get3A = arith.index_cast %mul3A_170 : i32 to index
      %get3A_171 = arith.constant 0 : index
      %get3A_172 = tpu.vector_load %arg11[%get3A, %get3A_171] {strides = array<i32>} : memref<512x64xf32, #tpu.memory_space<vmem>>, vector<16xf32>,
      %swap3A = arith.index_cast %add3A_168 : i32 to index
      %swap3A_173 = arith.constant 0 : index
      %swap3A_174 = tpu.vector_load %arg12[%swap3A, %swap3A_173] {strides = array<i32>} : memref<256x128xf32, #tpu.memory_space<vmem>>, vector<16xf32>,
      tpu.vector_store %arg12[%swap3A, %swap3A_173], %get3A_172 {strides = array<i32>} : memref<256x128xf32, #tpu.memory_space<vmem>>, vector<16xf32>,
      %mul3A_175 = arith.constant 2 : i32
      %mul3A_176 = arith.muli %mul3A_175, %add3A_168 : i32
      %get3A_177 = arith.index_cast %mul3A_176 : i32 to index
      %get3A_178 = arith.constant 16 : index
      %get3A_179 = tpu.vector_load %arg11[%get3A_177, %get3A_178] {strides = array<i32>} : memref<512x64xf32, #tpu.memory_space<vmem>>, vector<16xf32>,
      %swap3A_180 = arith.index_cast %add3A_168 : i32 to index
      %swap3A_181 = arith.constant 16 : index
      %swap3A_182 = tpu.vector_load %arg12[%swap3A_180, %swap3A_181] {strides = array<i32>} : memref<256x128xf32, #tpu.memory_space<vmem>>, vector<16xf32>,
      tpu.vector_store %arg12[%swap3A_180, %swap3A_181], %get3A_179 {strides = array<i32>} : memref<256x128xf32, #tpu.memory_space<vmem>>, vector<16xf32>,
      %mul3A_183 = arith.constant 2 : i32
      %mul3A_184 = arith.muli %mul3A_183, %add3A_168 : i32
      %get3A_185 = arith.index_cast %mul3A_184 : i32 to index
      %get3A_186 = arith.constant 32 : index
      %get3A_187 = tpu.vector_load %arg11[%get3A_185, %get3A_186] {strides = array<i32>} : memref<512x64xf32, #tpu.memory_space<vmem>>, vector<16xf32>,
      %swap3A_188 = arith.index_cast %add3A_168 : i32 to index
      %swap3A_189 = arith.constant 32 : index
      %swap3A_190 = tpu.vector_load %arg12[%swap3A_188, %swap3A_189] {strides = array<i32>} : memref<256x128xf32, #tpu.memory_space<vmem>>, vector<16xf32>,
      tpu.vector_store %arg12[%swap3A_188, %swap3A_189], %get3A_187 {strides = array<i32>} : memref<256x128xf32, #tpu.memory_space<vmem>>, vector<16xf32>,
      %mul3A_191 = arith.constant 2 : i32
      %mul3A_192 = arith.muli %mul3A_191, %add3A_168 : i32
      %get3A_193 = arith.index_cast %mul3A_192 : i32 to index
      %get3A_194 = arith.constant 48 : index
      %get3A_195 = tpu.vector_load %arg11[%get3A_193, %get3A_194] {strides = array<i32>} : memref<512x64xf32, #tpu.memory_space<vmem>>, vector<16xf32>,
      %swap3A_196 = arith.index_cast %add3A_168 : i32 to index
      %swap3A_197 = arith.constant 48 : index
      %swap3A_198 = tpu.vector_load %arg12[%swap3A_196, %swap3A_197] masked %lt3A_2 {strides = array<i32>} : memref<256x128xf32, #tpu.memory_space<vmem>>, vector<16xf32>, vector<16xi1>
      tpu.vector_store %arg12[%swap3A_196, %swap3A_197], %get3A_195 masked %lt3A_2 {strides = array<i32>} : memref<256x128xf32, #tpu.memory_space<vmem>>, vector<16xf32>, vector<16xi1>
      %mul3A_199 = arith.constant 2 : i32
      %mul3A_200 = arith.muli %mul3A_199, %add3A_168 : i32
      %add3A_201 = arith.constant 1 : i32
      %add3A_202 = arith.addi %mul3A_200, %add3A_201 : i32
      %get3A_203 = arith.index_cast %add3A_202 : i32 to index
      %get3A_204 = arith.constant 0 : index
      %get3A_205 = tpu.vector_load %arg11[%get3A_203, %get3A_204] {strides = array<i32>} : memref<512x64xf32, #tpu.memory_space<vmem>>, vector<16xf32>,
      %swap3A_206 = arith.index_cast %add3A_168 : i32 to index
      %swap3A_207 = arith.constant 50 : index
      %swap3A_208 = tpu.vector_load %arg12[%swap3A_206, %swap3A_207] {strides = array<i32>} : memref<256x128xf32, #tpu.memory_space<vmem>>, vector<16xf32>,
      tpu.vector_store %arg12[%swap3A_206, %swap3A_207], %get3A_205 {strides = array<i32>} : memref<256x128xf32, #tpu.memory_space<vmem>>, vector<16xf32>,
      %mul3A_209 = arith.constant 2 : i32
      %mul3A_210 = arith.muli %mul3A_209, %add3A_168 : i32
      %add3A_211 = arith.constant 1 : i32
      %add3A_212 = arith.addi %mul3A_210, %add3A_211 : i32
      %get3A_213 = arith.index_cast %add3A_212 : i32 to index
      %get3A_214 = arith.constant 16 : index
      %get3A_215 = tpu.vector_load %arg11[%get3A_213, %get3A_214] {strides = array<i32>} : memref<512x64xf32, #tpu.memory_space<vmem>>, vector<16xf32>,
      %swap3A_216 = arith.index_cast %add3A_168 : i32 to index
      %swap3A_217 = arith.constant 66 : index
      %swap3A_218 = tpu.vector_load %arg12[%swap3A_216, %swap3A_217] {strides = array<i32>} : memref<256x128xf32, #tpu.memory_space<vmem>>, vector<16xf32>,
      tpu.vector_store %arg12[%swap3A_216, %swap3A_217], %get3A_215 {strides = array<i32>} : memref<256x128xf32, #tpu.memory_space<vmem>>, vector<16xf32>,
      %mul3A_219 = arith.constant 2 : i32
      %mul3A_220 = arith.muli %mul3A_219, %add3A_168 : i32
      %add3A_221 = arith.constant 1 : i32
      %add3A_222 = arith.addi %mul3A_220, %add3A_221 : i32
      %get3A_223 = arith.index_cast %add3A_222 : i32 to index
      %get3A_224 = arith.constant 32 : index
      %get3A_225 = tpu.vector_load %arg11[%get3A_223, %get3A_224] {strides = array<i32>} : memref<512x64xf32, #tpu.memory_space<vmem>>, vector<16xf32>,
      %swap3A_226 = arith.index_cast %add3A_168 : i32 to index
      %swap3A_227 = arith.constant 82 : index
      %swap3A_228 = tpu.vector_load %arg12[%swap3A_226, %swap3A_227] {strides = array<i32>} : memref<256x128xf32, #tpu.memory_space<vmem>>, vector<16xf32>,
      tpu.vector_store %arg12[%swap3A_226, %swap3A_227], %get3A_225 {strides = array<i32>} : memref<256x128xf32, #tpu.memory_space<vmem>>, vector<16xf32>,
      %mul3A_229 = arith.constant 2 : i32
      %mul3A_230 = arith.muli %mul3A_229, %add3A_168 : i32
      %add3A_231 = arith.constant 1 : i32
      %add3A_232 = arith.addi %mul3A_230, %add3A_231 : i32
      %get3A_233 = arith.index_cast %add3A_232 : i32 to index
      %get3A_234 = arith.constant 48 : index
      %get3A_235 = tpu.vector_load %arg11[%get3A_233, %get3A_234] {strides = array<i32>} : memref<512x64xf32, #tpu.memory_space<vmem>>, vector<16xf32>,
      %swap3A_236 = arith.index_cast %add3A_168 : i32 to index
      %swap3A_237 = arith.constant 98 : index
      %swap3A_238 = tpu.vector_load %arg12[%swap3A_236, %swap3A_237] masked %lt3A_2 {strides = array<i32>} : memref<256x128xf32, #tpu.memory_space<vmem>>, vector<16xf32>, vector<16xi1>
      tpu.vector_store %arg12[%swap3A_236, %swap3A_237], %get3A_235 masked %lt3A_2 {strides = array<i32>} : memref<256x128xf32, #tpu.memory_space<vmem>>, vector<16xf32>, vector<16xi1>
      %mul3A_239 = arith.constant 4 : i32
      %mul3A_240 = arith.muli %mul3A_239, %scan3A_164 : i32
      %add3A_241 = arith.constant 1 : i32
      %add3A_242 = arith.addi %mul3A_240, %add3A_241 : i32
      %mul3A_243 = arith.constant 2 : i32
      %mul3A_244 = arith.muli %mul3A_243, %add3A_242 : i32
      %get3A_245 = arith.index_cast %mul3A_244 : i32 to index
      %get3A_246 = arith.constant 0 : index
      %get3A_247 = tpu.vector_load %arg11[%get3A_245, %get3A_246] {strides = array<i32>} : memref<512x64xf32, #tpu.memory_space<vmem>>, vector<16xf32>,
      %swap3A_248 = arith.index_cast %add3A_242 : i32 to index
      %swap3A_249 = arith.constant 0 : index
      %swap3A_250 = tpu.vector_load %arg12[%swap3A_248, %swap3A_249] {strides = array<i32>} : memref<256x128xf32, #tpu.memory_space<vmem>>, vector<16xf32>,
      tpu.vector_store %arg12[%swap3A_248, %swap3A_249], %get3A_247 {strides = array<i32>} : memref<256x128xf32, #tpu.memory_space<vmem>>, vector<16xf32>,
      %mul3A_251 = arith.constant 2 : i32
      %mul3A_252 = arith.muli %mul3A_251, %add3A_242 : i32
      %get3A_253 = arith.index_cast %mul3A_252 : i32 to index
      %get3A_254 = arith.constant 16 : index
      %get3A_255 = tpu.vector_load %arg11[%get3A_253, %get3A_254] {strides = array<i32>} : memref<512x64xf32, #tpu.memory_space<vmem>>, vector<16xf32>,
      %swap3A_256 = arith.index_cast %add3A_242 : i32 to index
      %swap3A_257 = arith.constant 16 : index
      %swap3A_258 = tpu.vector_load %arg12[%swap3A_256, %swap3A_257] {strides = array<i32>} : memref<256x128xf32, #tpu.memory_space<vmem>>, vector<16xf32>,
      tpu.vector_store %arg12[%swap3A_256, %swap3A_257], %get3A_255 {strides = array<i32>} : memref<256x128xf32, #tpu.memory_space<vmem>>, vector<16xf32>,
      %mul3A_259 = arith.constant 2 : i32
      %mul3A_260 = arith.muli %mul3A_259, %add3A_242 : i32
      %get3A_261 = arith.index_cast %mul3A_260 : i32 to index
      %get3A_262 = arith.constant 32 : index
      %get3A_263 = tpu.vector_load %arg11[%get3A_261, %get3A_262] {strides = array<i32>} : memref<512x64xf32, #tpu.memory_space<vmem>>, vector<16xf32>,
      %swap3A_264 = arith.index_cast %add3A_242 : i32 to index
      %swap3A_265 = arith.constant 32 : index
      %swap3A_266 = tpu.vector_load %arg12[%swap3A_264, %swap3A_265] {strides = array<i32>} : memref<256x128xf32, #tpu.memory_space<vmem>>, vector<16xf32>,
      tpu.vector_store %arg12[%swap3A_264, %swap3A_265], %get3A_263 {strides = array<i32>} : memref<256x128xf32, #tpu.memory_space<vmem>>, vector<16xf32>,
      %mul3A_267 = arith.constant 2 : i32
      %mul3A_268 = arith.muli %mul3A_267, %add3A_242 : i32
      %get3A_269 = arith.index_cast %mul3A_268 : i32 to index
      %get3A_270 = arith.constant 48 : index
      %get3A_271 = tpu.vector_load %arg11[%get3A_269, %get3A_270] {strides = array<i32>} : memref<512x64xf32, #tpu.memory_space<vmem>>, vector<16xf32>,
      %swap3A_272 = arith.index_cast %add3A_242 : i32 to index
      %swap3A_273 = arith.constant 48 : index
      %swap3A_274 = tpu.vector_load %arg12[%swap3A_272, %swap3A_273] masked %lt3A_2 {strides = array<i32>} : memref<256x128xf32, #tpu.memory_space<vmem>>, vector<16xf32>, vector<16xi1>
      tpu.vector_store %arg12[%swap3A_272, %swap3A_273], %get3A_271 masked %lt3A_2 {strides = array<i32>} : memref<256x128xf32, #tpu.memory_space<vmem>>, vector<16xf32>, vector<16xi1>
      %mul3A_275 = arith.constant 2 : i32
      %mul3A_276 = arith.muli %mul3A_275, %add3A_242 : i32
      %add3A_277 = arith.constant 1 : i32
      %add3A_278 = arith.addi %mul3A_276, %add3A_277 : i32
      %get3A_279 = arith.index_cast %add3A_278 : i32 to index
      %get3A_280 = arith.constant 0 : index
      %get3A_281 = tpu.vector_load %arg11[%get3A_279, %get3A_280] {strides = array<i32>} : memref<512x64xf32, #tpu.memory_space<vmem>>, vector<16xf32>,
      %swap3A_282 = arith.index_cast %add3A_242 : i32 to index
      %swap3A_283 = arith.constant 50 : index
      %swap3A_284 = tpu.vector_load %arg12[%swap3A_282, %swap3A_283] {strides = array<i32>} : memref<256x128xf32, #tpu.memory_space<vmem>>, vector<16xf32>,
      tpu.vector_store %arg12[%swap3A_282, %swap3A_283], %get3A_281 {strides = array<i32>} : memref<256x128xf32, #tpu.memory_space<vmem>>, vector<16xf32>,
      %mul3A_285 = arith.constant 2 : i32
      %mul3A_286 = arith.muli %mul3A_285, %add3A_242 : i32
      %add3A_287 = arith.constant 1 : i32
      %add3A_288 = arith.addi %mul3A_286, %add3A_287 : i32
      %get3A_289 = arith.index_cast %add3A_288 : i32 to index
      %get3A_290 = arith.constant 16 : index
      %get3A_291 = tpu.vector_load %arg11[%get3A_289, %get3A_290] {strides = array<i32>} : memref<512x64xf32, #tpu.memory_space<vmem>>, vector<16xf32>,
      %swap3A_292 = arith.index_cast %add3A_242 : i32 to index
      %swap3A_293 = arith.constant 66 : index
      %swap3A_294 = tpu.vector_load %arg12[%swap3A_292, %swap3A_293] {strides = array<i32>} : memref<256x128xf32, #tpu.memory_space<vmem>>, vector<16xf32>,
      tpu.vector_store %arg12[%swap3A_292, %swap3A_293], %get3A_291 {strides = array<i32>} : memref<256x128xf32, #tpu.memory_space<vmem>>, vector<16xf32>,
      %mul3A_295 = arith.constant 2 : i32
      %mul3A_296 = arith.muli %mul3A_295, %add3A_242 : i32
      %add3A_297 = arith.constant 1 : i32
      %add3A_298 = arith.addi %mul3A_296, %add3A_297 : i32
      %get3A_299 = arith.index_cast %add3A_298 : i32 to index
      %get3A_300 = arith.constant 32 : index
      %get3A_301 = tpu.vector_load %arg11[%get3A_299, %get3A_300] {strides = array<i32>} : memref<512x64xf32, #tpu.memory_space<vmem>>, vector<16xf32>,
      %swap3A_302 = arith.index_cast %add3A_242 : i32 to index
      %swap3A_303 = arith.constant 82 : index
      %swap3A_304 = tpu.vector_load %arg12[%swap3A_302, %swap3A_303] {strides = array<i32>} : memref<256x128xf32, #tpu.memory_space<vmem>>, vector<16xf32>,
      tpu.vector_store %arg12[%swap3A_302, %swap3A_303], %get3A_301 {strides = array<i32>} : memref<256x128xf32, #tpu.memory_space<vmem>>, vector<16xf32>,
      %mul3A_305 = arith.constant 2 : i32
      %mul3A_306 = arith.muli %mul3A_305, %add3A_242 : i32
      %add3A_307 = arith.constant 1 : i32
      %add3A_308 = arith.addi %mul3A_306, %add3A_307 : i32
      %get3A_309 = arith.index_cast %add3A_308 : i32 to index
      %get3A_310 = arith.constant 48 : index
      %get3A_311 = tpu.vector_load %arg11[%get3A_309, %get3A_310] {strides = array<i32>} : memref<512x64xf32, #tpu.memory_space<vmem>>, vector<16xf32>,
      %swap3A_312 = arith.index_cast %add3A_242 : i32 to index
      %swap3A_313 = arith.constant 98 : index
      %swap3A_314 = tpu.vector_load %arg12[%swap3A_312, %swap3A_313] masked %lt3A_2 {strides = array<i32>} : memref<256x128xf32, #tpu.memory_space<vmem>>, vector<16xf32>, vector<16xi1>
      tpu.vector_store %arg12[%swap3A_312, %swap3A_313], %get3A_311 masked %lt3A_2 {strides = array<i32>} : memref<256x128xf32, #tpu.memory_space<vmem>>, vector<16xf32>, vector<16xi1>
      %mul3A_315 = arith.constant 4 : i32
      %mul3A_316 = arith.muli %mul3A_315, %scan3A_164 : i32
      %add3A_317 = arith.constant 2 : i32
      %add3A_318 = arith.addi %mul3A_316, %add3A_317 : i32
      %mul3A_319 = arith.constant 2 : i32
      %mul3A_320 = arith.muli %mul3A_319, %add3A_318 : i32
      %get3A_321 = arith.index_cast %mul3A_320 : i32 to index
      %get3A_322 = arith.constant 0 : index
      %get3A_323 = tpu.vector_load %arg11[%get3A_321, %get3A_322] {strides = array<i32>} : memref<512x64xf32, #tpu.memory_space<vmem>>, vector<16xf32>,
      %swap3A_324 = arith.index_cast %add3A_318 : i32 to index
      %swap3A_325 = arith.constant 0 : index
      %swap3A_326 = tpu.vector_load %arg12[%swap3A_324, %swap3A_325] {strides = array<i32>} : memref<256x128xf32, #tpu.memory_space<vmem>>, vector<16xf32>,
      tpu.vector_store %arg12[%swap3A_324, %swap3A_325], %get3A_323 {strides = array<i32>} : memref<256x128xf32, #tpu.memory_space<vmem>>, vector<16xf32>,
      %mul3A_327 = arith.constant 2 : i32
      %mul3A_328 = arith.muli %mul3A_327, %add3A_318 : i32
      %get3A_329 = arith.index_cast %mul3A_328 : i32 to index
      %get3A_330 = arith.constant 16 : index
      %get3A_331 = tpu.vector_load %arg11[%get3A_329, %get3A_330] {strides = array<i32>} : memref<512x64xf32, #tpu.memory_space<vmem>>, vector<16xf32>,
      %swap3A_332 = arith.index_cast %add3A_318 : i32 to index
      %swap3A_333 = arith.constant 16 : index
      %swap3A_334 = tpu.vector_load %arg12[%swap3A_332, %swap3A_333] {strides = array<i32>} : memref<256x128xf32, #tpu.memory_space<vmem>>, vector<16xf32>,
      tpu.vector_store %arg12[%swap3A_332, %swap3A_333], %get3A_331 {strides = array<i32>} : memref<256x128xf32, #tpu.memory_space<vmem>>, vector<16xf32>,
      %mul3A_335 = arith.constant 2 : i32
      %mul3A_336 = arith.muli %mul3A_335, %add3A_318 : i32
      %get3A_337 = arith.index_cast %mul3A_336 : i32 to index
      %get3A_338 = arith.constant 32 : index
      %get3A_339 = tpu.vector_load %arg11[%get3A_337, %get3A_338] {strides = array<i32>} : memref<512x64xf32, #tpu.memory_space<vmem>>, vector<16xf32>,
      %swap3A_340 = arith.index_cast %add3A_318 : i32 to index
      %swap3A_341 = arith.constant 32 : index
      %swap3A_342 = tpu.vector_load %arg12[%swap3A_340, %swap3A_341] {strides = array<i32>} : memref<256x128xf32, #tpu.memory_space<vmem>>, vector<16xf32>,
      tpu.vector_store %arg12[%swap3A_340, %swap3A_341], %get3A_339 {strides = array<i32>} : memref<256x128xf32, #tpu.memory_space<vmem>>, vector<16xf32>,
      %mul3A_343 = arith.constant 2 : i32
      %mul3A_344 = arith.muli %mul3A_343, %add3A_318 : i32
      %get3A_345 = arith.index_cast %mul3A_344 : i32 to index
      %get3A_346 = arith.constant 48 : index
      %get3A_347 = tpu.vector_load %arg11[%get3A_345, %get3A_346] {strides = array<i32>} : memref<512x64xf32, #tpu.memory_space<vmem>>, vector<16xf32>,
      %swap3A_348 = arith.index_cast %add3A_318 : i32 to index
      %swap3A_349 = arith.constant 48 : index
      %swap3A_350 = tpu.vector_load %arg12[%swap3A_348, %swap3A_349] masked %lt3A_2 {strides = array<i32>} : memref<256x128xf32, #tpu.memory_space<vmem>>, vector<16xf32>, vector<16xi1>
      tpu.vector_store %arg12[%swap3A_348, %swap3A_349], %get3A_347 masked %lt3A_2 {strides = array<i32>} : memref<256x128xf32, #tpu.memory_space<vmem>>, vector<16xf32>, vector<16xi1>
      %mul3A_351 = arith.constant 2 : i32
      %mul3A_352 = arith.muli %mul3A_351, %add3A_318 : i32
      %add3A_353 = arith.constant 1 : i32
      %add3A_354 = arith.addi %mul3A_352, %add3A_353 : i32
      %get3A_355 = arith.index_cast %add3A_354 : i32 to index
      %get3A_356 = arith.constant 0 : index
      %get3A_357 = tpu.vector_load %arg11[%get3A_355, %get3A_356] {strides = array<i32>} : memref<512x64xf32, #tpu.memory_space<vmem>>, vector<16xf32>,
      %swap3A_358 = arith.index_cast %add3A_318 : i32 to index
      %swap3A_359 = arith.constant 50 : index
      %swap3A_360 = tpu.vector_load %arg12[%swap3A_358, %swap3A_359] {strides = array<i32>} : memref<256x128xf32, #tpu.memory_space<vmem>>, vector<16xf32>,
      tpu.vector_store %arg12[%swap3A_358, %swap3A_359], %get3A_357 {strides = array<i32>} : memref<256x128xf32, #tpu.memory_space<vmem>>, vector<16xf32>,
      %mul3A_361 = arith.constant 2 : i32
      %mul3A_362 = arith.muli %mul3A_361, %add3A_318 : i32
      %add3A_363 = arith.constant 1 : i32
      %add3A_364 = arith.addi %mul3A_362, %add3A_363 : i32
      %get3A_365 = arith.index_cast %add3A_364 : i32 to index
      %get3A_366 = arith.constant 16 : index
      %get3A_367 = tpu.vector_load %arg11[%get3A_365, %get3A_366] {strides = array<i32>} : memref<512x64xf32, #tpu.memory_space<vmem>>, vector<16xf32>,
      %swap3A_368 = arith.index_cast %add3A_318 : i32 to index
      %swap3A_369 = arith.constant 66 : index
      %swap3A_370 = tpu.vector_load %arg12[%swap3A_368, %swap3A_369] {strides = array<i32>} : memref<256x128xf32, #tpu.memory_space<vmem>>, vector<16xf32>,
      tpu.vector_store %arg12[%swap3A_368, %swap3A_369], %get3A_367 {strides = array<i32>} : memref<256x128xf32, #tpu.memory_space<vmem>>, vector<16xf32>,
      %mul3A_371 = arith.constant 2 : i32
      %mul3A_372 = arith.muli %mul3A_371, %add3A_318 : i32
      %add3A_373 = arith.constant 1 : i32
      %add3A_374 = arith.addi %mul3A_372, %add3A_373 : i32
      %get3A_375 = arith.index_cast %add3A_374 : i32 to index
      %get3A_376 = arith.constant 32 : index
      %get3A_377 = tpu.vector_load %arg11[%get3A_375, %get3A_376] {strides = array<i32>} : memref<512x64xf32, #tpu.memory_space<vmem>>, vector<16xf32>,
      %swap3A_378 = arith.index_cast %add3A_318 : i32 to index
      %swap3A_379 = arith.constant 82 : index
      %swap3A_380 = tpu.vector_load %arg12[%swap3A_378, %swap3A_379] {strides = array<i32>} : memref<256x128xf32, #tpu.memory_space<vmem>>, vector<16xf32>,
      tpu.vector_store %arg12[%swap3A_378, %swap3A_379], %get3A_377 {strides = array<i32>} : memref<256x128xf32, #tpu.memory_space<vmem>>, vector<16xf32>,
      %mul3A_381 = arith.constant 2 : i32
      %mul3A_382 = arith.muli %mul3A_381, %add3A_318 : i32
      %add3A_383 = arith.constant 1 : i32
      %add3A_384 = arith.addi %mul3A_382, %add3A_383 : i32
      %get3A_385 = arith.index_cast %add3A_384 : i32 to index
      %get3A_386 = arith.constant 48 : index
      %get3A_387 = tpu.vector_load %arg11[%get3A_385, %get3A_386] {strides = array<i32>} : memref<512x64xf32, #tpu.memory_space<vmem>>, vector<16xf32>,
      %swap3A_388 = arith.index_cast %add3A_318 : i32 to index
      %swap3A_389 = arith.constant 98 : index
      %swap3A_390 = tpu.vector_load %arg12[%swap3A_388, %swap3A_389] masked %lt3A_2 {strides = array<i32>} : memref<256x128xf32, #tpu.memory_space<vmem>>, vector<16xf32>, vector<16xi1>
      tpu.vector_store %arg12[%swap3A_388, %swap3A_389], %get3A_387 masked %lt3A_2 {strides = array<i32>} : memref<256x128xf32, #tpu.memory_space<vmem>>, vector<16xf32>, vector<16xi1>
      %mul3A_391 = arith.constant 4 : i32
      %mul3A_392 = arith.muli %mul3A_391, %scan3A_164 : i32
      %add3A_393 = arith.constant 3 : i32
      %add3A_394 = arith.addi %mul3A_392, %add3A_393 : i32
      %mul3A_395 = arith.constant 2 : i32
      %mul3A_396 = arith.muli %mul3A_395, %add3A_394 : i32
      %get3A_397 = arith.index_cast %mul3A_396 : i32 to index
      %get3A_398 = arith.constant 0 : index
      %get3A_399 = tpu.vector_load %arg11[%get3A_397, %get3A_398] {strides = array<i32>} : memref<512x64xf32, #tpu.memory_space<vmem>>, vector<16xf32>,
      %swap3A_400 = arith.index_cast %add3A_394 : i32 to index
      %swap3A_401 = arith.constant 0 : index
      %swap3A_402 = tpu.vector_load %arg12[%swap3A_400, %swap3A_401] {strides = array<i32>} : memref<256x128xf32, #tpu.memory_space<vmem>>, vector<16xf32>,
      tpu.vector_store %arg12[%swap3A_400, %swap3A_401], %get3A_399 {strides = array<i32>} : memref<256x128xf32, #tpu.memory_space<vmem>>, vector<16xf32>,
      %mul3A_403 = arith.constant 2 : i32
      %mul3A_404 = arith.muli %mul3A_403, %add3A_394 : i32
      %get3A_405 = arith.index_cast %mul3A_404 : i32 to index
      %get3A_406 = arith.constant 16 : index
      %get3A_407 = tpu.vector_load %arg11[%get3A_405, %get3A_406] {strides = array<i32>} : memref<512x64xf32, #tpu.memory_space<vmem>>, vector<16xf32>,
      %swap3A_408 = arith.index_cast %add3A_394 : i32 to index
      %swap3A_409 = arith.constant 16 : index
      %swap3A_410 = tpu.vector_load %arg12[%swap3A_408, %swap3A_409] {strides = array<i32>} : memref<256x128xf32, #tpu.memory_space<vmem>>, vector<16xf32>,
      tpu.vector_store %arg12[%swap3A_408, %swap3A_409], %get3A_407 {strides = array<i32>} : memref<256x128xf32, #tpu.memory_space<vmem>>, vector<16xf32>,
      %mul3A_411 = arith.constant 2 : i32
      %mul3A_412 = arith.muli %mul3A_411, %add3A_394 : i32
      %get3A_413 = arith.index_cast %mul3A_412 : i32 to index
      %get3A_414 = arith.constant 32 : index
      %get3A_415 = tpu.vector_load %arg11[%get3A_413, %get3A_414] {strides = array<i32>} : memref<512x64xf32, #tpu.memory_space<vmem>>, vector<16xf32>,
      %swap3A_416 = arith.index_cast %add3A_394 : i32 to index
      %swap3A_417 = arith.constant 32 : index
      %swap3A_418 = tpu.vector_load %arg12[%swap3A_416, %swap3A_417] {strides = array<i32>} : memref<256x128xf32, #tpu.memory_space<vmem>>, vector<16xf32>,
      tpu.vector_store %arg12[%swap3A_416, %swap3A_417], %get3A_415 {strides = array<i32>} : memref<256x128xf32, #tpu.memory_space<vmem>>, vector<16xf32>,
      %mul3A_419 = arith.constant 2 : i32
      %mul3A_420 = arith.muli %mul3A_419, %add3A_394 : i32
      %get3A_421 = arith.index_cast %mul3A_420 : i32 to index
      %get3A_422 = arith.constant 48 : index
      %get3A_423 = tpu.vector_load %arg11[%get3A_421, %get3A_422] {strides = array<i32>} : memref<512x64xf32, #tpu.memory_space<vmem>>, vector<16xf32>,
      %swap3A_424 = arith.index_cast %add3A_394 : i32 to index
      %swap3A_425 = arith.constant 48 : index
      %swap3A_426 = tpu.vector_load %arg12[%swap3A_424, %swap3A_425] masked %lt3A_2 {strides = array<i32>} : memref<256x128xf32, #tpu.memory_space<vmem>>, vector<16xf32>, vector<16xi1>
      tpu.vector_store %arg12[%swap3A_424, %swap3A_425], %get3A_423 masked %lt3A_2 {strides = array<i32>} : memref<256x128xf32, #tpu.memory_space<vmem>>, vector<16xf32>, vector<16xi1>
      %mul3A_427 = arith.constant 2 : i32
      %mul3A_428 = arith.muli %mul3A_427, %add3A_394 : i32
      %add3A_429 = arith.constant 1 : i32
      %add3A_430 = arith.addi %mul3A_428, %add3A_429 : i32
      %get3A_431 = arith.index_cast %add3A_430 : i32 to index
      %get3A_432 = arith.constant 0 : index
      %get3A_433 = tpu.vector_load %arg11[%get3A_431, %get3A_432] {strides = array<i32>} : memref<512x64xf32, #tpu.memory_space<vmem>>, vector<16xf32>,
      %swap3A_434 = arith.index_cast %add3A_394 : i32 to index
      %swap3A_435 = arith.constant 50 : index
      %swap3A_436 = tpu.vector_load %arg12[%swap3A_434, %swap3A_435] {strides = array<i32>} : memref<256x128xf32, #tpu.memory_space<vmem>>, vector<16xf32>,
      tpu.vector_store %arg12[%swap3A_434, %swap3A_435], %get3A_433 {strides = array<i32>} : memref<256x128xf32, #tpu.memory_space<vmem>>, vector<16xf32>,
      %mul3A_437 = arith.constant 2 : i32
      %mul3A_438 = arith.muli %mul3A_437, %add3A_394 : i32
      %add3A_439 = arith.constant 1 : i32
      %add3A_440 = arith.addi %mul3A_438, %add3A_439 : i32
      %get3A_441 = arith.index_cast %add3A_440 : i32 to index
      %get3A_442 = arith.constant 16 : index
      %get3A_443 = tpu.vector_load %arg11[%get3A_441, %get3A_442] {strides = array<i32>} : memref<512x64xf32, #tpu.memory_space<vmem>>, vector<16xf32>,
      %swap3A_444 = arith.index_cast %add3A_394 : i32 to index
      %swap3A_445 = arith.constant 66 : index
      %swap3A_446 = tpu.vector_load %arg12[%swap3A_444, %swap3A_445] {strides = array<i32>} : memref<256x128xf32, #tpu.memory_space<vmem>>, vector<16xf32>,
      tpu.vector_store %arg12[%swap3A_444, %swap3A_445], %get3A_443 {strides = array<i32>} : memref<256x128xf32, #tpu.memory_space<vmem>>, vector<16xf32>,
      %mul3A_447 = arith.constant 2 : i32
      %mul3A_448 = arith.muli %mul3A_447, %add3A_394 : i32
      %add3A_449 = arith.constant 1 : i32
      %add3A_450 = arith.addi %mul3A_448, %add3A_449 : i32
      %get3A_451 = arith.index_cast %add3A_450 : i32 to index
      %get3A_452 = arith.constant 32 : index
      %get3A_453 = tpu.vector_load %arg11[%get3A_451, %get3A_452] {strides = array<i32>} : memref<512x64xf32, #tpu.memory_space<vmem>>, vector<16xf32>,
      %swap3A_454 = arith.index_cast %add3A_394 : i32 to index
      %swap3A_455 = arith.constant 82 : index
      %swap3A_456 = tpu.vector_load %arg12[%swap3A_454, %swap3A_455] {strides = array<i32>} : memref<256x128xf32, #tpu.memory_space<vmem>>, vector<16xf32>,
      tpu.vector_store %arg12[%swap3A_454, %swap3A_455], %get3A_453 {strides = array<i32>} : memref<256x128xf32, #tpu.memory_space<vmem>>, vector<16xf32>,
      %mul3A_457 = arith.constant 2 : i32
      %mul3A_458 = arith.muli %mul3A_457, %add3A_394 : i32
      %add3A_459 = arith.constant 1 : i32
      %add3A_460 = arith.addi %mul3A_458, %add3A_459 : i32
      %get3A_461 = arith.index_cast %add3A_460 : i32 to index
      %get3A_462 = arith.constant 48 : index
      %get3A_463 = tpu.vector_load %arg11[%get3A_461, %get3A_462] {strides = array<i32>} : memref<512x64xf32, #tpu.memory_space<vmem>>, vector<16xf32>,
      %swap3A_464 = arith.index_cast %add3A_394 : i32 to index
      %swap3A_465 = arith.constant 98 : index
      %swap3A_466 = tpu.vector_load %arg12[%swap3A_464, %swap3A_465] masked %lt3A_2 {strides = array<i32>} : memref<256x128xf32, #tpu.memory_space<vmem>>, vector<16xf32>, vector<16xi1>
      tpu.vector_store %arg12[%swap3A_464, %swap3A_465], %get3A_463 masked %lt3A_2 {strides = array<i32>} : memref<256x128xf32, #tpu.memory_space<vmem>>, vector<16xf32>, vector<16xi1>
    }
    %scan3A_161 = arith.constant 64 : i32
    %add3A_162 = arith.constant 7936 : i32
    %add3A_163 = arith.addi %mul3A_4, %add3A_162 : i32
    "tpu.region"() ({
      %run_scoped3A = tpu.sem_alloc : memref<!tpu.dma_semaphore, #tpu.memory_space<semaphore_mem>>
      %dma_start3A_164 = arith.constant 0 : i32
      %dma_start3A_165 = tpu.memref_slice %arg5[%add3A_163, %dma_start3A_164] : memref<262144x128xf32, #tpu.memory_space<hbm>> -> memref<256x128xf32, #tpu.memory_space<hbm>>
      %dma_start3A_166 = arith.constant 0 : i32
      %dma_start3A_167 = tpu.memref_slice %arg5[%add3A_163, %dma_start3A_166] : memref<262144x128xf32, #tpu.memory_space<hbm>> -> memref<256x128xf32, #tpu.memory_space<hbm>>
      tpu.enqueue_dma source(%arg12 : memref<256x128xf32, #tpu.memory_space<vmem>>) target(%dma_start3A_167 : memref<256x128xf32, #tpu.memory_space<hbm>>) target_semaphore(%run_scoped3A : memref<!tpu.dma_semaphore, #tpu.memory_space<semaphore_mem>>)
      %dma_wait3A_168 = arith.constant 0 : i32
      %dma_wait3A_169 = tpu.memref_slice %arg5[%add3A_163, %dma_wait3A_168] : memref<262144x128xf32, #tpu.memory_space<hbm>> -> memref<256x128xf32, #tpu.memory_space<hbm>>
      %dma_wait3A_170 = arith.constant 0 : i32
      %dma_wait3A_171 = tpu.memref_slice %arg5[%add3A_163, %dma_wait3A_170] : memref<262144x128xf32, #tpu.memory_space<hbm>> -> memref<256x128xf32, #tpu.memory_space<hbm>>
      tpu.wait_dma2 semaphore(%run_scoped3A : memref<!tpu.dma_semaphore, #tpu.memory_space<semaphore_mem>>) src(%arg12 : memref<256x128xf32, #tpu.memory_space<vmem>>) dst(%dma_wait3A_171 : memref<256x128xf32, #tpu.memory_space<hbm>>)
      tpu.yield
    }) : () -> ()
    return
  }
}

</mosaic_0001>

<sc_bundles>
// kernel: _run.3.cloned.1.call-start
scs
__scs_entry_jumppad:
0x0: {  	(pc) =	sbr.rel $0x88, $3  }
0x1: {  	(tag) =	ssettag $0x0;
	lr =	simm.s32 $0x1  }
0x2: {  	[smem:$0x3F9E] =	sst lr;
	_ =	strace $0xD0000000  }
0x3: {  	_ = 	snop  }
0x4: {  	_ = 	snop  }
0x5: {  	_ = 	snop  }
0x6: {  	_ = 	snop  }
0x7: {  	_ = 	snop  }
__scs_overlays_trampoline_lowered:
0x8: {  	[smem:$0x3FAD] =	sst s0  }
0x9: {  	[smem:$0x3FAE] =	sst s1  }
0xa: {  	[smem:$0x3FAF] =	sst s2  }
0xb: {  	[smem:$0x3FB0] =	sst s3  }
0xc: {  	[smem:$0x3FB1] =	sst s4  }
0xd: {  	[smem:$0x3FB2] =	sst s5  }
0xe: {  	[smem:$0x3FB3] =	sst s6  }
0xf: {  	[smem:$0x3FB4] =	sst s7  }
0x10: {  	[smem:$0x3FB5] =	sst s8  }
0x11: {  	[smem:$0x3FB6] =	sst s9;
	s0 =	simm.s32 @!p0 $0x0  }
0x12: {  	s1 =	sld [smem:$0x3F9C];
	s0 =	simm.s32 @p0 $0x1  }
0x13: {  	[smem:$0x3FB7] =	sst s0;
	s0 =	simm.s32 @!p1 $0x0  }
0x14: {  	s2 =	sld [smem:$0x3F9B];
	s0 =	simm.s32 @p1 $0x1  }
0x15: {  	[smem:$0x3FB8] =	sst s0;
	s0 =	simm.s32 @!p2 $0x0  }
0x16: {  	s3 =	sld [smem:$0x3FDB];
	s0 =	simm.s32 @p2 $0x1  }
0x17: {  	s4 =	simm.s32 $0x1BF5;
	[smem:$0x3FBA] =	sst s0  }
0x18: {  	s0 =	sld [smem:$0x3F9D];
	_ =	swait.ge [sflag:s4], $0x0  }
0x19: {  	s7 =	sld [smem:$0x3F9E]  }
0x1a: {  	s8 =	sadd.s32 $0xFFFFE003, lr  }
0x1b: {  	s9 =	sadd.s32 $0xFFFFFEF7, lr;
	s5 =	simm.s32 $0xFFFFFFFF;
	p2 =	slt.u32 s8, $0xFFFFF086  }
0x1c: {  	p1 =	slt.u32 s9, $0xF7A;
	s5 =	simm.s32 @!p2 $0x0  }
0x1d: {  	s5 =	simm.s32 @p1 $0x1;
	p0 =	seq.s32 s7, s2  }
0x1e: {  	s7 =	smul.u32 @!p0 $0xF7A, s2;
	p2 =	seq.s32 @!p0 s5, $0x0  }
0x1f: {  	s9 =	smul.u32 $0xF7A, s1;
	s8 =	simm.s32 @!p0 $0x1BF5;
	p2 =	por !p2, p0  }
0x20: {  	[sflag:s8] =	ssyncset.s32 @!p0 $0xFFFFF086;
	s6 =	sadd.s32 @!p0 s3, s7;
	s7 =	simm.s32 @!p0 $0x108  }
0x21: {  	s3 =	sadd.s32 s3, s9;
	s6 =	sadd.s32 @!p0 $0x88, s6;
	s7 =	simm.s32 @p2 $0x1082  }
0x22: {  	[simem:s7], [sflag:s8] =	dma.local @!p0 [hbm:s6], $0xF7A  }
0x23: {  	s9 =	sor.u32 $0xD0000000, s2;
	s6 =	simm.s32 $0x108;
	_ =	swait.ge @!p0 [sflag:s8], $0x0  }
0x24: {  	s3 =	sadd.s32 $0x88, s3;
	s6 =	simm.s32 @!p1 $0x1082;
	[sflag:s4] =	ssyncset.s32 $0xFFFFF086  }
0x25: {  	[simem:s6], [sflag:s4] =	dma.local [hbm:s3], $0xF7A  }
0x26: {  	[smem:$0x3F9E] =	sst s1;
	(tag) =	ssettag s2;
	_ =	strace s9  }
0x27: {  	s1 =	sld [smem:$0x3FAE]  }
0x28: {  	s2 =	sld [smem:$0x3FAF]  }
0x29: {  	s4 =	sld [smem:$0x3FB1]  }
0x2a: {  	p0 =	seq.s32 s5, $0x0;
	s5 =	sld [smem:$0x3FB2]  }
0x2b: {  	s6 =	sld [smem:$0x3FB3]  }
0x2c: {  	s7 =	sld [smem:$0x3FB4]  }
0x2d: {  	s3 =	simm.s32 $0x108;
	s8 =	sld [smem:$0x3FB5]  }
0x2e: {  	s3 =	simm.s32 @!p0 $0x1082;
	s9 =	sld [smem:$0x3FB6]  }
0x2f: {  	lr =	sadd.s32 s0, s3;
	s0 =	sld [smem:$0x3FAD]  }
0x30: {  	s3 =	sld [smem:$0x3FB0]  }
0x31: {  	[smem:$0x3FB9] =	sst s10  }
0x32: {  	s10 =	sld [smem:$0x3FB7];
	_ =	sdelay $0x3  }
0x33: {  	p0 =	seq.s32 s10, $0x1;
	s10 =	sld [smem:$0x3FB9];
	_ =	sdelay $0x3  }
0x34: {  	[smem:$0x3FB9] =	sst s10  }
0x35: {  	s10 =	sld [smem:$0x3FB8];
	_ =	sdelay $0x3  }
0x36: {  	p1 =	seq.s32 s10, $0x1;
	s10 =	sld [smem:$0x3FB9];
	_ =	sdelay $0x3  }
0x37: {  	[smem:$0x3FB9] =	sst s10  }
0x38: {  	s10 =	sld [smem:$0x3FBA]  }
0x39: {  	_ = 	snop;
	(pc) =	sbr.ind lr, $3  }
0x3a: {  	_ = 	snop  }
0x3b: {  	_ = 	snop  }
0x3c: {  	p2 =	seq.s32 s10, $0x1;
	s10 =	sld [smem:$0x3FB9]  }
0x3d: {  	_ =	shalt  }
0x3e: {  	_ =	shalt  }
0x3f: {  	_ =	shalt  }
0x40: {  	_ =	shalt  }
0x41: {  	_ =	shalt  }
0x42: {  	_ =	shalt  }
0x43: {  	_ =	shalt  }
0x44: {  	_ =	shalt  }
0x45: {  	_ =	shalt  }
0x46: {  	_ =	shalt  }
0x47: {  	_ =	shalt  }
0x48: {  	_ =	shalt  }
0x49: {  	_ =	shalt  }
0x4a: {  	_ =	shalt  }
0x4b: {  	_ =	shalt  }
0x4c: {  	_ =	shalt  }
0x4d: {  	_ =	shalt  }
0x4e: {  	_ =	shalt  }
0x4f: {  	_ =	shalt  }
0x50: {  	_ =	shalt  }
0x51: {  	_ =	shalt  }
0x52: {  	_ =	shalt  }
0x53: {  	_ =	shalt  }
0x54: {  	_ =	shalt  }
0x55: {  	_ =	shalt  }
0x56: {  	_ =	shalt  }
0x57: {  	_ =	shalt  }
0x58: {  	_ =	shalt  }
0x59: {  	_ =	shalt  }
0x5a: {  	_ =	shalt  }
0x5b: {  	_ =	shalt  }
0x5c: {  	_ =	shalt  }
0x5d: {  	_ =	shalt  }
0x5e: {  	_ =	shalt  }
0x5f: {  	_ =	shalt  }
0x60: {  	_ =	shalt  }
0x61: {  	_ =	shalt  }
0x62: {  	_ =	shalt  }
0x63: {  	_ =	shalt  }
0x64: {  	_ =	shalt  }
0x65: {  	_ =	shalt  }
0x66: {  	_ =	shalt  }
0x67: {  	_ =	shalt  }
0x68: {  	_ =	shalt  }
0x69: {  	_ =	shalt  }
0x6a: {  	_ =	shalt  }
0x6b: {  	_ =	shalt  }
0x6c: {  	_ =	shalt  }
0x6d: {  	_ =	shalt  }
0x6e: {  	_ =	shalt  }
0x6f: {  	_ =	shalt  }
0x70: {  	_ =	shalt  }
0x71: {  	_ =	shalt  }
0x72: {  	_ =	shalt  }
0x73: {  	_ =	shalt  }
0x74: {  	_ =	shalt  }
0x75: {  	_ =	shalt  }
0x76: {  	_ =	shalt  }
0x77: {  	_ =	shalt  }
0x78: {  	_ =	shalt  }
0x79: {  	_ =	shalt  }
0x7a: {  	_ =	shalt  }
0x7b: {  	_ =	shalt  }
0x7c: {  	_ =	shalt  }
0x7d: {  	_ =	shalt  }
0x7e: {  	_ =	shalt  }
0x7f: {  	_ =	shalt  }
0x80: {  	_ =	shalt  }
0x81: {  	_ =	shalt  }
0x82: {  	_ =	shalt  }
0x83: {  	_ =	shalt  }
0x84: {  	_ =	shalt  }
0x85: {  	_ =	shalt  }
0x86: {  	_ =	shalt  }
0x87: {  	_ =	shalt  }
.Lfunc_end0:
.L_simem_size_0:
called_computation_lowered:
.L_overlay_start_0:
0x88: {  	s2 =	sld [smem:$0x3FD9]  }
0x89: {  	s3 =	sld [smem:$0x3FFE];
	_ =	sdelay $0x1  }
0x8a: {  	s1 =	srdreg.scid  }
0x8b: {  	s0 =	sand.u32 $0x1, s1  }
0x8c: {  	s17 =	sshll.u32 s0, $0xA;
	s2 =	sadd.s32 s3, s2  }
0x8d: {  	s2 =	sadd.s32 s2, s17  }
0x8e: {  	[smem:$0x3FC5] =	sst s2  }
0x8f: {  	_ = 	snop  }
0x90: {  	s2 =	sld [smem:$0x3FC8]  }
0x91: {  	s18 =	sld [smem:$0x3FC7]  }
0x92: {  	s4 =	sld [smem:$0x3FD0];
	(tm) =	ssettm $0x1  }
0x93: {  	s5 =	sld [smem:$0x3FFB];
	_ =	sdelay $0x3  }
0x94: {  	_ =	strace s5  }
0x95: {  	s5 =	sld [smem:$0x3FFC];
	_ =	sdelay $0x3  }
0x96: {  	_ =	strace s5  }
0x97: {  	s5 =	sld [smem:$0x3FFD];
	_ =	sdelay $0x3  }
0x98: {  	_ =	strace s5  }
0x99: {  	_ =	strace $0x8FFFFFFF  }
0x9a: {  	s19 =	sld [smem:$0x3FDB];
	_ =	sdelay $0x1  }
0x9b: {  	s6 =	simm.s32 $_scs_section_size  }
0x9c: {  	s7 =	simm.s32 $_size__tile_overlayer_lowered;
	s8 =	simm.s32 $_tile_overlayer_lowered  }
0x9d: {  	s22 =	simm.s32 $0x1BFF;
	s21 =	sshll.u32 s8, $0x1;
	s5 =	sadd.s32 s6, s19  }
0x9e: {  	s9 =	simm.s32 $0x0;
	s20 =	sshll.u32 s7, $0x1;
	s7 =	sadd.s32 s21, s5  }
0x9f: {  	[timem:s9], [sflag:s22] =	dma.local [hbm:s7], s20  }
0xa0: {  	_ =	swait.ge [sflag:s22], s20  }
0xa1: {  	s6 =	ssub.s32 $0x0, s20;
	[sflag:s22] =	ssyncset.done $0x0  }
0xa2: {  	[sflag:s22] =	ssyncadd.s32 s6;
	_ =	sdelay $0x1  }
0xa3: {  	s23 =	simm.s32 $0x1B8B  }
0xa4: {  	_ =	swait.ge [sflag:s23], $0x1  }
0xa5: {  	[sflag:s23] =	ssyncset.done $0x0  }
0xa6: {  	s25 =	simm.s32 $0x1B8E;
	s24 =	sld [smem:$0x3FFE];
	[sflag:s23] =	ssyncadd.s32 $0xFFFFFFFF  }
0xa7: {  	s26 =	simm.s32 $execute0_lowered;
	[smem:$0x3FD2] =	sst s25  }
0xa8: {  	s7 =	sshll.u32 s26, $0x1;
	_ =	strace $0x80000046;
	[dreg:$0x1] =	wrdreg $0xFFFFFFFF  }
0xa9: {  	s28 =	simm.s32 $_size_execute0_lowered;
	s5 =	sadd.s32 s5, s7;
	[dreg:$0x0] =	wrdreg $0x0  }
0xaa: {  	s7 =	sshll.u32 s28, $0x1;
	[dreg:$0x2] =	wrdreg s5  }
0xab: {  	[dreg:$0x3] =	wrdreg s7  }
0xac: {  	[dreg:$0x4] =	wrdreg $0xC0  }
0xad: {  	_ =	task [dreg:s9], $0x5FFFF  }
0xae: {  	[dreg:$0x1] =	wrdreg $0xFFFFFFFF  }
0xaf: {  	[dreg:$0x0] =	wrdreg $0x60  }
0xb0: {  	[dreg:$0x2] =	wrdreg s24  }
0xb1: {  	[dreg:$0x3] =	wrdreg s2  }
0xb2: {  	[dreg:$0x4] =	wrdreg s18  }
0xb3: {  	[dreg:$0x5] =	wrdreg s4  }
0xb4: {  	[dreg:$0x6] =	wrdreg $0x9  }
0xb5: {  	_ =	task.clear_ibuf [dreg:s9], $0x7FFFF;
	_ =	strace $0x90000046  }
0xb6: {  	s29 =	simm.s32 $0x9;
	_ =	strace $0x80000048  }
0xb7: {  	_ =	swait.ge [sflag:s29], $0x1  }
0xb8: {  	[sflag:s29] =	ssyncadd.s32 $0xFFFFFFFF  }
0xb9: {  	_ =	strace $0x90000048  }
0xba: {  	_ =	sfence  }
0xbb: {  	s30 =	sld [smem:$0x0];
	_ =	sdelay $0x2  }
0xbc: {  	s31 =	sshll.u32 s1, $0xD;
	s1 =	sshrl.u32 s1, $0x2  }
0xbd: {  	s3 =	sand.u32 $0x4000, s31;
	s1 =	sadd.s32 s1, s30  }
0xbe: {  	s0 =	sor.u32 s3, s0;
	s1 =	sshll.u32 s1, $0x11  }
0xbf: {  	s0 =	sor.u32 s1, s0  }
0xc0: {  	s0 =	sadd.s32 $0x8F2B, s0  }
0xc1: {  	[sflag:s0] =	ssyncadd.remote.s32 $0x1  }
0xc2: {  	_ =	sfence.sel $0xFFFF  }
0xc3: {  	[dreg:$0x0] =	wrdreg $0xFFFFFFFF;
	(pc) =	sbr.abs _section_cstart, $3  }
0xc4: {  	[dreg:$0x1] =	wrdreg $0xFFFFFFFF  }
0xc5: {  	_ =	task.clear_ibuf [dreg:s9], $0x2FFFF;
	_ =	strace $0x9FFFFFFF  }
0xc6: {  	(tm) =	ssettm $0x7FFFFFFF  }
0xc7: {  	_ =	shalt  }
tec
execute0_lowered:
.L_overlay_start_1:
0x0: {  	(tag) =	ssettag $0x1  }
0x1: {  	s0 =	rddreg [dreg:$0x0]  }
0x2: {  	s1 =	rddreg [dreg:$0x1]  }
0x3: {  	s2 =	rddreg [dreg:$0x2]  }
0x4: {  	s4 =	rddreg [dreg:$0x3]  }
0x5: {  	s3 =	srdreg.scid;
	s8 =	simm.s32 $0x0;
	s5 =	stileid.u32  }
0x6: {  	s10 =	simm.s32 $0x3;
	s11 =	simm.s32 $0x4000;
	s12 =	simm.s32 $0x80  }
0x7: {  	s16 =	simm.s32 $0x4100;
	s17 =	simm.s32 $0x8400;
	s18 =	simm.s32 $0x4180  }
0x8: {  	s19 =	simm.s32 $0xA400;
	s20 =	simm.s32 $0x4200;
	s21 =	simm.s32 $0xC400  }
0x9: {  	s22 =	simm.s32 $0x4280;
	s28 =	simm.s32 $0x12400;
	s29 =	simm.s32 $0x1  }
0xa: {  	s30 =	simm.s32 $0x14400;
	s31 =	simm.s32 $0x2;
	s3 =	sand.u32 $0x1, s3  }
0xb: {  	[smem:$0x7FF] =	sst s8;
	s5 =	sshll.u32 s5, $0xE;
	s6 =	sshll.u32 s3, $0xD  }
0xc: {  	_ =	strace $0x80000047;
	s7 =	ssub.s32 $0x2, s3;
	s5 =	sor.u32 s6, s5  }
0xd: {  	s23 =	sshrl.u32 s7, $0x1;
	s6 =	sshll.u32 s5, $0x4;
	s5 =	sshrl.u32 s5, $0x3  }
0xe: {  	s3 =	sadd.s32 $0x400, s0;
	s0 =	ssub.s32 s7, s23;
	s1 =	sadd.s32 s1, s5  }
0xf: {  	v0 =	vlaneseq.u32;
	s23 =	simm.s32 $0xE400;
	s24 =	sadd.s32 s2, s5;
	[dreg:$0x5] =	wrdreg s1  }
0x10: {  	v1 =	vand.u32 $0x3, v0;
	s4 =	sadd.s32 s4, s6;
	s0 =	smax.u32 s0, $0x1;
	[dreg:$0x6] =	wrdreg s24  }
0x11: {  	v0 =	vmul.u32 $0x2, v0;
	v1 =	vmul.u32 $0x2, v1;
	s25 =	sadd.s32 $0x1E000, s4;
	s26 =	sadd.s32 $0x1F000, s4;
	[dreg:$0x9] =	wrdreg s0  }
0x12: {  	s24 =	simm.s32 $0x4300;
	s1 =	simm.s32 $0x0;
	[dreg:$0x7] =	wrdreg s25  }
0x13: {  	v2 =	vor.u32 $0x1, v0;
	v1 =	vor.u32 $0xFFFFFFF8, v1;
	[dreg:$0x8] =	wrdreg s26;
	s25 =	simm.s32 $0x10400;
	s26 =	simm.s32 $0x4380  }
.LBB2_1:
0x14: {  	[dreg:$0xa] =	wrdreg s1  }
0x15: {  	s0 =	rddreg [dreg:$0x5]  }
0x16: {  	[tilespmem:s8], [sflag:$0x3] =	stream.linear.gather [hbm4b:s0+s8], $0x2000, $0x38;
	[tilespmem:$0x1C400] =	vst v63  }
0x17: {  	_ =	swait.ge [sflag:s10], $0x2000  }
0x18: {  	[sflag:s10] =	ssyncset.done $0x0  }
0x19: {  	s0 =	simm.s32 $0x2000;
	s15 =	rddreg [dreg:$0x6];
	[sflag:s10] =	ssyncadd.s32 $0xFFFFE000  }
0x1a: {  	[tilespmem:s0], [sflag:$0x3] =	stream.linear.gather [hbm4b:s15+s8], $0x2000, $0x38;
	[tilespmem:$0x1C400] =	vst v63  }
0x1b: {  	_ =	swait.ge [sflag:s10], $0x2000  }
0x1c: {  	[sflag:s10] =	ssyncset.done $0x0  }
0x1d: {  	[sflag:s10] =	ssyncadd.s32 $0xFFFFE000  }
0x1e: {  	v5 =	vor.u32 s8, v0;
	v3 =	vld [tilespmem:s8+$0x0]  }
0x1f: {  	s1 =	simm.s32 $0x20;
	s2 =	simm.s32 $0x0;
	s5 =	simm.s32 $0x0;
	v5 =	vand.u32 v1, v5;
	v4 =	vld [tilespmem:s0+$0x0]  }
.LBB2_2:
0x20: {  	p0 =	sne.s32 s1, $0x1E0;
	v6 =	vor.u32 s2, v2;
	s2 =	smov.u32 s1;
	_ =	sdelay $0x2  }
.Ltmp0:
0x21: {  	(pc) =	sbr.rel @p0 .LBB2_2-.Ltmp0, $4  }
0x22: {  	v4 =	vadd.s32 $0x2EE0, v4;
	[tilespmem:v5+s11+$0x0] =	vst.idx.msk $0xffff, v3  }
0x23: {  	s5 =	sadd.s32 $0x10, s5;
	[tilespmem:v6+s11+$0x0] =	vst.idx.msk $0xffff, v4  }
0x24: {  	s0 =	sadd.s32 $0x10, s0;
	v5 =	vor.u32 s1, v0;
	v3 =	vld [tilespmem:s5+$0x0]  }
0x25: {  	s1 =	sadd.s32 $0x20, s1;
	v5 =	vand.u32 v1, v5;
	v4 =	vld [tilespmem:s0+$0x0]  }
0x26: {  	v6 =	vor.u32 s2, v2;
	_ =	sdelay $0x3  }
0x27: {  	[tilespmem:v5+s11+$0x0] =	vst.idx.msk $0xffff, v3;
	v4 =	vadd.s32 $0x2EE0, v4  }
0x28: {  	s0 =	simm.s32 $0x4400;
	[tilespmem:v6+s11+$0x0] =	vst.idx.msk $0xffff, v4  }
0x29: {  	[tilespmem:s0], [sflag:$0x1] =	stream.indirect.gather [hbm4b:s3+s12], $0x40, s11, s12, $0xb8;
	[tilespmem:$0x1C400] =	vst v63  }
0x2a: {  	s15 =	simm.s32 $0x4080;
	s1 =	simm.s32 $0x6400  }
0x2b: {  	[tilespmem:s1], [sflag:$0x1] =	stream.indirect.gather [hbm4b:s3+s12], $0x40, s15, s12, $0xb8;
	[tilespmem:$0x1C400] =	vst v63  }
0x2c: {  	s5 =	simm.s32 $0x100;
	s7 =	simm.s32 $0x200;
	s8 =	simm.s32 $0x2200  }
0x2d: {  	[tilespmem:s17], [sflag:$0x1] =	stream.indirect.gather [hbm4b:s3+s12], $0x40, s16, s12, $0xb8;
	[tilespmem:$0x1C400] =	vst v63  }
0x2e: {  	s9 =	simm.s32 $0x0;
	s1 =	simm.s32 $0x0;
	s15 =	simm.s32 $0x2100  }
0x2f: {  	[tilespmem:s19], [sflag:$0x1] =	stream.indirect.gather [hbm4b:s3+s12], $0x40, s18, s12, $0xb8;
	[tilespmem:$0x1C400] =	vst v63  }
.LBB2_4:
0x30: {  	v3 =	vld [tilespmem:s5+$0x0];
	v5 =	vor.u32 s1, v0;
	s2 =	sshllo.u32 s9, $0x1;
	s0 =	simm.s32 $0x20  }
0x31: {  	v4 =	vld [tilespmem:s15+$0x0];
	s13 =	simm.s32 $0x0;
	s14 =	smov.u32 s5;
	s6 =	smov.u32 s15;
	v5 =	vand.u32 v1, v5  }
.LBB2_5:
0x32: {  	p0 =	sne.s32 s0, $0x1E0;
	v6 =	vor.u32 s13, v2;
	s13 =	smov.u32 s0;
	_ =	sdelay $0x2  }
.Ltmp1:
0x33: {  	(pc) =	sbr.rel @p0 .LBB2_5-.Ltmp1, $4  }
0x34: {  	v4 =	vadd.s32 $0x2EE0, v4;
	[tilespmem:v5+s20+$0x0] =	vst.idx.msk $0xffff, v3  }
0x35: {  	s14 =	sadd.s32 $0x10, s14;
	[tilespmem:v6+s20+$0x0] =	vst.idx.msk $0xffff, v4  }
0x36: {  	s6 =	sadd.s32 $0x10, s6;
	v5 =	vor.u32 s0, v0;
	v3 =	vld [tilespmem:s14+$0x0]  }
0x37: {  	s0 =	sadd.s32 $0x20, s0;
	v5 =	vand.u32 v1, v5;
	v4 =	vld [tilespmem:s6+$0x0]  }
0x38: {  	v6 =	vor.u32 s13, v2;
	_ =	sdelay $0x3  }
0x39: {  	[tilespmem:v5+s20+$0x0] =	vst.idx.msk $0xffff, v3;
	v4 =	vadd.s32 $0x2EE0, v4  }
0x3a: {  	[tilespmem:v6+s20+$0x0] =	vst.idx.msk $0xffff, v4  }
0x3b: {  	[tilespmem:s21], [sflag:$0x2] =	stream.indirect.gather [hbm4b:s3+s12], $0x40, s20, s12, $0xb8;
	[tilespmem:$0x1C400] =	vst v63  }
0x3c: {  	_ = 	snop  }
0x3d: {  	[tilespmem:s23], [sflag:$0x2] =	stream.indirect.gather [hbm4b:s3+s12], $0x40, s22, s12, $0xb8;
	[tilespmem:$0x1C400] =	vst v63  }
0x3e: {  	_ = 	snop  }
0x3f: {  	[tilespmem:s25], [sflag:$0x2] =	stream.indirect.gather [hbm4b:s3+s12], $0x40, s24, s12, $0xb8;
	[tilespmem:$0x1C400] =	vst v63  }
0x40: {  	_ = 	snop  }
0x41: {  	[tilespmem:s28], [sflag:$0x2] =	stream.indirect.gather [hbm4b:s3+s12], $0x40, s26, s12, $0xb8;
	[tilespmem:$0x1C400] =	vst v63  }
0x42: {  	_ =	swait.ge [sflag:s29], $0x2000  }
0x43: {  	[sflag:s29] =	ssyncset.done $0x0  }
0x44: {  	[sflag:s29] =	ssyncadd.s32 $0xFFFFE000  }
0x45: {  	_ =	swait.ge [sflag:s29], $0x2000  }
0x46: {  	[sflag:s29] =	ssyncset.done $0x0  }
0x47: {  	[sflag:s29] =	ssyncadd.s32 $0xFFFFE000  }
0x48: {  	_ =	swait.ge [sflag:s29], $0x2000  }
0x49: {  	[sflag:s29] =	ssyncset.done $0x0  }
0x4a: {  	[sflag:s29] =	ssyncadd.s32 $0xFFFFE000  }
0x4b: {  	_ =	swait.ge [sflag:s29], $0x2000  }
0x4c: {  	[sflag:s29] =	ssyncset.done $0x0  }
0x4d: {  	s0 =	simm.s32 $0x0;
	[sflag:s29] =	ssyncadd.s32 $0xFFFFE000  }
0x4e: {  	v3 =	vld [tilespmem:s0+$0x45F0]  }
0x4f: {  	v4 =	vld [tilespmem:s0+$0x4400]  }
0x50: {  	v5 =	vld [tilespmem:s0+$0x4410]  }
0x51: {  	v6 =	vld [tilespmem:s0+$0x4420]  }
0x52: {  	v7 =	vld [tilespmem:s0+$0x4430]  }
0x53: {  	v8 =	vld [tilespmem:s0+$0x4440];
	[tilespmem:s0+$0x145E2] =	vst.msk $0x3, v3  }
0x54: {  	[tilespmem:s0+$0x14400] =	vst v4;
	v3 =	vld [tilespmem:s0+$0x4450]  }
0x55: {  	[tilespmem:s0+$0x14410] =	vst v5;
	v4 =	vld [tilespmem:s0+$0x4460]  }
0x56: {  	[tilespmem:s0+$0x14420] =	vst v6;
	v5 =	vld [tilespmem:s0+$0x4470]  }
0x57: {  	[tilespmem:s0+$0x14430] =	vst.msk $0x3, v7;
	v6 =	vld [tilespmem:s0+$0x4480]  }
0x58: {  	[tilespmem:s0+$0x14432] =	vst v8;
	v7 =	vld [tilespmem:s0+$0x4490]  }
0x59: {  	v8 =	vld [tilespmem:s0+$0x4590];
	[tilespmem:s0+$0x14442] =	vst v3  }
0x5a: {  	v3 =	vld [tilespmem:s0+$0x44A0];
	[tilespmem:s0+$0x14452] =	vst v4  }
0x5b: {  	v4 =	vld [tilespmem:s0+$0x44B0];
	[tilespmem:s0+$0x14462] =	vst.msk $0x3, v5  }
0x5c: {  	v5 =	vld [tilespmem:s0+$0x44C0];
	[tilespmem:s0+$0x14480] =	vst v6  }
0x5d: {  	v6 =	vld [tilespmem:s0+$0x44D0];
	[tilespmem:s0+$0x14490] =	vst v7  }
0x5e: {  	v7 =	vld [tilespmem:s0+$0x44E0];
	[tilespmem:s0+$0x14590] =	vst v8  }
0x5f: {  	[tilespmem:s0+$0x144A0] =	vst v3;
	v3 =	vld [tilespmem:s0+$0x44F0]  }
0x60: {  	[tilespmem:s0+$0x144B0] =	vst.msk $0x3, v4;
	v4 =	vld [tilespmem:s0+$0x4500]  }
0x61: {  	[tilespmem:s0+$0x144B2] =	vst v5;
	v5 =	vld [tilespmem:s0+$0x4510]  }
0x62: {  	[tilespmem:s0+$0x144C2] =	vst v6;
	v6 =	vld [tilespmem:s0+$0x4520]  }
0x63: {  	[tilespmem:s0+$0x144D2] =	vst v7;
	v7 =	vld [tilespmem:s0+$0x4530]  }
0x64: {  	[tilespmem:s0+$0x144E2] =	vst.msk $0x3, v3;
	v3 =	vld [tilespmem:s0+$0x4540]  }
0x65: {  	[tilespmem:s0+$0x14500] =	vst v4;
	v4 =	vld [tilespmem:s0+$0x4550]  }
0x66: {  	[tilespmem:s0+$0x14510] =	vst v5;
	v5 =	vld [tilespmem:s0+$0x4560]  }
0x67: {  	[tilespmem:s0+$0x14520] =	vst v6;
	v6 =	vld [tilespmem:s0+$0x4570]  }
0x68: {  	[tilespmem:s0+$0x14530] =	vst.msk $0x3, v7;
	v7 =	vld [tilespmem:s0+$0x4580]  }
0x69: {  	[tilespmem:s0+$0x14532] =	vst v3;
	v3 =	vld [tilespmem:s0+$0x45A0]  }
0x6a: {  	[tilespmem:s0+$0x14542] =	vst v4;
	v4 =	vld [tilespmem:s0+$0x45B0]  }
0x6b: {  	[tilespmem:s0+$0x14552] =	vst v5;
	v5 =	vld [tilespmem:s0+$0x45C0]  }
0x6c: {  	[tilespmem:s0+$0x14562] =	vst.msk $0x3, v6;
	v6 =	vld [tilespmem:s0+$0x45D0]  }
0x6d: {  	s14 =	simm.s32 $0x200;
	s13 =	simm.s32 $0x1000;
	[tilespmem:s0+$0x14580] =	vst v7;
	v7 =	vld [tilespmem:s0+$0x45E0]  }
.LBB2_7:
0x6e: {  	p0 =	sne.s32 s13, $0x1F800;
	v8 =	vld [tilespmem:s14+$0x45F0];
	[tilespmem:s0+$0x145A0] =	vst v3  }
0x6f: {  	v3 =	vld [tilespmem:s14+$0x4400];
	[tilespmem:s0+$0x145B0] =	vst.msk $0x3, v4  }
0x70: {  	v4 =	vld [tilespmem:s14+$0x4410];
	[tilespmem:s0+$0x145B2] =	vst v5  }
0x71: {  	v5 =	vld [tilespmem:s14+$0x4420];
	[tilespmem:s0+$0x145C2] =	vst v6  }
0x72: {  	v6 =	vld [tilespmem:s14+$0x4430];
	[tilespmem:s0+$0x145D2] =	vst v7;
	s0 =	smov.u32 s14  }
0x73: {  	v7 =	vld [tilespmem:s0+$0x4440];
	[tilespmem:s0+$0x145E2] =	vst.msk $0x3, v8  }
0x74: {  	[tilespmem:s0+$0x14400] =	vst v3;
	v3 =	vld [tilespmem:s0+$0x4450]  }
0x75: {  	[tilespmem:s0+$0x14410] =	vst v4;
	v4 =	vld [tilespmem:s0+$0x4460]  }
0x76: {  	[tilespmem:s0+$0x14420] =	vst v5;
	v5 =	vld [tilespmem:s0+$0x4470]  }
0x77: {  	[tilespmem:s0+$0x14430] =	vst.msk $0x3, v6;
	v6 =	vld [tilespmem:s0+$0x4480]  }
0x78: {  	[tilespmem:s0+$0x14432] =	vst v7;
	v7 =	vld [tilespmem:s0+$0x4490]  }
0x79: {  	[tilespmem:s0+$0x14442] =	vst v3;
	v3 =	vld [tilespmem:s0+$0x44A0]  }
0x7a: {  	[tilespmem:s0+$0x14452] =	vst v4;
	v4 =	vld [tilespmem:s0+$0x44B0]  }
0x7b: {  	[tilespmem:s0+$0x14462] =	vst.msk $0x3, v5;
	v5 =	vld [tilespmem:s0+$0x44C0]  }
0x7c: {  	[tilespmem:s0+$0x14480] =	vst v6;
	v6 =	vld [tilespmem:s0+$0x44D0]  }
0x7d: {  	[tilespmem:s0+$0x14490] =	vst v7;
	v7 =	vld [tilespmem:s0+$0x44E0]  }
0x7e: {  	[tilespmem:s0+$0x144A0] =	vst v3;
	v3 =	vld [tilespmem:s0+$0x44F0]  }
0x7f: {  	[tilespmem:s0+$0x144B0] =	vst.msk $0x3, v4;
	v4 =	vld [tilespmem:s0+$0x4500]  }
0x80: {  	[tilespmem:s0+$0x144B2] =	vst v5;
	v5 =	vld [tilespmem:s0+$0x4510]  }
0x81: {  	[tilespmem:s0+$0x144C2] =	vst v6;
	v6 =	vld [tilespmem:s0+$0x4520]  }
0x82: {  	[tilespmem:s0+$0x144D2] =	vst v7;
	v7 =	vld [tilespmem:s0+$0x4530]  }
0x83: {  	[tilespmem:s0+$0x144E2] =	vst.msk $0x3, v3;
	v3 =	vld [tilespmem:s0+$0x4540]  }
0x84: {  	[tilespmem:s0+$0x14500] =	vst v4;
	v4 =	vld [tilespmem:s0+$0x4550]  }
0x85: {  	[tilespmem:s0+$0x14510] =	vst v5;
	v5 =	vld [tilespmem:s0+$0x4560]  }
0x86: {  	[tilespmem:s0+$0x14520] =	vst v6;
	v6 =	vld [tilespmem:s0+$0x4570]  }
0x87: {  	[tilespmem:s0+$0x14530] =	vst.msk $0x3, v7;
	v7 =	vld [tilespmem:s0+$0x4580]  }
0x88: {  	[tilespmem:s0+$0x14532] =	vst v3;
	v8 =	vld [tilespmem:s0+$0x4590]  }
.Ltmp2:
0x89: {  	[tilespmem:s0+$0x14542] =	vst v4;
	v3 =	vld [tilespmem:s0+$0x45A0];
	(pc) =	sbr.rel @p0 .LBB2_7-.Ltmp2, $4  }
0x8a: {  	[tilespmem:s0+$0x14552] =	vst v5;
	v4 =	vld [tilespmem:s0+$0x45B0]  }
0x8b: {  	[tilespmem:s0+$0x14562] =	vst.msk $0x3, v6;
	v5 =	vld [tilespmem:s0+$0x45C0]  }
0x8c: {  	[tilespmem:s0+$0x14580] =	vst v7;
	v6 =	vld [tilespmem:s0+$0x45D0]  }
0x8d: {  	s14 =	sshra.s32 s13, $0x2;
	s13 =	sadd.s32 $0x800, s13;
	[tilespmem:s0+$0x14590] =	vst v8;
	v7 =	vld [tilespmem:s0+$0x45E0]  }
0x8e: {  	v8 =	vld [tilespmem:s14+$0x45F0];
	[tilespmem:s0+$0x145A0] =	vst v3  }
0x8f: {  	v3 =	vld [tilespmem:s14+$0x4400];
	[tilespmem:s0+$0x145B0] =	vst.msk $0x3, v4  }
0x90: {  	v4 =	vld [tilespmem:s14+$0x4410];
	[tilespmem:s0+$0x145B2] =	vst v5  }
0x91: {  	v5 =	vld [tilespmem:s14+$0x4420];
	[tilespmem:s0+$0x145C2] =	vst v6  }
0x92: {  	v6 =	vld [tilespmem:s14+$0x4430];
	[tilespmem:s0+$0x145D2] =	vst v7  }
0x93: {  	v7 =	vld [tilespmem:s14+$0x4440];
	[tilespmem:s14+$0x145E2] =	vst.msk $0x3, v8  }
0x94: {  	[tilespmem:s14+$0x14400] =	vst v3;
	v3 =	vld [tilespmem:s14+$0x4450]  }
0x95: {  	[tilespmem:s14+$0x14410] =	vst v4;
	v4 =	vld [tilespmem:s14+$0x4460]  }
0x96: {  	[tilespmem:s14+$0x14420] =	vst v5;
	v5 =	vld [tilespmem:s14+$0x4470]  }
0x97: {  	[tilespmem:s14+$0x14430] =	vst.msk $0x3, v6;
	v6 =	vld [tilespmem:s14+$0x4480]  }
0x98: {  	[tilespmem:s14+$0x14432] =	vst v7;
	v7 =	vld [tilespmem:s14+$0x4490]  }
0x99: {  	[tilespmem:s14+$0x14442] =	vst v3;
	v3 =	vld [tilespmem:s14+$0x44A0]  }
0x9a: {  	[tilespmem:s14+$0x14452] =	vst v4;
	v4 =	vld [tilespmem:s14+$0x44B0]  }
0x9b: {  	[tilespmem:s14+$0x14462] =	vst.msk $0x3, v5;
	v5 =	vld [tilespmem:s14+$0x44C0]  }
0x9c: {  	[tilespmem:s14+$0x14480] =	vst v6;
	v6 =	vld [tilespmem:s14+$0x44D0]  }
0x9d: {  	[tilespmem:s14+$0x14490] =	vst v7;
	v7 =	vld [tilespmem:s14+$0x44E0]  }
0x9e: {  	[tilespmem:s14+$0x144A0] =	vst v3;
	v3 =	vld [tilespmem:s14+$0x44F0]  }
0x9f: {  	[tilespmem:s14+$0x144B0] =	vst.msk $0x3, v4;
	v4 =	vld [tilespmem:s14+$0x4500]  }
0xa0: {  	[tilespmem:s14+$0x144B2] =	vst v5;
	v5 =	vld [tilespmem:s14+$0x4510]  }
0xa1: {  	[tilespmem:s14+$0x144C2] =	vst v6;
	v6 =	vld [tilespmem:s14+$0x4520]  }
0xa2: {  	[tilespmem:s14+$0x144D2] =	vst v7;
	v7 =	vld [tilespmem:s14+$0x4530]  }
0xa3: {  	[tilespmem:s14+$0x144E2] =	vst.msk $0x3, v3;
	v3 =	vld [tilespmem:s14+$0x4540]  }
0xa4: {  	[tilespmem:s14+$0x14500] =	vst v4;
	v4 =	vld [tilespmem:s14+$0x4550]  }
0xa5: {  	[tilespmem:s14+$0x14510] =	vst v5;
	v5 =	vld [tilespmem:s14+$0x4560]  }
0xa6: {  	[tilespmem:s14+$0x14520] =	vst v6;
	v6 =	vld [tilespmem:s14+$0x4570]  }
0xa7: {  	[tilespmem:s14+$0x14530] =	vst.msk $0x3, v7;
	v7 =	vld [tilespmem:s14+$0x4580]  }
0xa8: {  	[tilespmem:s14+$0x14532] =	vst v3;
	v3 =	vld [tilespmem:s14+$0x4590]  }
0xa9: {  	[tilespmem:s14+$0x14542] =	vst v4;
	v4 =	vld [tilespmem:s14+$0x45A0]  }
0xaa: {  	[tilespmem:s14+$0x14552] =	vst v5;
	v5 =	vld [tilespmem:s14+$0x45B0]  }
0xab: {  	[tilespmem:s14+$0x14562] =	vst.msk $0x3, v6;
	v6 =	vld [tilespmem:s14+$0x45C0]  }
0xac: {  	[tilespmem:s14+$0x14580] =	vst v7;
	v7 =	vld [tilespmem:s14+$0x45D0]  }
0xad: {  	[tilespmem:s14+$0x14590] =	vst v3;
	v3 =	vld [tilespmem:s14+$0x45E0]  }
0xae: {  	[tilespmem:s14+$0x145A0] =	vst v4  }
0xaf: {  	[tilespmem:s14+$0x145B0] =	vst.msk $0x3, v5  }
0xb0: {  	[tilespmem:s14+$0x145B2] =	vst v6  }
0xb1: {  	s13 =	sshll.u32 s9, $0xD;
	[tilespmem:s14+$0x145C2] =	vst v7  }
0xb2: {  	s6 =	sadd.s32 s13, s4;
	s0 =	simm.s32 $0x0;
	[tilespmem:s14+$0x145D2] =	vst v3  }
0xb3: {  	[hbm4b:s6+s0] =	stream.linear.scatter [tilespmem:s30], [sflag:$0x3], $0x8000, $0x38;
	[tilespmem:$0x1C400] =	vst v63  }
0xb4: {  	_ =	swait.ge [sflag:s10], $0x8000  }
0xb5: {  	[sflag:s10] =	ssyncset.done $0x0  }
0xb6: {  	[sflag:s10] =	ssyncadd.s32 $0xFFFF8000  }
0xb7: {  	v5 =	vor.u32 s0, v0;
	v3 =	vld [tilespmem:s7+$0x0]  }
0xb8: {  	s13 =	simm.s32 $0x20;
	v5 =	vand.u32 v1, v5;
	s14 =	smov.u32 s7;
	s6 =	smov.u32 s8;
	v4 =	vld [tilespmem:s8+$0x0]  }
.LBB2_9:
0xb9: {  	p0 =	sne.s32 s13, $0x1E0;
	v6 =	vor.u32 s0, v2;
	s0 =	smov.u32 s13;
	_ =	sdelay $0x2  }
.Ltmp3:
0xba: {  	(pc) =	sbr.rel @p0 .LBB2_9-.Ltmp3, $4  }
0xbb: {  	v4 =	vadd.s32 $0x2EE0, v4;
	[tilespmem:v5+s11+$0x0] =	vst.idx.msk $0xffff, v3  }
0xbc: {  	s14 =	sadd.s32 $0x10, s14;
	[tilespmem:v6+s11+$0x0] =	vst.idx.msk $0xffff, v4  }
0xbd: {  	s6 =	sadd.s32 $0x10, s6;
	v5 =	vor.u32 s13, v0;
	v3 =	vld [tilespmem:s14+$0x0]  }
0xbe: {  	s13 =	sadd.s32 $0x20, s13;
	v5 =	vand.u32 v1, v5;
	v4 =	vld [tilespmem:s6+$0x0]  }
0xbf: {  	v6 =	vor.u32 s0, v2;
	_ =	sdelay $0x3  }
0xc0: {  	[tilespmem:v5+s11+$0x0] =	vst.idx.msk $0xffff, v3;
	v4 =	vadd.s32 $0x2EE0, v4  }
0xc1: {  	s13 =	simm.s32 $0x4400;
	[tilespmem:v6+s11+$0x0] =	vst.idx.msk $0xffff, v4  }
0xc2: {  	[tilespmem:s13], [sflag:$0x1] =	stream.indirect.gather [hbm4b:s3+s12], $0x40, s11, s12, $0xb8;
	[tilespmem:$0x1C400] =	vst v63  }
0xc3: {  	s14 =	simm.s32 $0x4080;
	s6 =	simm.s32 $0x6400  }
0xc4: {  	[tilespmem:s6], [sflag:$0x1] =	stream.indirect.gather [hbm4b:s3+s12], $0x40, s14, s12, $0xb8;
	[tilespmem:$0x1C400] =	vst v63  }
0xc5: {  	_ = 	snop  }
0xc6: {  	[tilespmem:s17], [sflag:$0x1] =	stream.indirect.gather [hbm4b:s3+s12], $0x40, s16, s12, $0xb8;
	[tilespmem:$0x1C400] =	vst v63  }
0xc7: {  	_ = 	snop  }
0xc8: {  	[tilespmem:s19], [sflag:$0x1] =	stream.indirect.gather [hbm4b:s3+s12], $0x40, s18, s12, $0xb8;
	[tilespmem:$0x1C400] =	vst v63  }
0xc9: {  	_ =	swait.ge [sflag:s31], $0x2000  }
0xca: {  	[sflag:s31] =	ssyncset.done $0x0  }
0xcb: {  	[sflag:s31] =	ssyncadd.s32 $0xFFFFE000  }
0xcc: {  	_ =	swait.ge [sflag:s31], $0x2000  }
0xcd: {  	[sflag:s31] =	ssyncset.done $0x0  }
0xce: {  	[sflag:s31] =	ssyncadd.s32 $0xFFFFE000  }
0xcf: {  	_ =	swait.ge [sflag:s31], $0x2000  }
0xd0: {  	[sflag:s31] =	ssyncset.done $0x0  }
0xd1: {  	[sflag:s31] =	ssyncadd.s32 $0xFFFFE000  }
0xd2: {  	_ =	swait.ge [sflag:s31], $0x2000  }
0xd3: {  	[sflag:s31] =	ssyncset.done $0x0  }
0xd4: {  	s0 =	simm.s32 $0x0;
	[sflag:s31] =	ssyncadd.s32 $0xFFFFE000  }
0xd5: {  	v3 =	vld [tilespmem:s0+$0xC5F0]  }
0xd6: {  	v4 =	vld [tilespmem:s0+$0xC400]  }
0xd7: {  	v5 =	vld [tilespmem:s0+$0xC410]  }
0xd8: {  	v6 =	vld [tilespmem:s0+$0xC420]  }
0xd9: {  	v7 =	vld [tilespmem:s0+$0xC430]  }
0xda: {  	v8 =	vld [tilespmem:s0+$0xC440];
	[tilespmem:s0+$0x145E2] =	vst.msk $0x3, v3  }
0xdb: {  	[tilespmem:s0+$0x14400] =	vst v4;
	v3 =	vld [tilespmem:s0+$0xC450]  }
0xdc: {  	[tilespmem:s0+$0x14410] =	vst v5;
	v4 =	vld [tilespmem:s0+$0xC460]  }
0xdd: {  	[tilespmem:s0+$0x14420] =	vst v6;
	v5 =	vld [tilespmem:s0+$0xC470]  }
0xde: {  	[tilespmem:s0+$0x14430] =	vst.msk $0x3, v7;
	v6 =	vld [tilespmem:s0+$0xC480]  }
0xdf: {  	[tilespmem:s0+$0x14432] =	vst v8;
	v7 =	vld [tilespmem:s0+$0xC490]  }
0xe0: {  	v8 =	vld [tilespmem:s0+$0xC590];
	[tilespmem:s0+$0x14442] =	vst v3  }
0xe1: {  	v3 =	vld [tilespmem:s0+$0xC4A0];
	[tilespmem:s0+$0x14452] =	vst v4  }
0xe2: {  	v4 =	vld [tilespmem:s0+$0xC4B0];
	[tilespmem:s0+$0x14462] =	vst.msk $0x3, v5  }
0xe3: {  	v5 =	vld [tilespmem:s0+$0xC4C0];
	[tilespmem:s0+$0x14480] =	vst v6  }
0xe4: {  	v6 =	vld [tilespmem:s0+$0xC4D0];
	[tilespmem:s0+$0x14490] =	vst v7  }
0xe5: {  	v7 =	vld [tilespmem:s0+$0xC4E0];
	[tilespmem:s0+$0x14590] =	vst v8  }
0xe6: {  	[tilespmem:s0+$0x144A0] =	vst v3;
	v3 =	vld [tilespmem:s0+$0xC4F0]  }
0xe7: {  	[tilespmem:s0+$0x144B0] =	vst.msk $0x3, v4;
	v4 =	vld [tilespmem:s0+$0xC500]  }
0xe8: {  	[tilespmem:s0+$0x144B2] =	vst v5;
	v5 =	vld [tilespmem:s0+$0xC510]  }
0xe9: {  	[tilespmem:s0+$0x144C2] =	vst v6;
	v6 =	vld [tilespmem:s0+$0xC520]  }
0xea: {  	[tilespmem:s0+$0x144D2] =	vst v7;
	v7 =	vld [tilespmem:s0+$0xC530]  }
0xeb: {  	[tilespmem:s0+$0x144E2] =	vst.msk $0x3, v3;
	v3 =	vld [tilespmem:s0+$0xC540]  }
0xec: {  	[tilespmem:s0+$0x14500] =	vst v4;
	v4 =	vld [tilespmem:s0+$0xC550]  }
0xed: {  	[tilespmem:s0+$0x14510] =	vst v5;
	v5 =	vld [tilespmem:s0+$0xC560]  }
0xee: {  	[tilespmem:s0+$0x14520] =	vst v6;
	v6 =	vld [tilespmem:s0+$0xC570]  }
0xef: {  	[tilespmem:s0+$0x14530] =	vst.msk $0x3, v7;
	v7 =	vld [tilespmem:s0+$0xC580]  }
0xf0: {  	[tilespmem:s0+$0x14532] =	vst v3;
	v3 =	vld [tilespmem:s0+$0xC5A0]  }
0xf1: {  	[tilespmem:s0+$0x14542] =	vst v4;
	v4 =	vld [tilespmem:s0+$0xC5B0]  }
0xf2: {  	[tilespmem:s0+$0x14552] =	vst v5;
	v5 =	vld [tilespmem:s0+$0xC5C0]  }
0xf3: {  	[tilespmem:s0+$0x14562] =	vst.msk $0x3, v6;
	v6 =	vld [tilespmem:s0+$0xC5D0]  }
0xf4: {  	s13 =	simm.s32 $0x1000;
	s14 =	simm.s32 $0x200;
	[tilespmem:s0+$0x14580] =	vst v7;
	v7 =	vld [tilespmem:s0+$0xC5E0]  }
.LBB2_11:
0xf5: {  	p0 =	sne.s32 s13, $0x1F800;
	v8 =	vld [tilespmem:s14+$0xC5F0];
	[tilespmem:s0+$0x145A0] =	vst v3  }
0xf6: {  	v3 =	vld [tilespmem:s14+$0xC400];
	[tilespmem:s0+$0x145B0] =	vst.msk $0x3, v4  }
0xf7: {  	v4 =	vld [tilespmem:s14+$0xC410];
	[tilespmem:s0+$0x145B2] =	vst v5  }
0xf8: {  	v5 =	vld [tilespmem:s14+$0xC420];
	[tilespmem:s0+$0x145C2] =	vst v6  }
0xf9: {  	v6 =	vld [tilespmem:s14+$0xC430];
	[tilespmem:s0+$0x145D2] =	vst v7;
	s0 =	smov.u32 s14  }
0xfa: {  	v7 =	vld [tilespmem:s0+$0xC440];
	[tilespmem:s0+$0x145E2] =	vst.msk $0x3, v8  }
0xfb: {  	[tilespmem:s0+$0x14400] =	vst v3;
	v3 =	vld [tilespmem:s0+$0xC450]  }
0xfc: {  	[tilespmem:s0+$0x14410] =	vst v4;
	v4 =	vld [tilespmem:s0+$0xC460]  }
0xfd: {  	[tilespmem:s0+$0x14420] =	vst v5;
	v5 =	vld [tilespmem:s0+$0xC470]  }
0xfe: {  	[tilespmem:s0+$0x14430] =	vst.msk $0x3, v6;
	v6 =	vld [tilespmem:s0+$0xC480]  }
0xff: {  	[tilespmem:s0+$0x14432] =	vst v7;
	v7 =	vld [tilespmem:s0+$0xC490]  }
0x100: {  	[tilespmem:s0+$0x14442] =	vst v3;
	v3 =	vld [tilespmem:s0+$0xC4A0]  }
0x101: {  	[tilespmem:s0+$0x14452] =	vst v4;
	v4 =	vld [tilespmem:s0+$0xC4B0]  }
0x102: {  	[tilespmem:s0+$0x14462] =	vst.msk $0x3, v5;
	v5 =	vld [tilespmem:s0+$0xC4C0]  }
0x103: {  	[tilespmem:s0+$0x14480] =	vst v6;
	v6 =	vld [tilespmem:s0+$0xC4D0]  }
0x104: {  	[tilespmem:s0+$0x14490] =	vst v7;
	v7 =	vld [tilespmem:s0+$0xC4E0]  }
0x105: {  	[tilespmem:s0+$0x144A0] =	vst v3;
	v3 =	vld [tilespmem:s0+$0xC4F0]  }
0x106: {  	[tilespmem:s0+$0x144B0] =	vst.msk $0x3, v4;
	v4 =	vld [tilespmem:s0+$0xC500]  }
0x107: {  	[tilespmem:s0+$0x144B2] =	vst v5;
	v5 =	vld [tilespmem:s0+$0xC510]  }
0x108: {  	[tilespmem:s0+$0x144C2] =	vst v6;
	v6 =	vld [tilespmem:s0+$0xC520]  }
0x109: {  	[tilespmem:s0+$0x144D2] =	vst v7;
	v7 =	vld [tilespmem:s0+$0xC530]  }
0x10a: {  	[tilespmem:s0+$0x144E2] =	vst.msk $0x3, v3;
	v3 =	vld [tilespmem:s0+$0xC540]  }
0x10b: {  	[tilespmem:s0+$0x14500] =	vst v4;
	v4 =	vld [tilespmem:s0+$0xC550]  }
0x10c: {  	[tilespmem:s0+$0x14510] =	vst v5;
	v5 =	vld [tilespmem:s0+$0xC560]  }
0x10d: {  	[tilespmem:s0+$0x14520] =	vst v6;
	v6 =	vld [tilespmem:s0+$0xC570]  }
0x10e: {  	[tilespmem:s0+$0x14530] =	vst.msk $0x3, v7;
	v7 =	vld [tilespmem:s0+$0xC580]  }
0x10f: {  	[tilespmem:s0+$0x14532] =	vst v3;
	v8 =	vld [tilespmem:s0+$0xC590]  }
.Ltmp4:
0x110: {  	[tilespmem:s0+$0x14542] =	vst v4;
	v3 =	vld [tilespmem:s0+$0xC5A0];
	(pc) =	sbr.rel @p0 .LBB2_11-.Ltmp4, $4  }
0x111: {  	[tilespmem:s0+$0x14552] =	vst v5;
	v4 =	vld [tilespmem:s0+$0xC5B0]  }
0x112: {  	[tilespmem:s0+$0x14562] =	vst.msk $0x3, v6;
	v5 =	vld [tilespmem:s0+$0xC5C0]  }
0x113: {  	[tilespmem:s0+$0x14580] =	vst v7;
	v6 =	vld [tilespmem:s0+$0xC5D0]  }
0x114: {  	s14 =	sshra.s32 s13, $0x2;
	s13 =	sadd.s32 $0x800, s13;
	[tilespmem:s0+$0x14590] =	vst v8;
	v7 =	vld [tilespmem:s0+$0xC5E0]  }
0x115: {  	v8 =	vld [tilespmem:s14+$0xC5F0];
	[tilespmem:s0+$0x145A0] =	vst v3  }
0x116: {  	v3 =	vld [tilespmem:s14+$0xC400];
	[tilespmem:s0+$0x145B0] =	vst.msk $0x3, v4  }
0x117: {  	v4 =	vld [tilespmem:s14+$0xC410];
	[tilespmem:s0+$0x145B2] =	vst v5  }
0x118: {  	v5 =	vld [tilespmem:s14+$0xC420];
	[tilespmem:s0+$0x145C2] =	vst v6  }
0x119: {  	v6 =	vld [tilespmem:s14+$0xC430];
	[tilespmem:s0+$0x145D2] =	vst v7  }
0x11a: {  	v7 =	vld [tilespmem:s14+$0xC440];
	[tilespmem:s14+$0x145E2] =	vst.msk $0x3, v8  }
0x11b: {  	[tilespmem:s14+$0x14400] =	vst v3;
	v3 =	vld [tilespmem:s14+$0xC450]  }
0x11c: {  	v44 =	vld [tilespmem:s14+$0xC460];
	[tilespmem:s14+$0x14410] =	vst v4  }
0x11d: {  	v45 =	vld [tilespmem:s14+$0xC470];
	[tilespmem:s14+$0x14420] =	vst v5  }
0x11e: {  	v46 =	vld [tilespmem:s14+$0xC480];
	[tilespmem:s14+$0x14430] =	vst.msk $0x3, v6  }
0x11f: {  	v47 =	vld [tilespmem:s14+$0xC490];
	[tilespmem:s14+$0x14432] =	vst v7  }
0x120: {  	[tilespmem:s14+$0x14442] =	vst v3;
	v3 =	vld [tilespmem:s14+$0xC4A0]  }
0x121: {  	v48 =	vld [tilespmem:s14+$0xC4B0];
	[tilespmem:s14+$0x14452] =	vst v44  }
0x122: {  	v49 =	vld [tilespmem:s14+$0xC4C0];
	[tilespmem:s14+$0x14462] =	vst.msk $0x3, v45  }
0x123: {  	v50 =	vld [tilespmem:s14+$0xC4D0];
	[tilespmem:s14+$0x14480] =	vst v46  }
0x124: {  	v51 =	vld [tilespmem:s14+$0xC4E0];
	[tilespmem:s14+$0x14490] =	vst v47  }
0x125: {  	[tilespmem:s14+$0x144A0] =	vst v3;
	v3 =	vld [tilespmem:s14+$0xC4F0]  }
0x126: {  	v52 =	vld [tilespmem:s14+$0xC500];
	[tilespmem:s14+$0x144B0] =	vst.msk $0x3, v48  }
0x127: {  	v53 =	vld [tilespmem:s14+$0xC510];
	[tilespmem:s14+$0x144B2] =	vst v49  }
0x128: {  	v54 =	vld [tilespmem:s14+$0xC520];
	[tilespmem:s14+$0x144C2] =	vst v50  }
0x129: {  	v55 =	vld [tilespmem:s14+$0xC530];
	[tilespmem:s14+$0x144D2] =	vst v51  }
0x12a: {  	[tilespmem:s14+$0x144E2] =	vst.msk $0x3, v3;
	v3 =	vld [tilespmem:s14+$0xC540]  }
0x12b: {  	v56 =	vld [tilespmem:s14+$0xC550];
	[tilespmem:s14+$0x14500] =	vst v52  }
0x12c: {  	v57 =	vld [tilespmem:s14+$0xC560];
	[tilespmem:s14+$0x14510] =	vst v53  }
0x12d: {  	v58 =	vld [tilespmem:s14+$0xC570];
	[tilespmem:s14+$0x14520] =	vst v54  }
0x12e: {  	v59 =	vld [tilespmem:s14+$0xC580];
	[tilespmem:s14+$0x14530] =	vst.msk $0x3, v55  }
0x12f: {  	[tilespmem:s14+$0x14532] =	vst v3;
	v3 =	vld [tilespmem:s14+$0xC590]  }
0x130: {  	v60 =	vld [tilespmem:s14+$0xC5A0];
	[tilespmem:s14+$0x14542] =	vst v56  }
0x131: {  	v61 =	vld [tilespmem:s14+$0xC5B0];
	[tilespmem:s14+$0x14552] =	vst v57  }
0x132: {  	v62 =	vld [tilespmem:s14+$0xC5C0];
	[tilespmem:s14+$0x14562] =	vst.msk $0x3, v58  }
0x133: {  	v63 =	vld [tilespmem:s14+$0xC5D0];
	[tilespmem:s14+$0x14580] =	vst v59  }
0x134: {  	[tilespmem:s14+$0x14590] =	vst v3;
	v3 =	vld [tilespmem:s14+$0xC5E0]  }
0x135: {  	[tilespmem:s14+$0x145A0] =	vst v60  }
0x136: {  	[tilespmem:s14+$0x145B0] =	vst.msk $0x3, v61  }
0x137: {  	s9 =	sadd.s32 $0x1, s9;
	[tilespmem:s14+$0x145B2] =	vst v62  }
0x138: {  	s13 =	sshll.u32 s2, $0xC;
	p0 =	sne.s32 s9, $0xF;
	[tilespmem:s14+$0x145C2] =	vst v63  }
.Ltmp5:
0x139: {  	s2 =	sadd.s32 s13, s4;
	s0 =	simm.s32 $0x0;
	[tilespmem:s14+$0x145D2] =	vst v3;
	(pc) =	sbr.rel @p0 .LBB2_4-.Ltmp5, $4  }
0x13a: {  	[hbm4b:s2+s0] =	stream.linear.scatter [tilespmem:s30], [sflag:$0x3], $0x8000, $0x38;
	[tilespmem:$0x1C400] =	vst v63  }
0x13b: {  	_ =	swait.ge [sflag:s10], $0x8000  }
0x13c: {  	s5 =	sadd.s32 $0x200, s5;
	s15 =	sadd.s32 $0x200, s15;
	[sflag:s10] =	ssyncset.done $0x0  }
0x13d: {  	s7 =	sadd.s32 $0x200, s7;
	s8 =	sadd.s32 $0x200, s8;
	[sflag:s10] =	ssyncadd.s32 $0xFFFF8000  }
0x13e: {  	s1 =	simm.s32 $0x1F00  }
0x13f: {  	s2 =	simm.s32 $0x3F00;
	v5 =	vor.u32 s0, v0;
	v3 =	vld [tilespmem:s1+$0x0]  }
0x140: {  	s5 =	simm.s32 $0x20;
	v4 =	vld [tilespmem:s2+$0x0];
	v5 =	vand.u32 v1, v5  }
.LBB2_14:
0x141: {  	p0 =	sne.s32 s5, $0x1E0;
	v6 =	vor.u32 s0, v2;
	s0 =	smov.u32 s5;
	_ =	sdelay $0x2  }
.Ltmp6:
0x142: {  	(pc) =	sbr.rel @p0 .LBB2_14-.Ltmp6, $4  }
0x143: {  	v4 =	vadd.s32 $0x2EE0, v4;
	[tilespmem:v5+s20+$0x0] =	vst.idx.msk $0xffff, v3  }
0x144: {  	s1 =	sadd.s32 $0x10, s1;
	[tilespmem:v6+s20+$0x0] =	vst.idx.msk $0xffff, v4  }
0x145: {  	s2 =	sadd.s32 $0x10, s2;
	v5 =	vor.u32 s5, v0;
	v3 =	vld [tilespmem:s1+$0x0]  }
0x146: {  	s5 =	sadd.s32 $0x20, s5;
	v5 =	vand.u32 v1, v5;
	v4 =	vld [tilespmem:s2+$0x0]  }
0x147: {  	v6 =	vor.u32 s0, v2;
	_ =	sdelay $0x3  }
0x148: {  	[tilespmem:v5+s20+$0x0] =	vst.idx.msk $0xffff, v3;
	v4 =	vadd.s32 $0x2EE0, v4  }
0x149: {  	[tilespmem:v6+s20+$0x0] =	vst.idx.msk $0xffff, v4  }
0x14a: {  	[tilespmem:s21], [sflag:$0x2] =	stream.indirect.gather [hbm4b:s3+s12], $0x40, s20, s12, $0xb8;
	[tilespmem:$0x1C400] =	vst v63  }
0x14b: {  	_ = 	snop  }
0x14c: {  	[tilespmem:s23], [sflag:$0x2] =	stream.indirect.gather [hbm4b:s3+s12], $0x40, s22, s12, $0xb8;
	[tilespmem:$0x1C400] =	vst v63  }
0x14d: {  	_ = 	snop  }
0x14e: {  	[tilespmem:s25], [sflag:$0x2] =	stream.indirect.gather [hbm4b:s3+s12], $0x40, s24, s12, $0xb8;
	[tilespmem:$0x1C400] =	vst v63  }
0x14f: {  	_ = 	snop  }
0x150: {  	[tilespmem:s28], [sflag:$0x2] =	stream.indirect.gather [hbm4b:s3+s12], $0x40, s26, s12, $0xb8;
	[tilespmem:$0x1C400] =	vst v63  }
0x151: {  	_ =	swait.ge [sflag:s29], $0x2000  }
0x152: {  	[sflag:s29] =	ssyncset.done $0x0  }
0x153: {  	[sflag:s29] =	ssyncadd.s32 $0xFFFFE000  }
0x154: {  	_ =	swait.ge [sflag:s29], $0x2000  }
0x155: {  	[sflag:s29] =	ssyncset.done $0x0  }
0x156: {  	[sflag:s29] =	ssyncadd.s32 $0xFFFFE000  }
0x157: {  	_ =	swait.ge [sflag:s29], $0x2000  }
0x158: {  	[sflag:s29] =	ssyncset.done $0x0  }
0x159: {  	[sflag:s29] =	ssyncadd.s32 $0xFFFFE000  }
0x15a: {  	_ =	swait.ge [sflag:s29], $0x2000  }
0x15b: {  	[sflag:s29] =	ssyncset.done $0x0  }
0x15c: {  	s0 =	simm.s32 $0x0;
	[sflag:s29] =	ssyncadd.s32 $0xFFFFE000  }
0x15d: {  	v3 =	vld [tilespmem:s0+$0x45F0]  }
0x15e: {  	v4 =	vld [tilespmem:s0+$0x4400]  }
0x15f: {  	v5 =	vld [tilespmem:s0+$0x4410]  }
0x160: {  	v6 =	vld [tilespmem:s0+$0x4420]  }
0x161: {  	v7 =	vld [tilespmem:s0+$0x4430]  }
0x162: {  	v8 =	vld [tilespmem:s0+$0x4440];
	[tilespmem:s0+$0x145E2] =	vst.msk $0x3, v3  }
0x163: {  	[tilespmem:s0+$0x14400] =	vst v4;
	v3 =	vld [tilespmem:s0+$0x4450]  }
0x164: {  	[tilespmem:s0+$0x14410] =	vst v5;
	v4 =	vld [tilespmem:s0+$0x4460]  }
0x165: {  	[tilespmem:s0+$0x14420] =	vst v6;
	v5 =	vld [tilespmem:s0+$0x4470]  }
0x166: {  	[tilespmem:s0+$0x14430] =	vst.msk $0x3, v7;
	v6 =	vld [tilespmem:s0+$0x4480]  }
0x167: {  	[tilespmem:s0+$0x14432] =	vst v8;
	v7 =	vld [tilespmem:s0+$0x4490]  }
0x168: {  	v8 =	vld [tilespmem:s0+$0x4590];
	[tilespmem:s0+$0x14442] =	vst v3  }
0x169: {  	v3 =	vld [tilespmem:s0+$0x44A0];
	[tilespmem:s0+$0x14452] =	vst v4  }
0x16a: {  	v4 =	vld [tilespmem:s0+$0x44B0];
	[tilespmem:s0+$0x14462] =	vst.msk $0x3, v5  }
0x16b: {  	v5 =	vld [tilespmem:s0+$0x44C0];
	[tilespmem:s0+$0x14480] =	vst v6  }
0x16c: {  	v6 =	vld [tilespmem:s0+$0x44D0];
	[tilespmem:s0+$0x14490] =	vst v7  }
0x16d: {  	v7 =	vld [tilespmem:s0+$0x44E0];
	[tilespmem:s0+$0x14590] =	vst v8  }
0x16e: {  	[tilespmem:s0+$0x144A0] =	vst v3;
	v3 =	vld [tilespmem:s0+$0x44F0]  }
0x16f: {  	[tilespmem:s0+$0x144B0] =	vst.msk $0x3, v4;
	v4 =	vld [tilespmem:s0+$0x4500]  }
0x170: {  	[tilespmem:s0+$0x144B2] =	vst v5;
	v5 =	vld [tilespmem:s0+$0x4510]  }
0x171: {  	[tilespmem:s0+$0x144C2] =	vst v6;
	v6 =	vld [tilespmem:s0+$0x4520]  }
0x172: {  	[tilespmem:s0+$0x144D2] =	vst v7;
	v7 =	vld [tilespmem:s0+$0x4530]  }
0x173: {  	[tilespmem:s0+$0x144E2] =	vst.msk $0x3, v3;
	v3 =	vld [tilespmem:s0+$0x4540]  }
0x174: {  	[tilespmem:s0+$0x14500] =	vst v4;
	v4 =	vld [tilespmem:s0+$0x4550]  }
0x175: {  	[tilespmem:s0+$0x14510] =	vst v5;
	v5 =	vld [tilespmem:s0+$0x4560]  }
0x176: {  	[tilespmem:s0+$0x14520] =	vst v6;
	v6 =	vld [tilespmem:s0+$0x4570]  }
0x177: {  	[tilespmem:s0+$0x14530] =	vst.msk $0x3, v7;
	v7 =	vld [tilespmem:s0+$0x4580]  }
0x178: {  	[tilespmem:s0+$0x14532] =	vst v3;
	v3 =	vld [tilespmem:s0+$0x45A0]  }
0x179: {  	[tilespmem:s0+$0x14542] =	vst v4;
	v4 =	vld [tilespmem:s0+$0x45B0]  }
0x17a: {  	[tilespmem:s0+$0x14552] =	vst v5;
	v5 =	vld [tilespmem:s0+$0x45C0]  }
0x17b: {  	[tilespmem:s0+$0x14562] =	vst.msk $0x3, v6;
	v6 =	vld [tilespmem:s0+$0x45D0]  }
0x17c: {  	s2 =	simm.s32 $0x200;
	s1 =	simm.s32 $0x1000;
	s8 =	simm.s32 $0x0;
	[tilespmem:s0+$0x14580] =	vst v7;
	v7 =	vld [tilespmem:s0+$0x45E0]  }
.LBB2_16:
0x17d: {  	p0 =	sne.s32 s1, $0x1F800;
	v8 =	vld [tilespmem:s2+$0x45F0];
	[tilespmem:s0+$0x145A0] =	vst v3  }
0x17e: {  	v3 =	vld [tilespmem:s2+$0x4400];
	[tilespmem:s0+$0x145B0] =	vst.msk $0x3, v4  }
0x17f: {  	v4 =	vld [tilespmem:s2+$0x4410];
	[tilespmem:s0+$0x145B2] =	vst v5  }
0x180: {  	v5 =	vld [tilespmem:s2+$0x4420];
	[tilespmem:s0+$0x145C2] =	vst v6  }
0x181: {  	v6 =	vld [tilespmem:s2+$0x4430];
	[tilespmem:s0+$0x145D2] =	vst v7;
	s0 =	smov.u32 s2  }
0x182: {  	v7 =	vld [tilespmem:s0+$0x4440];
	[tilespmem:s0+$0x145E2] =	vst.msk $0x3, v8  }
0x183: {  	[tilespmem:s0+$0x14400] =	vst v3;
	v3 =	vld [tilespmem:s0+$0x4450]  }
0x184: {  	[tilespmem:s0+$0x14410] =	vst v4;
	v4 =	vld [tilespmem:s0+$0x4460]  }
0x185: {  	[tilespmem:s0+$0x14420] =	vst v5;
	v5 =	vld [tilespmem:s0+$0x4470]  }
0x186: {  	[tilespmem:s0+$0x14430] =	vst.msk $0x3, v6;
	v6 =	vld [tilespmem:s0+$0x4480]  }
0x187: {  	[tilespmem:s0+$0x14432] =	vst v7;
	v7 =	vld [tilespmem:s0+$0x4490]  }
0x188: {  	[tilespmem:s0+$0x14442] =	vst v3;
	v3 =	vld [tilespmem:s0+$0x44A0]  }
0x189: {  	[tilespmem:s0+$0x14452] =	vst v4;
	v4 =	vld [tilespmem:s0+$0x44B0]  }
0x18a: {  	[tilespmem:s0+$0x14462] =	vst.msk $0x3, v5;
	v5 =	vld [tilespmem:s0+$0x44C0]  }
0x18b: {  	[tilespmem:s0+$0x14480] =	vst v6;
	v6 =	vld [tilespmem:s0+$0x44D0]  }
0x18c: {  	[tilespmem:s0+$0x14490] =	vst v7;
	v7 =	vld [tilespmem:s0+$0x44E0]  }
0x18d: {  	[tilespmem:s0+$0x144A0] =	vst v3;
	v3 =	vld [tilespmem:s0+$0x44F0]  }
0x18e: {  	[tilespmem:s0+$0x144B0] =	vst.msk $0x3, v4;
	v4 =	vld [tilespmem:s0+$0x4500]  }
0x18f: {  	[tilespmem:s0+$0x144B2] =	vst v5;
	v5 =	vld [tilespmem:s0+$0x4510]  }
0x190: {  	[tilespmem:s0+$0x144C2] =	vst v6;
	v6 =	vld [tilespmem:s0+$0x4520]  }
0x191: {  	[tilespmem:s0+$0x144D2] =	vst v7;
	v7 =	vld [tilespmem:s0+$0x4530]  }
0x192: {  	[tilespmem:s0+$0x144E2] =	vst.msk $0x3, v3;
	v3 =	vld [tilespmem:s0+$0x4540]  }
0x193: {  	[tilespmem:s0+$0x14500] =	vst v4;
	v4 =	vld [tilespmem:s0+$0x4550]  }
0x194: {  	[tilespmem:s0+$0x14510] =	vst v5;
	v5 =	vld [tilespmem:s0+$0x4560]  }
0x195: {  	[tilespmem:s0+$0x14520] =	vst v6;
	v6 =	vld [tilespmem:s0+$0x4570]  }
0x196: {  	[tilespmem:s0+$0x14530] =	vst.msk $0x3, v7;
	v7 =	vld [tilespmem:s0+$0x4580]  }
0x197: {  	[tilespmem:s0+$0x14532] =	vst v3;
	v8 =	vld [tilespmem:s0+$0x4590]  }
.Ltmp7:
0x198: {  	[tilespmem:s0+$0x14542] =	vst v4;
	v3 =	vld [tilespmem:s0+$0x45A0];
	(pc) =	sbr.rel @p0 .LBB2_16-.Ltmp7, $4  }
0x199: {  	[tilespmem:s0+$0x14552] =	vst v5;
	v4 =	vld [tilespmem:s0+$0x45B0]  }
0x19a: {  	[tilespmem:s0+$0x14562] =	vst.msk $0x3, v6;
	v5 =	vld [tilespmem:s0+$0x45C0]  }
0x19b: {  	[tilespmem:s0+$0x14580] =	vst v7;
	v6 =	vld [tilespmem:s0+$0x45D0]  }
0x19c: {  	s2 =	sshra.s32 s1, $0x2;
	s1 =	sadd.s32 $0x800, s1;
	[tilespmem:s0+$0x14590] =	vst v8;
	v7 =	vld [tilespmem:s0+$0x45E0]  }
0x19d: {  	v8 =	vld [tilespmem:s2+$0x45F0];
	[tilespmem:s0+$0x145A0] =	vst v3  }
0x19e: {  	v3 =	vld [tilespmem:s2+$0x4400];
	[tilespmem:s0+$0x145B0] =	vst.msk $0x3, v4  }
0x19f: {  	v4 =	vld [tilespmem:s2+$0x4410];
	[tilespmem:s0+$0x145B2] =	vst v5  }
0x1a0: {  	v5 =	vld [tilespmem:s2+$0x4420];
	[tilespmem:s0+$0x145C2] =	vst v6  }
0x1a1: {  	v6 =	vld [tilespmem:s2+$0x4430];
	[tilespmem:s0+$0x145D2] =	vst v7  }
0x1a2: {  	v7 =	vld [tilespmem:s2+$0x4440];
	[tilespmem:s2+$0x145E2] =	vst.msk $0x3, v8  }
0x1a3: {  	[tilespmem:s2+$0x14400] =	vst v3;
	v3 =	vld [tilespmem:s2+$0x4450]  }
0x1a4: {  	[tilespmem:s2+$0x14410] =	vst v4;
	v4 =	vld [tilespmem:s2+$0x4460]  }
0x1a5: {  	[tilespmem:s2+$0x14420] =	vst v5;
	v5 =	vld [tilespmem:s2+$0x4470]  }
0x1a6: {  	[tilespmem:s2+$0x14430] =	vst.msk $0x3, v6;
	v6 =	vld [tilespmem:s2+$0x4480]  }
0x1a7: {  	[tilespmem:s2+$0x14432] =	vst v7;
	v7 =	vld [tilespmem:s2+$0x4490]  }
0x1a8: {  	[tilespmem:s2+$0x14442] =	vst v3;
	v3 =	vld [tilespmem:s2+$0x44A0]  }
0x1a9: {  	[tilespmem:s2+$0x14452] =	vst v4;
	v4 =	vld [tilespmem:s2+$0x44B0]  }
0x1aa: {  	[tilespmem:s2+$0x14462] =	vst.msk $0x3, v5;
	v5 =	vld [tilespmem:s2+$0x44C0]  }
0x1ab: {  	[tilespmem:s2+$0x14480] =	vst v6;
	v6 =	vld [tilespmem:s2+$0x44D0]  }
0x1ac: {  	[tilespmem:s2+$0x14490] =	vst v7;
	v7 =	vld [tilespmem:s2+$0x44E0]  }
0x1ad: {  	[tilespmem:s2+$0x144A0] =	vst v3;
	v3 =	vld [tilespmem:s2+$0x44F0]  }
0x1ae: {  	[tilespmem:s2+$0x144B0] =	vst.msk $0x3, v4;
	v4 =	vld [tilespmem:s2+$0x4500]  }
0x1af: {  	[tilespmem:s2+$0x144B2] =	vst v5;
	v5 =	vld [tilespmem:s2+$0x4510]  }
0x1b0: {  	[tilespmem:s2+$0x144C2] =	vst v6;
	v6 =	vld [tilespmem:s2+$0x4520]  }
0x1b1: {  	[tilespmem:s2+$0x144D2] =	vst v7;
	v7 =	vld [tilespmem:s2+$0x4530]  }
0x1b2: {  	[tilespmem:s2+$0x144E2] =	vst.msk $0x3, v3;
	v3 =	vld [tilespmem:s2+$0x4540]  }
0x1b3: {  	[tilespmem:s2+$0x14500] =	vst v4;
	v4 =	vld [tilespmem:s2+$0x4550]  }
0x1b4: {  	[tilespmem:s2+$0x14510] =	vst v5;
	v5 =	vld [tilespmem:s2+$0x4560]  }
0x1b5: {  	[tilespmem:s2+$0x14520] =	vst v6;
	v6 =	vld [tilespmem:s2+$0x4570]  }
0x1b6: {  	[tilespmem:s2+$0x14530] =	vst.msk $0x3, v7;
	v7 =	vld [tilespmem:s2+$0x4580]  }
0x1b7: {  	[tilespmem:s2+$0x14532] =	vst v3;
	v3 =	vld [tilespmem:s2+$0x4590]  }
0x1b8: {  	[tilespmem:s2+$0x14542] =	vst v4;
	v4 =	vld [tilespmem:s2+$0x45A0]  }
0x1b9: {  	[tilespmem:s2+$0x14552] =	vst v5;
	v5 =	vld [tilespmem:s2+$0x45B0]  }
0x1ba: {  	[tilespmem:s2+$0x14562] =	vst.msk $0x3, v6;
	v6 =	vld [tilespmem:s2+$0x45C0]  }
0x1bb: {  	[tilespmem:s2+$0x14580] =	vst v7;
	v7 =	vld [tilespmem:s2+$0x45D0]  }
0x1bc: {  	[tilespmem:s2+$0x14590] =	vst v3;
	v3 =	vld [tilespmem:s2+$0x45E0]  }
0x1bd: {  	[tilespmem:s2+$0x145A0] =	vst v4  }
0x1be: {  	[tilespmem:s2+$0x145B0] =	vst.msk $0x3, v5  }
0x1bf: {  	[tilespmem:s2+$0x145B2] =	vst v6  }
0x1c0: {  	[tilespmem:s2+$0x145C2] =	vst v7  }
0x1c1: {  	s15 =	simm.s32 $0x0;
	s1 =	rddreg [dreg:$0x7];
	[tilespmem:s2+$0x145D2] =	vst v3  }
0x1c2: {  	[hbm4b:s1+s15] =	stream.linear.scatter [tilespmem:s30], [sflag:$0x3], $0x8000, $0x38;
	[tilespmem:$0x1C400] =	vst v63  }
0x1c3: {  	_ =	swait.ge [sflag:s10], $0x8000  }
0x1c4: {  	[sflag:s10] =	ssyncset.done $0x0  }
0x1c5: {  	[sflag:s10] =	ssyncadd.s32 $0xFFFF8000  }
0x1c6: {  	_ =	swait.ge [sflag:s31], $0x2000  }
0x1c7: {  	[sflag:s31] =	ssyncset.done $0x0  }
0x1c8: {  	[sflag:s31] =	ssyncadd.s32 $0xFFFFE000  }
0x1c9: {  	_ =	swait.ge [sflag:s31], $0x2000  }
0x1ca: {  	[sflag:s31] =	ssyncset.done $0x0  }
0x1cb: {  	[sflag:s31] =	ssyncadd.s32 $0xFFFFE000  }
0x1cc: {  	_ =	swait.ge [sflag:s31], $0x2000  }
0x1cd: {  	[sflag:s31] =	ssyncset.done $0x0  }
0x1ce: {  	[sflag:s31] =	ssyncadd.s32 $0xFFFFE000  }
0x1cf: {  	_ =	swait.ge [sflag:s31], $0x2000  }
0x1d0: {  	[sflag:s31] =	ssyncset.done $0x0  }
0x1d1: {  	s0 =	simm.s32 $0x0;
	[sflag:s31] =	ssyncadd.s32 $0xFFFFE000  }
0x1d2: {  	v3 =	vld [tilespmem:s0+$0xC5F0]  }
0x1d3: {  	v4 =	vld [tilespmem:s0+$0xC400]  }
0x1d4: {  	v5 =	vld [tilespmem:s0+$0xC410]  }
0x1d5: {  	v6 =	vld [tilespmem:s0+$0xC420]  }
0x1d6: {  	v7 =	vld [tilespmem:s0+$0xC430]  }
0x1d7: {  	v8 =	vld [tilespmem:s0+$0xC440];
	[tilespmem:s0+$0x145E2] =	vst.msk $0x3, v3  }
0x1d8: {  	[tilespmem:s0+$0x14400] =	vst v4;
	v3 =	vld [tilespmem:s0+$0xC450]  }
0x1d9: {  	[tilespmem:s0+$0x14410] =	vst v5;
	v4 =	vld [tilespmem:s0+$0xC460]  }
0x1da: {  	[tilespmem:s0+$0x14420] =	vst v6;
	v5 =	vld [tilespmem:s0+$0xC470]  }
0x1db: {  	[tilespmem:s0+$0x14430] =	vst.msk $0x3, v7;
	v6 =	vld [tilespmem:s0+$0xC480]  }
0x1dc: {  	[tilespmem:s0+$0x14432] =	vst v8;
	v7 =	vld [tilespmem:s0+$0xC490]  }
0x1dd: {  	v8 =	vld [tilespmem:s0+$0xC590];
	[tilespmem:s0+$0x14442] =	vst v3  }
0x1de: {  	v3 =	vld [tilespmem:s0+$0xC4A0];
	[tilespmem:s0+$0x14452] =	vst v4  }
0x1df: {  	v4 =	vld [tilespmem:s0+$0xC4B0];
	[tilespmem:s0+$0x14462] =	vst.msk $0x3, v5  }
0x1e0: {  	v5 =	vld [tilespmem:s0+$0xC4C0];
	[tilespmem:s0+$0x14480] =	vst v6  }
0x1e1: {  	v6 =	vld [tilespmem:s0+$0xC4D0];
	[tilespmem:s0+$0x14490] =	vst v7  }
0x1e2: {  	v7 =	vld [tilespmem:s0+$0xC4E0];
	[tilespmem:s0+$0x14590] =	vst v8  }
0x1e3: {  	[tilespmem:s0+$0x144A0] =	vst v3;
	v3 =	vld [tilespmem:s0+$0xC4F0]  }
0x1e4: {  	[tilespmem:s0+$0x144B0] =	vst.msk $0x3, v4;
	v4 =	vld [tilespmem:s0+$0xC500]  }
0x1e5: {  	[tilespmem:s0+$0x144B2] =	vst v5;
	v5 =	vld [tilespmem:s0+$0xC510]  }
0x1e6: {  	[tilespmem:s0+$0x144C2] =	vst v6;
	v6 =	vld [tilespmem:s0+$0xC520]  }
0x1e7: {  	[tilespmem:s0+$0x144D2] =	vst v7;
	v7 =	vld [tilespmem:s0+$0xC530]  }
0x1e8: {  	[tilespmem:s0+$0x144E2] =	vst.msk $0x3, v3;
	v3 =	vld [tilespmem:s0+$0xC540]  }
0x1e9: {  	[tilespmem:s0+$0x14500] =	vst v4;
	v4 =	vld [tilespmem:s0+$0xC550]  }
0x1ea: {  	[tilespmem:s0+$0x14510] =	vst v5;
	v5 =	vld [tilespmem:s0+$0xC560]  }
0x1eb: {  	[tilespmem:s0+$0x14520] =	vst v6;
	v6 =	vld [tilespmem:s0+$0xC570]  }
0x1ec: {  	[tilespmem:s0+$0x14530] =	vst.msk $0x3, v7;
	v7 =	vld [tilespmem:s0+$0xC580]  }
0x1ed: {  	[tilespmem:s0+$0x14532] =	vst v3;
	v3 =	vld [tilespmem:s0+$0xC5A0]  }
0x1ee: {  	[tilespmem:s0+$0x14542] =	vst v4;
	v4 =	vld [tilespmem:s0+$0xC5B0]  }
0x1ef: {  	[tilespmem:s0+$0x14552] =	vst v5;
	v5 =	vld [tilespmem:s0+$0xC5C0]  }
0x1f0: {  	[tilespmem:s0+$0x14562] =	vst.msk $0x3, v6;
	v6 =	vld [tilespmem:s0+$0xC5D0]  }
0x1f1: {  	s2 =	simm.s32 $0x200;
	s1 =	simm.s32 $0x1000;
	[tilespmem:s0+$0x14580] =	vst v7;
	v7 =	vld [tilespmem:s0+$0xC5E0]  }
.LBB2_18:
0x1f2: {  	p0 =	sne.s32 s1, $0x1F800;
	v8 =	vld [tilespmem:s2+$0xC5F0];
	[tilespmem:s0+$0x145A0] =	vst v3  }
0x1f3: {  	v3 =	vld [tilespmem:s2+$0xC400];
	[tilespmem:s0+$0x145B0] =	vst.msk $0x3, v4  }
0x1f4: {  	v4 =	vld [tilespmem:s2+$0xC410];
	[tilespmem:s0+$0x145B2] =	vst v5  }
0x1f5: {  	v5 =	vld [tilespmem:s2+$0xC420];
	[tilespmem:s0+$0x145C2] =	vst v6  }
0x1f6: {  	v6 =	vld [tilespmem:s2+$0xC430];
	[tilespmem:s0+$0x145D2] =	vst v7;
	s0 =	smov.u32 s2  }
0x1f7: {  	v7 =	vld [tilespmem:s0+$0xC440];
	[tilespmem:s0+$0x145E2] =	vst.msk $0x3, v8  }
0x1f8: {  	[tilespmem:s0+$0x14400] =	vst v3;
	v3 =	vld [tilespmem:s0+$0xC450]  }
0x1f9: {  	[tilespmem:s0+$0x14410] =	vst v4;
	v4 =	vld [tilespmem:s0+$0xC460]  }
0x1fa: {  	[tilespmem:s0+$0x14420] =	vst v5;
	v5 =	vld [tilespmem:s0+$0xC470]  }
0x1fb: {  	[tilespmem:s0+$0x14430] =	vst.msk $0x3, v6;
	v6 =	vld [tilespmem:s0+$0xC480]  }
0x1fc: {  	[tilespmem:s0+$0x14432] =	vst v7;
	v7 =	vld [tilespmem:s0+$0xC490]  }
0x1fd: {  	[tilespmem:s0+$0x14442] =	vst v3;
	v3 =	vld [tilespmem:s0+$0xC4A0]  }
0x1fe: {  	[tilespmem:s0+$0x14452] =	vst v4;
	v4 =	vld [tilespmem:s0+$0xC4B0]  }
0x1ff: {  	[tilespmem:s0+$0x14462] =	vst.msk $0x3, v5;
	v5 =	vld [tilespmem:s0+$0xC4C0]  }
0x200: {  	[tilespmem:s0+$0x14480] =	vst v6;
	v6 =	vld [tilespmem:s0+$0xC4D0]  }
0x201: {  	[tilespmem:s0+$0x14490] =	vst v7;
	v7 =	vld [tilespmem:s0+$0xC4E0]  }
0x202: {  	[tilespmem:s0+$0x144A0] =	vst v3;
	v3 =	vld [tilespmem:s0+$0xC4F0]  }
0x203: {  	[tilespmem:s0+$0x144B0] =	vst.msk $0x3, v4;
	v4 =	vld [tilespmem:s0+$0xC500]  }
0x204: {  	[tilespmem:s0+$0x144B2] =	vst v5;
	v5 =	vld [tilespmem:s0+$0xC510]  }
0x205: {  	[tilespmem:s0+$0x144C2] =	vst v6;
	v6 =	vld [tilespmem:s0+$0xC520]  }
0x206: {  	[tilespmem:s0+$0x144D2] =	vst v7;
	v7 =	vld [tilespmem:s0+$0xC530]  }
0x207: {  	[tilespmem:s0+$0x144E2] =	vst.msk $0x3, v3;
	v3 =	vld [tilespmem:s0+$0xC540]  }
0x208: {  	[tilespmem:s0+$0x14500] =	vst v4;
	v4 =	vld [tilespmem:s0+$0xC550]  }
0x209: {  	[tilespmem:s0+$0x14510] =	vst v5;
	v5 =	vld [tilespmem:s0+$0xC560]  }
0x20a: {  	[tilespmem:s0+$0x14520] =	vst v6;
	v6 =	vld [tilespmem:s0+$0xC570]  }
0x20b: {  	[tilespmem:s0+$0x14530] =	vst.msk $0x3, v7;
	v7 =	vld [tilespmem:s0+$0xC580]  }
0x20c: {  	[tilespmem:s0+$0x14532] =	vst v3;
	v8 =	vld [tilespmem:s0+$0xC590]  }
.Ltmp8:
0x20d: {  	[tilespmem:s0+$0x14542] =	vst v4;
	v3 =	vld [tilespmem:s0+$0xC5A0];
	(pc) =	sbr.rel @p0 .LBB2_18-.Ltmp8, $4  }
0x20e: {  	[tilespmem:s0+$0x14552] =	vst v5;
	v4 =	vld [tilespmem:s0+$0xC5B0]  }
0x20f: {  	[tilespmem:s0+$0x14562] =	vst.msk $0x3, v6;
	v5 =	vld [tilespmem:s0+$0xC5C0]  }
0x210: {  	[tilespmem:s0+$0x14580] =	vst v7;
	v6 =	vld [tilespmem:s0+$0xC5D0]  }
0x211: {  	s2 =	sshra.s32 s1, $0x2;
	s1 =	sadd.s32 $0x800, s1;
	[tilespmem:s0+$0x14590] =	vst v8;
	v7 =	vld [tilespmem:s0+$0xC5E0]  }
0x212: {  	v8 =	vld [tilespmem:s2+$0xC5F0];
	[tilespmem:s0+$0x145A0] =	vst v3  }
0x213: {  	v3 =	vld [tilespmem:s2+$0xC400];
	[tilespmem:s0+$0x145B0] =	vst.msk $0x3, v4  }
0x214: {  	v4 =	vld [tilespmem:s2+$0xC410];
	[tilespmem:s0+$0x145B2] =	vst v5  }
0x215: {  	v5 =	vld [tilespmem:s2+$0xC420];
	[tilespmem:s0+$0x145C2] =	vst v6  }
0x216: {  	v6 =	vld [tilespmem:s2+$0xC430];
	[tilespmem:s0+$0x145D2] =	vst v7  }
0x217: {  	v7 =	vld [tilespmem:s2+$0xC440];
	[tilespmem:s2+$0x145E2] =	vst.msk $0x3, v8  }
0x218: {  	[tilespmem:s2+$0x14400] =	vst v3;
	v3 =	vld [tilespmem:s2+$0xC450]  }
0x219: {  	v44 =	vld [tilespmem:s2+$0xC460];
	[tilespmem:s2+$0x14410] =	vst v4  }
0x21a: {  	v45 =	vld [tilespmem:s2+$0xC470];
	[tilespmem:s2+$0x14420] =	vst v5  }
0x21b: {  	v46 =	vld [tilespmem:s2+$0xC480];
	[tilespmem:s2+$0x14430] =	vst.msk $0x3, v6  }
0x21c: {  	v47 =	vld [tilespmem:s2+$0xC490];
	[tilespmem:s2+$0x14432] =	vst v7  }
0x21d: {  	[tilespmem:s2+$0x14442] =	vst v3;
	v3 =	vld [tilespmem:s2+$0xC4A0]  }
0x21e: {  	v48 =	vld [tilespmem:s2+$0xC4B0];
	[tilespmem:s2+$0x14452] =	vst v44  }
0x21f: {  	v49 =	vld [tilespmem:s2+$0xC4C0];
	[tilespmem:s2+$0x14462] =	vst.msk $0x3, v45  }
0x220: {  	v50 =	vld [tilespmem:s2+$0xC4D0];
	[tilespmem:s2+$0x14480] =	vst v46  }
0x221: {  	v51 =	vld [tilespmem:s2+$0xC4E0];
	[tilespmem:s2+$0x14490] =	vst v47  }
0x222: {  	[tilespmem:s2+$0x144A0] =	vst v3;
	v3 =	vld [tilespmem:s2+$0xC4F0]  }
0x223: {  	v52 =	vld [tilespmem:s2+$0xC500];
	[tilespmem:s2+$0x144B0] =	vst.msk $0x3, v48  }
0x224: {  	v53 =	vld [tilespmem:s2+$0xC510];
	[tilespmem:s2+$0x144B2] =	vst v49  }
0x225: {  	v54 =	vld [tilespmem:s2+$0xC520];
	[tilespmem:s2+$0x144C2] =	vst v50  }
0x226: {  	v55 =	vld [tilespmem:s2+$0xC530];
	[tilespmem:s2+$0x144D2] =	vst v51  }
0x227: {  	[tilespmem:s2+$0x144E2] =	vst.msk $0x3, v3;
	v3 =	vld [tilespmem:s2+$0xC540]  }
0x228: {  	v56 =	vld [tilespmem:s2+$0xC550];
	[tilespmem:s2+$0x14500] =	vst v52  }
0x229: {  	v57 =	vld [tilespmem:s2+$0xC560];
	[tilespmem:s2+$0x14510] =	vst v53  }
0x22a: {  	v58 =	vld [tilespmem:s2+$0xC570];
	[tilespmem:s2+$0x14520] =	vst v54  }
0x22b: {  	v59 =	vld [tilespmem:s2+$0xC580];
	[tilespmem:s2+$0x14530] =	vst.msk $0x3, v55  }
0x22c: {  	[tilespmem:s2+$0x14532] =	vst v3;
	v3 =	vld [tilespmem:s2+$0xC590]  }
0x22d: {  	v60 =	vld [tilespmem:s2+$0xC5A0];
	[tilespmem:s2+$0x14542] =	vst v56  }
0x22e: {  	v61 =	vld [tilespmem:s2+$0xC5B0];
	[tilespmem:s2+$0x14552] =	vst v57  }
0x22f: {  	v62 =	vld [tilespmem:s2+$0xC5C0];
	[tilespmem:s2+$0x14562] =	vst.msk $0x3, v58  }
0x230: {  	v63 =	vld [tilespmem:s2+$0xC5D0];
	[tilespmem:s2+$0x14580] =	vst v59  }
0x231: {  	[tilespmem:s2+$0x14590] =	vst v3;
	v3 =	vld [tilespmem:s2+$0xC5E0]  }
0x232: {  	[tilespmem:s2+$0x145A0] =	vst v60  }
0x233: {  	[tilespmem:s2+$0x145B0] =	vst.msk $0x3, v61  }
0x234: {  	[tilespmem:s2+$0x145B2] =	vst v62  }
0x235: {  	[tilespmem:s2+$0x145C2] =	vst v63  }
0x236: {  	s14 =	rddreg [dreg:$0x8];
	[tilespmem:s2+$0x145D2] =	vst v3  }
0x237: {  	[hbm4b:s14+s8] =	stream.linear.scatter [tilespmem:s30], [sflag:$0x3], $0x8000, $0x38;
	[tilespmem:$0x1C400] =	vst v63  }
0x238: {  	_ =	swait.ge [sflag:s10], $0x8000  }
0x239: {  	s1 =	rddreg [dreg:$0xa]  }
0x23a: {  	s15 =	rddreg [dreg:$0x9];
	s1 =	sadd.s32 $0x1, s1  }
0x23b: {  	p0 =	sne.s32 s1, s15  }
.Ltmp9:
0x23c: {  	_ = 	snop;
	(pc) =	sbr.rel @p0 .LBB2_1-.Ltmp9, $3  }
0x23d: {  	_ =	sdelay $0x1  }
0x23e: {  	[sflag:s10] =	ssyncset.done $0x0  }
0x23f: {  	[sflag:s10] =	ssyncadd.s32 $0xFFFF8000  }
0x240: {  	_ =	sfence.sel $0x180000  }
0x241: {  	[bflag:$0x0] =	sbarrier.arrive $0xFFFF  }
0x242: {  	_ =	strace $0x90000047  }
0x243: {  	s0 =	stileid.u32;
	[bflag:$0x2] =	sbarrier.arrive $0xFFFF  }
0x244: {  	p0 =	sne.s32 s0, $0x0;
	s0 =	rddreg [dreg:$0x4]  }
0x245: {  	s0 =	sadd.s32 @!p0 $0x100000, s0  }
0x246: {  	[sflag:s0] =	ssyncadd.tile.s32 @!p0 $0x1;
	_ =	shalt  }
.Lfunc_end2:
_tile_overlayer_lowered:
.L_overlay_start_2:
0x247: {  	(tag) =	ssettag $0x2  }
0x248: {  	s0 =	rddreg [dreg:$0x0];
	s2 =	stileid.u32  }
0x249: {  	s1 =	rddreg [dreg:$0x1];
	p0 =	sne.s32 s2, $0x0  }
0x24a: {  	s3 =	rddreg [dreg:$0x2];
	[bflag:$0x3] =	sbarrier.arrive $0xFFFF;
	s2 =	simm.s32 @!p0 $0x1C03  }
0x24b: {  	[timem:s3], [sflag:s2] =	dma.local @!p0 [hbm:s0], s1  }
0x24c: {  	s0 =	simm.s32 @!p0 $0x3  }
0x24d: {  	_ =	swait.ge @!p0 [sflag:s0], s1  }
0x24e: {  	s1 =	ssub.s32 @!p0 $0x0, s1;
	[sflag:s0] =	ssyncset.done @!p0 $0x0  }
0x24f: {  	[sflag:s0] =	ssyncadd.s32 @!p0 s1  }
0x250: {  	[bflag:$0x3] =	sbarrier.arrive $0xFFFF  }
0x251: {  	_ =	shalt  }

</sc_bundles>
